<compile_context>
chip_gen: v7x
topology: tpu7x:2x2x1
jax: 0.10.2.dev20260603
libtpu: 0.0.44.dev20260713+nightly
codegen_flags: <defaults>
</compile_context>

<pallas_src>
import functools

import jax
import jax.numpy as jnp
from jax import lax
from jax.experimental import pallas as pl
from jax.experimental.pallas import tpu as pltpu
from jax.experimental.pallas import tpu_sc as plsc

N = 10000
E = 320000
D_IN = 128
D_H = 256
D_EMB = 128

NC = 2
NS = 16
LANES = 16
DHALF = 128

CH = 80
GCH = 50
NG = 5
NCH = GCH * NG
NPAD = 10240
ROWS_PER_SUB = NPAD // NS

CNT_CH = 80
CNT_G = 25
CNT_NG = 5

_mesh = plsc.VectorSubcoreMesh(core_axis_name="c", subcore_axis_name="s")


@functools.partial(
    pl.kernel,
    out_type=jax.ShapeDtypeStruct((NC, NPAD, LANES), jnp.float32),
    mesh=_mesh,
    scratch_types=[
        pltpu.VMEM((CNT_G, CNT_CH), jnp.int32),
        pltpu.VMEM((CNT_CH, LANES), jnp.float32),
        pltpu.VMEM((CNT_CH, LANES), jnp.float32),
        pltpu.VMEM_SHARED((NPAD, LANES), jnp.float32),
        pltpu.SemaphoreType.DMA,
    ],
)
def _sc_count(dst_hbm, out_hbm, idx_v, ones_v, zb_v, cnt_sh, sem):
    c = lax.axis_index("c")
    s = lax.axis_index("s")
    wid = c * NS + s

    @pl.loop(0, CNT_CH)
    def _(i):
        ones_v[i, :] = jnp.ones((LANES,), jnp.float32)
        zb_v[i, :] = jnp.zeros((LANES,), jnp.float32)

    @pl.loop(0, ROWS_PER_SUB // CNT_CH)
    def _(j):
        pltpu.sync_copy(zb_v, cnt_sh.at[pl.ds(s * ROWS_PER_SUB + j * CNT_CH, CNT_CH)])

    plsc.subcore_barrier()

    @pl.loop(0, CNT_NG)
    def _(g):
        pltpu.async_copy(dst_hbm.at[wid, g], idx_v, sem).wait()

        @pl.loop(0, CNT_G)
        def _(kk):
            pltpu.sync_copy(ones_v, cnt_sh.at[idx_v.at[kk]], add=True)

    plsc.subcore_barrier()

    @pl.loop(0, ROWS_PER_SUB // 128)
    def _(j):
        r0 = s * ROWS_PER_SUB + j * 128
        pltpu.sync_copy(cnt_sh.at[pl.ds(r0, 128)], out_hbm.at[c, pl.ds(r0, 128)])


@functools.partial(
    pl.kernel,
    out_type=jax.ShapeDtypeStruct((NC, NPAD, DHALF), jnp.float32),
    mesh=_mesh,
    scratch_types=[
        pltpu.VMEM((GCH, CH), jnp.int32),
        pltpu.VMEM((GCH, CH), jnp.int32),
        pltpu.VMEM((CH, DHALF), jnp.float32),
        pltpu.VMEM((CH, DHALF), jnp.float32),
        pltpu.VMEM_SHARED((NPAD, DHALF), jnp.float32),
        pltpu.SemaphoreType.DMA,
        pltpu.SemaphoreType.DMA,
        pltpu.SemaphoreType.DMA,
    ],
)
def _sc_agg(y_hbm, src_hbm, dst_hbm, out_hbm, src_v, dst_v,
            buf0, buf1, acc_sh, sem0, sem1, semi):
    c = lax.axis_index("c")
    s = lax.axis_index("s")

    @pl.loop(0, CH)
    def _(i):
        @pl.loop(0, DHALF // LANES)
        def _(j):
            buf0[i, pl.ds(j * LANES, LANES)] = jnp.zeros((LANES,), jnp.float32)

    @pl.loop(0, ROWS_PER_SUB // CH)
    def _(j):
        pltpu.sync_copy(buf0, acc_sh.at[pl.ds(s * ROWS_PER_SUB + j * CH, CH)])

    plsc.subcore_barrier()

    @pl.loop(0, NG)
    def _(g):
        pltpu.async_copy(src_hbm.at[c, s, g], src_v, semi).wait()
        pltpu.async_copy(dst_hbm.at[c, s, g], dst_v, semi).wait()

        pltpu.async_copy(y_hbm.at[src_v.at[0]], buf0, sem0)
        pltpu.async_copy(y_hbm.at[src_v.at[1]], buf1, sem1)

        @pl.loop(0, GCH - 2, step=2)
        def _(kk):
            pltpu.make_async_copy(y_hbm.at[src_v.at[kk]], buf0, sem0).wait()
            pltpu.sync_copy(buf0, acc_sh.at[dst_v.at[kk]], add=True)
            pltpu.async_copy(y_hbm.at[src_v.at[kk + 2]], buf0, sem0)
            pltpu.make_async_copy(y_hbm.at[src_v.at[kk + 1]], buf1, sem1).wait()
            pltpu.sync_copy(buf1, acc_sh.at[dst_v.at[kk + 1]], add=True)
            pltpu.async_copy(y_hbm.at[src_v.at[kk + 3]], buf1, sem1)

        pltpu.make_async_copy(y_hbm.at[src_v.at[GCH - 2]], buf0, sem0).wait()
        pltpu.sync_copy(buf0, acc_sh.at[dst_v.at[GCH - 2]], add=True)
        pltpu.make_async_copy(y_hbm.at[src_v.at[GCH - 1]], buf1, sem1).wait()
        pltpu.sync_copy(buf1, acc_sh.at[dst_v.at[GCH - 1]], add=True)

    plsc.subcore_barrier()

    @pl.loop(0, ROWS_PER_SUB // 128)
    def _(j):
        r0 = s * ROWS_PER_SUB + j * 128
        pltpu.sync_copy(acc_sh.at[pl.ds(r0, 128)], out_hbm.at[c, pl.ds(r0, 128)])


_ROWS_BLK = 2000


def _tc_xw1(x, W1):

    def body(x_ref, w_ref, o_ref):
        o_ref[...] = lax.dot_general(x_ref[...], w_ref[...],
                                     (((1,), (1,)), ((), ())),
                                     preferred_element_type=jnp.float32,
                                     precision=lax.Precision.DEFAULT)

    return pl.pallas_call(
        body,
        grid=(N // _ROWS_BLK,),
        in_specs=[
            pl.BlockSpec((_ROWS_BLK, D_IN), lambda i: (i, 0)),
            pl.BlockSpec((D_H, D_IN), lambda i: (0, 0)),
        ],
        out_specs=pl.BlockSpec((_ROWS_BLK, D_H), lambda i: (i, 0)),
        out_shape=jax.ShapeDtypeStruct((N, D_H), jnp.float32),
    )(x, W1)


def _tc_scale(xw, cnt2):

    def body(xw_ref, cnt_ref, y_ref, dis_ref):
        deg = cnt_ref[0, :, 0:1] + cnt_ref[1, :, 0:1] + 1.0
        dis = lax.rsqrt(deg)
        y_ref[...] = dis * xw_ref[...]
        dis_ref[...] = dis

    return pl.pallas_call(
        body,
        grid=(N // _ROWS_BLK,),
        in_specs=[
            pl.BlockSpec((_ROWS_BLK, D_H), lambda i: (i, 0)),
            pl.BlockSpec((NC, _ROWS_BLK, LANES), lambda i: (0, i, 0)),
        ],
        out_specs=[
            pl.BlockSpec((_ROWS_BLK, D_H), lambda i: (i, 0)),
            pl.BlockSpec((_ROWS_BLK, 1), lambda i: (i, 0)),
        ],
        out_shape=[
            jax.ShapeDtypeStruct((N, D_H), jnp.float32),
            jax.ShapeDtypeStruct((N, 1), jnp.float32),
        ],
    )(xw, cnt2)


def _tc_mid(acc, y, b, dis, W, out_rows):
    d_in = acc.shape[2] * 2
    d_out = W.shape[0]

    def body(a_ref, y_ref, b_ref, dis_ref, w_ref, o_ref):
        dis = dis_ref[...]
        h = jnp.concatenate([a_ref[0], a_ref[1]], axis=1) + y_ref[...]
        h = jnp.maximum(dis * h + b_ref[...], 0.0)
        o_ref[...] = dis * lax.dot_general(
            h, w_ref[...], (((1,), (1,)), ((), ())),
            preferred_element_type=jnp.float32,
            precision=lax.Precision.DEFAULT)

    return pl.pallas_call(
        body,
        grid=(N // _ROWS_BLK,),
        in_specs=[
            pl.BlockSpec((NC, _ROWS_BLK, d_in // 2), lambda i: (0, i, 0)),
            pl.BlockSpec((_ROWS_BLK, d_in), lambda i: (i, 0)),
            pl.BlockSpec((1, d_in), lambda i: (0, 0)),
            pl.BlockSpec((_ROWS_BLK, 1), lambda i: (i, 0)),
            pl.BlockSpec((d_out, d_in), lambda i: (0, 0)),
        ],
        out_specs=pl.BlockSpec((_ROWS_BLK, d_out), lambda i: (i, 0)),
        out_shape=jax.ShapeDtypeStruct((out_rows, d_out), jnp.float32),
    )(acc, y, b.reshape(1, d_in), dis, W)


def _tc_post(acc, y, b, dis):

    def body(a_ref, y_ref, b_ref, dis_ref, o_ref):
        h = a_ref[0] + a_ref[1] + y_ref[...]
        o_ref[...] = dis_ref[...] * h + b_ref[...]

    return pl.pallas_call(
        body,
        grid=(N // _ROWS_BLK,),
        in_specs=[
            pl.BlockSpec((NC, _ROWS_BLK, D_EMB), lambda i: (0, i, 0)),
            pl.BlockSpec((_ROWS_BLK, D_EMB), lambda i: (i, 0)),
            pl.BlockSpec((1, D_EMB), lambda i: (0, 0)),
            pl.BlockSpec((_ROWS_BLK, 1), lambda i: (i, 0)),
        ],
        out_specs=pl.BlockSpec((_ROWS_BLK, D_EMB), lambda i: (i, 0)),
        out_shape=jax.ShapeDtypeStruct((N, D_EMB), jnp.float32),
    )(acc, y, b.reshape(1, D_EMB), dis)


def _edge_plans(edge_index):
    src = edge_index[0]
    dst = edge_index[1]
    cnt_idx = dst.reshape(NC * NS, CNT_NG, CNT_G, CNT_CH)

    srcA = src.reshape(1, NS, NCH, CH)
    dstA = dst.reshape(1, NS, NCH, CH)
    src12 = jnp.concatenate([2 * srcA, 2 * srcA + 1], axis=0)
    dst12 = jnp.concatenate([dstA, dstA], axis=0)

    srcB = src.reshape(NC, NS, NCH // 2, CH)
    dstB = dst.reshape(NC, NS, NCH // 2, CH)
    tr = jnp.arange(NCH // 2 * CH, dtype=jnp.int32).reshape(1, 1, NCH // 2, CH)
    tsrc = jnp.broadcast_to(tr % N, srcB.shape)
    tdst = jnp.broadcast_to(N + tr % (NPAD - N), dstB.shape)
    src3 = jnp.concatenate([srcB, tsrc], axis=2)
    dst3 = jnp.concatenate([dstB, tdst], axis=2)
    g5 = (NC, NS, NG, GCH, CH)
    return (cnt_idx, src12.reshape(g5), dst12.reshape(g5),
            src3.reshape(g5), dst3.reshape(g5))


def kernel(x, edge_index, W1, b1, W2, b2, W3, b3):
    cnt_idx, src12, dst12, src3, dst3 = _edge_plans(edge_index)

    xw1 = _tc_xw1(x, W1)
    cnt2 = _sc_count(cnt_idx)
    y1, dis = _tc_scale(xw1, cnt2)
    acc1 = _sc_agg(y1.reshape(2 * N, DHALF), src12, dst12)
    y2 = _tc_mid(acc1, y1, b1, dis, W2, N)
    acc2 = _sc_agg(y2.reshape(2 * N, DHALF), src12, dst12)
    y3 = _tc_mid(acc2, y2, b2, dis, W3, 2 * N)
    acc3 = _sc_agg(y3, src3, dst3)
    return _tc_post(acc3, y3, b3, dis)

# --- scband reference (transcript-rebuilt; emitter-appended) ---
"""Pipeline reference for scband-gcn-61692910240234 (READ-ONLY COPY).

The authoritative reference and input builder live on the scoring server;
editing this copy changes nothing except your own understanding.
"""

import jax, jax.numpy as jnp
import numpy as np

N = 10000
E = 320000
D_IN = 128
D_H = 256
D_EMB = 128


def setup_inputs(seed: int = 0) -> dict:
    key = jax.random.key(seed)
    ks = jax.random.split(key, 8)
    x = jax.random.normal(ks[0], (N, D_IN), dtype=jnp.float32)
    edge_index = jax.random.randint(ks[1], (2, E), 0, N, dtype=jnp.int32)
    # GCNConv linear weights (out_features, in_features) and biases
    W1 = jax.random.normal(ks[2], (D_H, D_IN), dtype=jnp.float32) * (1.0 / np.sqrt(D_IN))
    b1 = jnp.zeros((D_H,), dtype=jnp.float32)
    W2 = jax.random.normal(ks[3], (D_H, D_H), dtype=jnp.float32) * (1.0 / np.sqrt(D_H))
    b2 = jnp.zeros((D_H,), dtype=jnp.float32)
    W3 = jax.random.normal(ks[4], (D_EMB, D_H), dtype=jnp.float32) * (1.0 / np.sqrt(D_H))
    b3 = jnp.zeros((D_EMB,), dtype=jnp.float32)
    return {"x": x, "edge_index": edge_index, "W1": W1, "b1": b1, "W2": W2, "b2": b2, "W3": W3, "b3": b3}


def _gcn_conv(x, edge_index, W, b):
    # Faithful torch_geometric GCNConv: self-loops + symmetric normalization
    src = edge_index[0]
    dst = edge_index[1]
    loop = jnp.arange(N, dtype=src.dtype)
    src = jnp.concatenate([src, loop])
    dst = jnp.concatenate([dst, loop])
    deg = jnp.zeros((N,), dtype=x.dtype).at[dst].add(1.0)
    deg_inv_sqrt = jnp.where(deg > 0, jax.lax.rsqrt(jnp.maximum(deg, 1e-12)), 0.0)
    norm = deg_inv_sqrt[src] * deg_inv_sqrt[dst]
    xw = x @ W.T
    msg = jnp.take(xw, src, axis=0) * norm[:, None]
    out = jax.ops.segment_sum(msg, dst, num_segments=N)
    return out + b


def reference(x, edge_index, W1, b1, W2, b2, W3, b3):
    h = jax.nn.relu(_gcn_conv(x, edge_index, W1, b1))
    h = jax.nn.relu(_gcn_conv(h, edge_index, W2, b2))
    out = _gcn_conv(h, edge_index, W3, b3)
    return out

if __name__ == "__main__":
    import jax
    _d = setup_inputs()
    print(jax.jit(kernel)(*tuple(_d.values())))

</pallas_src>

<mosaic_0001>
#map = affine_map<(d0, d1) -> (0, 0, 0, 0)>
#map1 = affine_map<(d0, d1) -> (0, 0, 0)>
module attributes {stable_mosaic.version = 14 : i64} {
  func.func @_sc_count(%arg0: i32, %arg1: i32, %arg2: memref<32x5x25x80xi32, #tpu.memory_space<hbm>>, %arg3: memref<2x10240x16xf32, #tpu.memory_space<hbm>>, %arg4: memref<25x80xi32, #tpu.memory_space<vmem>>, %arg5: memref<80x16xf32, #tpu.memory_space<vmem>>, %arg6: memref<80x16xf32, #tpu.memory_space<vmem>>, %arg7: memref<10240x16xf32, #tpu.memory_space<vmem_shared>>, %arg8: memref<!tpu.dma_semaphore, #tpu.memory_space<semaphore_mem>>) attributes {dimension_semantics = [#tpu.dimension_semantics<core_parallel>, #tpu.dimension_semantics<subcore_parallel>], iteration_bounds = array<i64: 2, 16>, scalar_prefetch = 0 : i64, scratch_operands = 5 : i64, tpu.core_type = #tpu.core_type<sc_vector_subcore>, window_params = [{transform_indices = #map}, {transform_indices = #map1}]} {
    %mul3A = arith.constant 16 : i32
    %mul3A_0 = arith.muli %arg0, %mul3A : i32
    %add3A = arith.addi %mul3A_0, %arg1 : i32
    %scan3A = arith.constant 0 : i32
    %scan3A_1 = arith.constant 80 : i32
    %scan3A_2 = arith.addi %scan3A, %scan3A_1 : i32
    %scan3A_3 = arith.constant 1 : i32
    scf.for %scan3A_21 = %scan3A to %scan3A_2 step %scan3A_3  : i32 {
      %mul3A_22 = arith.constant 1 : i32
      %mul3A_23 = arith.muli %scan3A_21, %mul3A_22 : i32
      %add3A_24 = arith.constant 0 : i32
      %add3A_25 = arith.addi %add3A_24, %mul3A_23 : i32
      %broadcast_in_dim3A = arith.constant 1.000000e+00 : f32
      %broadcast_in_dim3A_26 = vector.broadcast %broadcast_in_dim3A : f32 to vector<16xf32>
      %swap3A = arith.index_cast %add3A_25 : i32 to index
      %swap3A_27 = arith.constant 0 : index
      %swap3A_28 = tpu.vector_load %arg5[%swap3A, %swap3A_27] {strides = array<i32>} : memref<80x16xf32, #tpu.memory_space<vmem>>, vector<1x16xf32>,
      %swap3A_29 = vector.shape_cast %swap3A_28 : vector<1x16xf32> to vector<16xf32>
      %swap3A_30 = vector.shape_cast %broadcast_in_dim3A_26 : vector<16xf32> to vector<1x16xf32>
      tpu.vector_store %arg5[%swap3A, %swap3A_27], %swap3A_30 {strides = array<i32>} : memref<80x16xf32, #tpu.memory_space<vmem>>, vector<1x16xf32>,
      %broadcast_in_dim3A_31 = arith.constant 0.000000e+00 : f32
      %broadcast_in_dim3A_32 = vector.broadcast %broadcast_in_dim3A_31 : f32 to vector<16xf32>
      %swap3A_33 = arith.index_cast %add3A_25 : i32 to index
      %swap3A_34 = arith.constant 0 : index
      %swap3A_35 = tpu.vector_load %arg6[%swap3A_33, %swap3A_34] {strides = array<i32>} : memref<80x16xf32, #tpu.memory_space<vmem>>, vector<1x16xf32>,
      %swap3A_36 = vector.shape_cast %swap3A_35 : vector<1x16xf32> to vector<16xf32>
      %swap3A_37 = vector.shape_cast %broadcast_in_dim3A_32 : vector<16xf32> to vector<1x16xf32>
      tpu.vector_store %arg6[%swap3A_33, %swap3A_34], %swap3A_37 {strides = array<i32>} : memref<80x16xf32, #tpu.memory_space<vmem>>, vector<1x16xf32>,
    }
    %scan3A_4 = arith.constant 80 : i32
    %scan3A_5 = arith.constant 0 : i32
    %scan3A_6 = arith.constant 8 : i32
    %scan3A_7 = arith.addi %scan3A_5, %scan3A_6 : i32
    %scan3A_8 = arith.constant 1 : i32
    scf.for %scan3A_21 = %scan3A_5 to %scan3A_7 step %scan3A_8  : i32 {
      %mul3A_22 = arith.constant 1 : i32
      %mul3A_23 = arith.muli %scan3A_21, %mul3A_22 : i32
      %add3A_24 = arith.constant 0 : i32
      %add3A_25 = arith.addi %add3A_24, %mul3A_23 : i32
      %mul3A_26 = arith.constant 640 : i32
      %mul3A_27 = arith.muli %arg1, %mul3A_26 : i32
      %mul3A_28 = arith.constant 80 : i32
      %mul3A_29 = arith.muli %add3A_25, %mul3A_28 : i32
      %add3A_30 = arith.addi %mul3A_27, %mul3A_29 : i32
      "tpu.region"() ({
        %run_scoped3A = tpu.sem_alloc : memref<!tpu.dma_semaphore, #tpu.memory_space<semaphore_mem>>
        %dma_start3A = arith.constant 0 : i32
        %dma_start3A_31 = tpu.memref_slice %arg7[%add3A_30, %dma_start3A] : memref<10240x16xf32, #tpu.memory_space<vmem_shared>> -> memref<80x16xf32, #tpu.memory_space<vmem_shared>>
        %dma_start3A_32 = arith.constant 0 : i32
        %dma_start3A_33 = tpu.memref_slice %arg7[%add3A_30, %dma_start3A_32] : memref<10240x16xf32, #tpu.memory_space<vmem_shared>> -> memref<80x16xf32, #tpu.memory_space<vmem_shared>>
        tpu.enqueue_dma source(%arg6 : memref<80x16xf32, #tpu.memory_space<vmem>>) target(%dma_start3A_33 : memref<80x16xf32, #tpu.memory_space<vmem_shared>>) target_semaphore(%run_scoped3A : memref<!tpu.dma_semaphore, #tpu.memory_space<semaphore_mem>>)
        %dma_wait3A = arith.constant 0 : i32
        %dma_wait3A_34 = tpu.memref_slice %arg7[%add3A_30, %dma_wait3A] : memref<10240x16xf32, #tpu.memory_space<vmem_shared>> -> memref<80x16xf32, #tpu.memory_space<vmem_shared>>
        %dma_wait3A_35 = arith.constant 0 : i32
        %dma_wait3A_36 = tpu.memref_slice %arg7[%add3A_30, %dma_wait3A_35] : memref<10240x16xf32, #tpu.memory_space<vmem_shared>> -> memref<80x16xf32, #tpu.memory_space<vmem_shared>>
        tpu.wait_dma2 semaphore(%run_scoped3A : memref<!tpu.dma_semaphore, #tpu.memory_space<semaphore_mem>>) src(%arg6 : memref<80x16xf32, #tpu.memory_space<vmem>>) dst(%dma_wait3A_36 : memref<80x16xf32, #tpu.memory_space<vmem_shared>>)
        tpu.yield
      }) : () -> ()
    }
    %scan3A_9 = arith.constant 8 : i32
    %barrier3A = arith.constant 0 : index
    tpu.barrier barrier_id(%barrier3A)
    %scan3A_10 = arith.constant 0 : i32
    %scan3A_11 = arith.constant 5 : i32
    %scan3A_12 = arith.addi %scan3A_10, %scan3A_11 : i32
    %scan3A_13 = arith.constant 1 : i32
    scf.for %scan3A_21 = %scan3A_10 to %scan3A_12 step %scan3A_13  : i32 {
      %mul3A_22 = arith.constant 1 : i32
      %mul3A_23 = arith.muli %scan3A_21, %mul3A_22 : i32
      %add3A_24 = arith.constant 0 : i32
      %add3A_25 = arith.addi %add3A_24, %mul3A_23 : i32
      %dma_start3A = arith.constant 0 : i32
      %dma_start3A_26 = arith.constant 0 : i32
      %dma_start3A_27 = tpu.memref_slice %arg2[%add3A, %add3A_25, %dma_start3A, %dma_start3A_26] : memref<32x5x25x80xi32, #tpu.memory_space<hbm>> -> memref<1x1x25x80xi32, #tpu.memory_space<hbm>>
      %dma_start3A_28 = tpu.memref_squeeze %dma_start3A_27 : memref<1x1x25x80xi32, #tpu.memory_space<hbm>> -> memref<25x80xi32, #tpu.memory_space<hbm>>
      %dma_start3A_29 = arith.constant 0 : i32
      %dma_start3A_30 = arith.constant 0 : i32
      %dma_start3A_31 = tpu.memref_slice %arg2[%add3A, %add3A_25, %dma_start3A_29, %dma_start3A_30] : memref<32x5x25x80xi32, #tpu.memory_space<hbm>> -> memref<1x1x25x80xi32, #tpu.memory_space<hbm>>
      %dma_start3A_32 = tpu.memref_squeeze %dma_start3A_31 : memref<1x1x25x80xi32, #tpu.memory_space<hbm>> -> memref<25x80xi32, #tpu.memory_space<hbm>>
      tpu.enqueue_dma source(%dma_start3A_32 : memref<25x80xi32, #tpu.memory_space<hbm>>) target(%arg4 : memref<25x80xi32, #tpu.memory_space<vmem>>) target_semaphore(%arg8 : memref<!tpu.dma_semaphore, #tpu.memory_space<semaphore_mem>>)
      %dma_wait3A = arith.constant 0 : i32
      %dma_wait3A_33 = arith.constant 0 : i32
      %dma_wait3A_34 = tpu.memref_slice %arg2[%add3A, %add3A_25, %dma_wait3A, %dma_wait3A_33] : memref<32x5x25x80xi32, #tpu.memory_space<hbm>> -> memref<1x1x25x80xi32, #tpu.memory_space<hbm>>
      %dma_wait3A_35 = tpu.memref_squeeze %dma_wait3A_34 : memref<1x1x25x80xi32, #tpu.memory_space<hbm>> -> memref<25x80xi32, #tpu.memory_space<hbm>>
      %dma_wait3A_36 = arith.constant 0 : i32
      %dma_wait3A_37 = arith.constant 0 : i32
      %dma_wait3A_38 = tpu.memref_slice %arg2[%add3A, %add3A_25, %dma_wait3A_36, %dma_wait3A_37] : memref<32x5x25x80xi32, #tpu.memory_space<hbm>> -> memref<1x1x25x80xi32, #tpu.memory_space<hbm>>
      %dma_wait3A_39 = tpu.memref_squeeze %dma_wait3A_38 : memref<1x1x25x80xi32, #tpu.memory_space<hbm>> -> memref<25x80xi32, #tpu.memory_space<hbm>>
      tpu.wait_dma2 semaphore(%arg8 : memref<!tpu.dma_semaphore, #tpu.memory_space<semaphore_mem>>) src(%dma_wait3A_39 : memref<25x80xi32, #tpu.memory_space<hbm>>) dst(%arg4 : memref<25x80xi32, #tpu.memory_space<vmem>>)
      %scan3A_40 = arith.constant 0 : i32
      %scan3A_41 = arith.constant 25 : i32
      %scan3A_42 = arith.addi %scan3A_40, %scan3A_41 : i32
      %scan3A_43 = arith.constant 1 : i32
      scf.for %scan3A_45 = %scan3A_40 to %scan3A_42 step %scan3A_43  : i32 {
        %mul3A_46 = arith.constant 1 : i32
        %mul3A_47 = arith.muli %scan3A_45, %mul3A_46 : i32
        %add3A_48 = arith.constant 0 : i32
        %add3A_49 = arith.addi %add3A_48, %mul3A_47 : i32
        "tpu.region"() ({
          %run_scoped3A = tpu.sem_alloc : memref<!tpu.dma_semaphore, #tpu.memory_space<semaphore_mem>>
          %dma_start3A_50 = arith.constant 0 : i32
          %dma_start3A_51 = tpu.memref_slice %arg4[%add3A_49, %dma_start3A_50] : memref<25x80xi32, #tpu.memory_space<vmem>> -> memref<1x80xi32, #tpu.memory_space<vmem>>
          %dma_start3A_52 = tpu.memref_squeeze %dma_start3A_51 : memref<1x80xi32, #tpu.memory_space<vmem>> -> memref<80xi32, #tpu.memory_space<vmem>>
          %dma_start3A_53 = arith.constant 0 : i32
          %dma_start3A_54 = arith.constant 0 : i32
          %dma_start3A_55 = tpu.memref_slice %arg7[%dma_start3A_53, %dma_start3A_54] : memref<10240x16xf32, #tpu.memory_space<vmem_shared>> -> memref<10240x16xf32, #tpu.memory_space<vmem_shared>>
          tpu.enqueue_indirect_dma source(%arg5 : memref<80x16xf32, #tpu.memory_space<vmem>>) target(%dma_start3A_55 : memref<10240x16xf32, #tpu.memory_space<vmem_shared>>) offsets(%dma_start3A_52 : memref<80xi32, #tpu.memory_space<vmem>>) semaphore(%run_scoped3A : memref<!tpu.dma_semaphore, #tpu.memory_space<semaphore_mem>>) {add = true}
          %dma_wait3A_56 = arith.constant 0 : i32
          %dma_wait3A_57 = tpu.memref_slice %arg4[%add3A_49, %dma_wait3A_56] : memref<25x80xi32, #tpu.memory_space<vmem>> -> memref<1x80xi32, #tpu.memory_space<vmem>>
          %dma_wait3A_58 = tpu.memref_squeeze %dma_wait3A_57 : memref<1x80xi32, #tpu.memory_space<vmem>> -> memref<80xi32, #tpu.memory_space<vmem>>
          %dma_wait3A_59 = arith.constant 0 : i32
          %dma_wait3A_60 = arith.constant 0 : i32
          %dma_wait3A_61 = tpu.memref_slice %arg7[%dma_wait3A_59, %dma_wait3A_60] : memref<10240x16xf32, #tpu.memory_space<vmem_shared>> -> memref<10240x16xf32, #tpu.memory_space<vmem_shared>>
          tpu.wait_indirect_dma semaphore(%run_scoped3A : memref<!tpu.dma_semaphore, #tpu.memory_space<semaphore_mem>>) src(%arg5 : memref<80x16xf32, #tpu.memory_space<vmem>>) dst(%dma_wait3A_61 : memref<10240x16xf32, #tpu.memory_space<vmem_shared>>)
          tpu.yield
        }) : () -> ()
      }
      %scan3A_44 = arith.constant 25 : i32
    }
    %scan3A_14 = arith.constant 5 : i32
    %barrier3A_15 = arith.constant 0 : index
    tpu.barrier barrier_id(%barrier3A_15)
    %scan3A_16 = arith.constant 0 : i32
    %scan3A_17 = arith.constant 5 : i32
    %scan3A_18 = arith.addi %scan3A_16, %scan3A_17 : i32
    %scan3A_19 = arith.constant 1 : i32
    scf.for %scan3A_21 = %scan3A_16 to %scan3A_18 step %scan3A_19  : i32 {
      %mul3A_22 = arith.constant 1 : i32
      %mul3A_23 = arith.muli %scan3A_21, %mul3A_22 : i32
      %add3A_24 = arith.constant 0 : i32
      %add3A_25 = arith.addi %add3A_24, %mul3A_23 : i32
      %mul3A_26 = arith.constant 640 : i32
      %mul3A_27 = arith.muli %arg1, %mul3A_26 : i32
      %mul3A_28 = arith.constant 128 : i32
      %mul3A_29 = arith.muli %add3A_25, %mul3A_28 : i32
      %add3A_30 = arith.addi %mul3A_27, %mul3A_29 : i32
      "tpu.region"() ({
        %run_scoped3A = tpu.sem_alloc : memref<!tpu.dma_semaphore, #tpu.memory_space<semaphore_mem>>
        %dma_start3A = arith.constant 0 : i32
        %dma_start3A_31 = tpu.memref_slice %arg3[%arg0, %add3A_30, %dma_start3A] : memref<2x10240x16xf32, #tpu.memory_space<hbm>> -> memref<1x128x16xf32, #tpu.memory_space<hbm>>
        %dma_start3A_32 = tpu.memref_squeeze %dma_start3A_31 : memref<1x128x16xf32, #tpu.memory_space<hbm>> -> memref<128x16xf32, #tpu.memory_space<hbm>>
        %dma_start3A_33 = arith.constant 0 : i32
        %dma_start3A_34 = tpu.memref_slice %arg7[%add3A_30, %dma_start3A_33] : memref<10240x16xf32, #tpu.memory_space<vmem_shared>> -> memref<128x16xf32, #tpu.memory_space<vmem_shared>>
        tpu.enqueue_dma source(%dma_start3A_34 : memref<128x16xf32, #tpu.memory_space<vmem_shared>>) target(%dma_start3A_32 : memref<128x16xf32, #tpu.memory_space<hbm>>) target_semaphore(%run_scoped3A : memref<!tpu.dma_semaphore, #tpu.memory_space<semaphore_mem>>)
        %dma_wait3A = arith.constant 0 : i32
        %dma_wait3A_35 = tpu.memref_slice %arg3[%arg0, %add3A_30, %dma_wait3A] : memref<2x10240x16xf32, #tpu.memory_space<hbm>> -> memref<1x128x16xf32, #tpu.memory_space<hbm>>
        %dma_wait3A_36 = tpu.memref_squeeze %dma_wait3A_35 : memref<1x128x16xf32, #tpu.memory_space<hbm>> -> memref<128x16xf32, #tpu.memory_space<hbm>>
        %dma_wait3A_37 = arith.constant 0 : i32
        %dma_wait3A_38 = tpu.memref_slice %arg7[%add3A_30, %dma_wait3A_37] : memref<10240x16xf32, #tpu.memory_space<vmem_shared>> -> memref<128x16xf32, #tpu.memory_space<vmem_shared>>
        tpu.wait_dma2 semaphore(%run_scoped3A : memref<!tpu.dma_semaphore, #tpu.memory_space<semaphore_mem>>) src(%dma_wait3A_38 : memref<128x16xf32, #tpu.memory_space<vmem_shared>>) dst(%dma_wait3A_36 : memref<128x16xf32, #tpu.memory_space<hbm>>)
        tpu.yield
      }) : () -> ()
    }
    %scan3A_20 = arith.constant 5 : i32
    return
  }
}

#map = affine_map<(d0, d1) -> (0, 0)>
#map1 = affine_map<(d0, d1) -> (0, 0, 0, 0, 0)>
#map2 = affine_map<(d0, d1) -> (0, 0, 0)>
module attributes {stable_mosaic.version = 14 : i64} {
  func.func @_sc_agg(%arg0: i32, %arg1: i32, %arg2: memref<20000x128xf32, #tpu.memory_space<hbm>>, %arg3: memref<2x16x5x50x80xi32, #tpu.memory_space<hbm>>, %arg4: memref<2x16x5x50x80xi32, #tpu.memory_space<hbm>>, %arg5: memref<2x10240x128xf32, #tpu.memory_space<hbm>>, %arg6: memref<50x80xi32, #tpu.memory_space<vmem>>, %arg7: memref<50x80xi32, #tpu.memory_space<vmem>>, %arg8: memref<80x128xf32, #tpu.memory_space<vmem>>, %arg9: memref<80x128xf32, #tpu.memory_space<vmem>>, %arg10: memref<10240x128xf32, #tpu.memory_space<vmem_shared>>, %arg11: memref<!tpu.dma_semaphore, #tpu.memory_space<semaphore_mem>>, %arg12: memref<!tpu.dma_semaphore, #tpu.memory_space<semaphore_mem>>, %arg13: memref<!tpu.dma_semaphore, #tpu.memory_space<semaphore_mem>>) attributes {dimension_semantics = [#tpu.dimension_semantics<core_parallel>, #tpu.dimension_semantics<subcore_parallel>], iteration_bounds = array<i64: 2, 16>, scalar_prefetch = 0 : i64, scratch_operands = 8 : i64, tpu.core_type = #tpu.core_type<sc_vector_subcore>, window_params = [{transform_indices = #map}, {transform_indices = #map1}, {transform_indices = #map1}, {transform_indices = #map2}]} {
    %scan3A = arith.constant 0 : i32
    %scan3A_0 = arith.constant 80 : i32
    %scan3A_1 = arith.addi %scan3A, %scan3A_0 : i32
    %scan3A_2 = arith.constant 1 : i32
    scf.for %scan3A_20 = %scan3A to %scan3A_1 step %scan3A_2  : i32 {
      %mul3A = arith.constant 1 : i32
      %mul3A_21 = arith.muli %scan3A_20, %mul3A : i32
      %add3A = arith.constant 0 : i32
      %add3A_22 = arith.addi %add3A, %mul3A_21 : i32
      %scan3A_23 = arith.constant 0 : i32
      %scan3A_24 = arith.constant 8 : i32
      %scan3A_25 = arith.addi %scan3A_23, %scan3A_24 : i32
      %scan3A_26 = arith.constant 1 : i32
      scf.for %scan3A_28 = %scan3A_23 to %scan3A_25 step %scan3A_26  : i32 {
        %mul3A_29 = arith.constant 1 : i32
        %mul3A_30 = arith.muli %scan3A_28, %mul3A_29 : i32
        %add3A_31 = arith.constant 0 : i32
        %add3A_32 = arith.addi %add3A_31, %mul3A_30 : i32
        %broadcast_in_dim3A = arith.constant 0.000000e+00 : f32
        %broadcast_in_dim3A_33 = vector.broadcast %broadcast_in_dim3A : f32 to vector<16xf32>
        %mul3A_34 = arith.constant 16 : i32
        %mul3A_35 = arith.muli %add3A_32, %mul3A_34 : i32
        %swap3A = arith.index_cast %add3A_22 : i32 to index
        %swap3A_36 = arith.index_cast %mul3A_35 : i32 to index
        %swap3A_37 = tpu.vector_load %arg8[%swap3A, %swap3A_36] {strides = array<i32>} : memref<80x128xf32, #tpu.memory_space<vmem>>, vector<1x16xf32>,
        %swap3A_38 = vector.shape_cast %swap3A_37 : vector<1x16xf32> to vector<16xf32>
        %swap3A_39 = vector.shape_cast %broadcast_in_dim3A_33 : vector<16xf32> to vector<1x16xf32>
        tpu.vector_store %arg8[%swap3A, %swap3A_36], %swap3A_39 {strides = array<i32>} : memref<80x128xf32, #tpu.memory_space<vmem>>, vector<1x16xf32>,
      }
      %scan3A_27 = arith.constant 8 : i32
    }
    %scan3A_3 = arith.constant 80 : i32
    %scan3A_4 = arith.constant 0 : i32
    %scan3A_5 = arith.constant 8 : i32
    %scan3A_6 = arith.addi %scan3A_4, %scan3A_5 : i32
    %scan3A_7 = arith.constant 1 : i32
    scf.for %scan3A_20 = %scan3A_4 to %scan3A_6 step %scan3A_7  : i32 {
      %mul3A = arith.constant 1 : i32
      %mul3A_21 = arith.muli %scan3A_20, %mul3A : i32
      %add3A = arith.constant 0 : i32
      %add3A_22 = arith.addi %add3A, %mul3A_21 : i32
      %mul3A_23 = arith.constant 640 : i32
      %mul3A_24 = arith.muli %arg1, %mul3A_23 : i32
      %mul3A_25 = arith.constant 80 : i32
      %mul3A_26 = arith.muli %add3A_22, %mul3A_25 : i32
      %add3A_27 = arith.addi %mul3A_24, %mul3A_26 : i32
      "tpu.region"() ({
        %run_scoped3A = tpu.sem_alloc : memref<!tpu.dma_semaphore, #tpu.memory_space<semaphore_mem>>
        %dma_start3A = arith.constant 0 : i32
        %dma_start3A_28 = tpu.memref_slice %arg10[%add3A_27, %dma_start3A] : memref<10240x128xf32, #tpu.memory_space<vmem_shared>> -> memref<80x128xf32, #tpu.memory_space<vmem_shared>>
        %dma_start3A_29 = arith.constant 0 : i32
        %dma_start3A_30 = tpu.memref_slice %arg10[%add3A_27, %dma_start3A_29] : memref<10240x128xf32, #tpu.memory_space<vmem_shared>> -> memref<80x128xf32, #tpu.memory_space<vmem_shared>>
        tpu.enqueue_dma source(%arg8 : memref<80x128xf32, #tpu.memory_space<vmem>>) target(%dma_start3A_30 : memref<80x128xf32, #tpu.memory_space<vmem_shared>>) target_semaphore(%run_scoped3A : memref<!tpu.dma_semaphore, #tpu.memory_space<semaphore_mem>>)
        %dma_wait3A = arith.constant 0 : i32
        %dma_wait3A_31 = tpu.memref_slice %arg10[%add3A_27, %dma_wait3A] : memref<10240x128xf32, #tpu.memory_space<vmem_shared>> -> memref<80x128xf32, #tpu.memory_space<vmem_shared>>
        %dma_wait3A_32 = arith.constant 0 : i32
        %dma_wait3A_33 = tpu.memref_slice %arg10[%add3A_27, %dma_wait3A_32] : memref<10240x128xf32, #tpu.memory_space<vmem_shared>> -> memref<80x128xf32, #tpu.memory_space<vmem_shared>>
        tpu.wait_dma2 semaphore(%run_scoped3A : memref<!tpu.dma_semaphore, #tpu.memory_space<semaphore_mem>>) src(%arg8 : memref<80x128xf32, #tpu.memory_space<vmem>>) dst(%dma_wait3A_33 : memref<80x128xf32, #tpu.memory_space<vmem_shared>>)
        tpu.yield
      }) : () -> ()
    }
    %scan3A_8 = arith.constant 8 : i32
    %barrier3A = arith.constant 0 : index
    tpu.barrier barrier_id(%barrier3A)
    %scan3A_9 = arith.constant 0 : i32
    %scan3A_10 = arith.constant 5 : i32
    %scan3A_11 = arith.addi %scan3A_9, %scan3A_10 : i32
    %scan3A_12 = arith.constant 1 : i32
    scf.for %scan3A_20 = %scan3A_9 to %scan3A_11 step %scan3A_12  : i32 {
      %mul3A = arith.constant 1 : i32
      %mul3A_21 = arith.muli %scan3A_20, %mul3A : i32
      %add3A = arith.constant 0 : i32
      %add3A_22 = arith.addi %add3A, %mul3A_21 : i32
      %dma_start3A = arith.constant 0 : i32
      %dma_start3A_23 = arith.constant 0 : i32
      %dma_start3A_24 = tpu.memref_slice %arg3[%arg0, %arg1, %add3A_22, %dma_start3A, %dma_start3A_23] : memref<2x16x5x50x80xi32, #tpu.memory_space<hbm>> -> memref<1x1x1x50x80xi32, #tpu.memory_space<hbm>>
      %dma_start3A_25 = tpu.memref_squeeze %dma_start3A_24 : memref<1x1x1x50x80xi32, #tpu.memory_space<hbm>> -> memref<50x80xi32, #tpu.memory_space<hbm>>
      %dma_start3A_26 = arith.constant 0 : i32
      %dma_start3A_27 = arith.constant 0 : i32
      %dma_start3A_28 = tpu.memref_slice %arg3[%arg0, %arg1, %add3A_22, %dma_start3A_26, %dma_start3A_27] : memref<2x16x5x50x80xi32, #tpu.memory_space<hbm>> -> memref<1x1x1x50x80xi32, #tpu.memory_space<hbm>>
      %dma_start3A_29 = tpu.memref_squeeze %dma_start3A_28 : memref<1x1x1x50x80xi32, #tpu.memory_space<hbm>> -> memref<50x80xi32, #tpu.memory_space<hbm>>
      tpu.enqueue_dma source(%dma_start3A_29 : memref<50x80xi32, #tpu.memory_space<hbm>>) target(%arg6 : memref<50x80xi32, #tpu.memory_space<vmem>>) target_semaphore(%arg13 : memref<!tpu.dma_semaphore, #tpu.memory_space<semaphore_mem>>)
      %dma_wait3A = arith.constant 0 : i32
      %dma_wait3A_30 = arith.constant 0 : i32
      %dma_wait3A_31 = tpu.memref_slice %arg3[%arg0, %arg1, %add3A_22, %dma_wait3A, %dma_wait3A_30] : memref<2x16x5x50x80xi32, #tpu.memory_space<hbm>> -> memref<1x1x1x50x80xi32, #tpu.memory_space<hbm>>
      %dma_wait3A_32 = tpu.memref_squeeze %dma_wait3A_31 : memref<1x1x1x50x80xi32, #tpu.memory_space<hbm>> -> memref<50x80xi32, #tpu.memory_space<hbm>>
      %dma_wait3A_33 = arith.constant 0 : i32
      %dma_wait3A_34 = arith.constant 0 : i32
      %dma_wait3A_35 = tpu.memref_slice %arg3[%arg0, %arg1, %add3A_22, %dma_wait3A_33, %dma_wait3A_34] : memref<2x16x5x50x80xi32, #tpu.memory_space<hbm>> -> memref<1x1x1x50x80xi32, #tpu.memory_space<hbm>>
      %dma_wait3A_36 = tpu.memref_squeeze %dma_wait3A_35 : memref<1x1x1x50x80xi32, #tpu.memory_space<hbm>> -> memref<50x80xi32, #tpu.memory_space<hbm>>
      tpu.wait_dma2 semaphore(%arg13 : memref<!tpu.dma_semaphore, #tpu.memory_space<semaphore_mem>>) src(%dma_wait3A_36 : memref<50x80xi32, #tpu.memory_space<hbm>>) dst(%arg6 : memref<50x80xi32, #tpu.memory_space<vmem>>)
      %dma_start3A_37 = arith.constant 0 : i32
      %dma_start3A_38 = arith.constant 0 : i32
      %dma_start3A_39 = tpu.memref_slice %arg4[%arg0, %arg1, %add3A_22, %dma_start3A_37, %dma_start3A_38] : memref<2x16x5x50x80xi32, #tpu.memory_space<hbm>> -> memref<1x1x1x50x80xi32, #tpu.memory_space<hbm>>
      %dma_start3A_40 = tpu.memref_squeeze %dma_start3A_39 : memref<1x1x1x50x80xi32, #tpu.memory_space<hbm>> -> memref<50x80xi32, #tpu.memory_space<hbm>>
      %dma_start3A_41 = arith.constant 0 : i32
      %dma_start3A_42 = arith.constant 0 : i32
      %dma_start3A_43 = tpu.memref_slice %arg4[%arg0, %arg1, %add3A_22, %dma_start3A_41, %dma_start3A_42] : memref<2x16x5x50x80xi32, #tpu.memory_space<hbm>> -> memref<1x1x1x50x80xi32, #tpu.memory_space<hbm>>
      %dma_start3A_44 = tpu.memref_squeeze %dma_start3A_43 : memref<1x1x1x50x80xi32, #tpu.memory_space<hbm>> -> memref<50x80xi32, #tpu.memory_space<hbm>>
      tpu.enqueue_dma source(%dma_start3A_44 : memref<50x80xi32, #tpu.memory_space<hbm>>) target(%arg7 : memref<50x80xi32, #tpu.memory_space<vmem>>) target_semaphore(%arg13 : memref<!tpu.dma_semaphore, #tpu.memory_space<semaphore_mem>>)
      %dma_wait3A_45 = arith.constant 0 : i32
      %dma_wait3A_46 = arith.constant 0 : i32
      %dma_wait3A_47 = tpu.memref_slice %arg4[%arg0, %arg1, %add3A_22, %dma_wait3A_45, %dma_wait3A_46] : memref<2x16x5x50x80xi32, #tpu.memory_space<hbm>> -> memref<1x1x1x50x80xi32, #tpu.memory_space<hbm>>
      %dma_wait3A_48 = tpu.memref_squeeze %dma_wait3A_47 : memref<1x1x1x50x80xi32, #tpu.memory_space<hbm>> -> memref<50x80xi32, #tpu.memory_space<hbm>>
      %dma_wait3A_49 = arith.constant 0 : i32
      %dma_wait3A_50 = arith.constant 0 : i32
      %dma_wait3A_51 = tpu.memref_slice %arg4[%arg0, %arg1, %add3A_22, %dma_wait3A_49, %dma_wait3A_50] : memref<2x16x5x50x80xi32, #tpu.memory_space<hbm>> -> memref<1x1x1x50x80xi32, #tpu.memory_space<hbm>>
      %dma_wait3A_52 = tpu.memref_squeeze %dma_wait3A_51 : memref<1x1x1x50x80xi32, #tpu.memory_space<hbm>> -> memref<50x80xi32, #tpu.memory_space<hbm>>
      tpu.wait_dma2 semaphore(%arg13 : memref<!tpu.dma_semaphore, #tpu.memory_space<semaphore_mem>>) src(%dma_wait3A_52 : memref<50x80xi32, #tpu.memory_space<hbm>>) dst(%arg7 : memref<50x80xi32, #tpu.memory_space<vmem>>)
      %dma_start3A_53 = arith.constant 0 : i32
      %dma_start3A_54 = arith.constant 0 : i32
      %dma_start3A_55 = tpu.memref_slice %arg6[%dma_start3A_53, %dma_start3A_54] : memref<50x80xi32, #tpu.memory_space<vmem>> -> memref<1x80xi32, #tpu.memory_space<vmem>>
      %dma_start3A_56 = tpu.memref_squeeze %dma_start3A_55 : memref<1x80xi32, #tpu.memory_space<vmem>> -> memref<80xi32, #tpu.memory_space<vmem>>
      %dma_start3A_57 = arith.constant 0 : i32
      %dma_start3A_58 = arith.constant 0 : i32
      %dma_start3A_59 = tpu.memref_slice %arg2[%dma_start3A_57, %dma_start3A_58] : memref<20000x128xf32, #tpu.memory_space<hbm>> -> memref<20000x128xf32, #tpu.memory_space<hbm>>
      tpu.enqueue_indirect_dma source(%dma_start3A_59 : memref<20000x128xf32, #tpu.memory_space<hbm>>) target(%arg8 : memref<80x128xf32, #tpu.memory_space<vmem>>) offsets(%dma_start3A_56 : memref<80xi32, #tpu.memory_space<vmem>>) semaphore(%arg11 : memref<!tpu.dma_semaphore, #tpu.memory_space<semaphore_mem>>)
      %dma_start3A_60 = arith.constant 1 : i32
      %dma_start3A_61 = arith.constant 0 : i32
      %dma_start3A_62 = tpu.memref_slice %arg6[%dma_start3A_60, %dma_start3A_61] : memref<50x80xi32, #tpu.memory_space<vmem>> -> memref<1x80xi32, #tpu.memory_space<vmem>>
      %dma_start3A_63 = tpu.memref_squeeze %dma_start3A_62 : memref<1x80xi32, #tpu.memory_space<vmem>> -> memref<80xi32, #tpu.memory_space<vmem>>
      %dma_start3A_64 = arith.constant 0 : i32
      %dma_start3A_65 = arith.constant 0 : i32
      %dma_start3A_66 = tpu.memref_slice %arg2[%dma_start3A_64, %dma_start3A_65] : memref<20000x128xf32, #tpu.memory_space<hbm>> -> memref<20000x128xf32, #tpu.memory_space<hbm>>
      tpu.enqueue_indirect_dma source(%dma_start3A_66 : memref<20000x128xf32, #tpu.memory_space<hbm>>) target(%arg9 : memref<80x128xf32, #tpu.memory_space<vmem>>) offsets(%dma_start3A_63 : memref<80xi32, #tpu.memory_space<vmem>>) semaphore(%arg12 : memref<!tpu.dma_semaphore, #tpu.memory_space<semaphore_mem>>)
      %scan3A_67 = arith.constant 0 : i32
      %scan3A_68 = arith.constant 24 : i32
      %scan3A_69 = arith.addi %scan3A_67, %scan3A_68 : i32
      %scan3A_70 = arith.constant 1 : i32
      scf.for %scan3A_87 = %scan3A_67 to %scan3A_69 step %scan3A_70  : i32 {
        %mul3A_88 = arith.constant 2 : i32
        %mul3A_89 = arith.muli %scan3A_87, %mul3A_88 : i32
        %add3A_90 = arith.constant 0 : i32
        %add3A_91 = arith.addi %add3A_90, %mul3A_89 : i32
        %dma_wait3A_92 = arith.constant 0 : i32
        %dma_wait3A_93 = tpu.memref_slice %arg6[%add3A_91, %dma_wait3A_92] : memref<50x80xi32, #tpu.memory_space<vmem>> -> memref<1x80xi32, #tpu.memory_space<vmem>>
        %dma_wait3A_94 = tpu.memref_squeeze %dma_wait3A_93 : memref<1x80xi32, #tpu.memory_space<vmem>> -> memref<80xi32, #tpu.memory_space<vmem>>
        %dma_wait3A_95 = arith.constant 0 : i32
        %dma_wait3A_96 = arith.constant 0 : i32
        %dma_wait3A_97 = tpu.memref_slice %arg2[%dma_wait3A_95, %dma_wait3A_96] : memref<20000x128xf32, #tpu.memory_space<hbm>> -> memref<20000x128xf32, #tpu.memory_space<hbm>>
        tpu.wait_indirect_dma semaphore(%arg11 : memref<!tpu.dma_semaphore, #tpu.memory_space<semaphore_mem>>) src(%dma_wait3A_97 : memref<20000x128xf32, #tpu.memory_space<hbm>>) dst(%arg8 : memref<80x128xf32, #tpu.memory_space<vmem>>)
        "tpu.region"() ({
          %run_scoped3A_124 = tpu.sem_alloc : memref<!tpu.dma_semaphore, #tpu.memory_space<semaphore_mem>>
          %dma_start3A_125 = arith.constant 0 : i32
          %dma_start3A_126 = tpu.memref_slice %arg7[%add3A_91, %dma_start3A_125] : memref<50x80xi32, #tpu.memory_space<vmem>> -> memref<1x80xi32, #tpu.memory_space<vmem>>
          %dma_start3A_127 = tpu.memref_squeeze %dma_start3A_126 : memref<1x80xi32, #tpu.memory_space<vmem>> -> memref<80xi32, #tpu.memory_space<vmem>>
          %dma_start3A_128 = arith.constant 0 : i32
          %dma_start3A_129 = arith.constant 0 : i32
          %dma_start3A_130 = tpu.memref_slice %arg10[%dma_start3A_128, %dma_start3A_129] : memref<10240x128xf32, #tpu.memory_space<vmem_shared>> -> memref<10240x128xf32, #tpu.memory_space<vmem_shared>>
          tpu.enqueue_indirect_dma source(%arg8 : memref<80x128xf32, #tpu.memory_space<vmem>>) target(%dma_start3A_130 : memref<10240x128xf32, #tpu.memory_space<vmem_shared>>) offsets(%dma_start3A_127 : memref<80xi32, #tpu.memory_space<vmem>>) semaphore(%run_scoped3A_124 : memref<!tpu.dma_semaphore, #tpu.memory_space<semaphore_mem>>) {add = true}
          %dma_wait3A_131 = arith.constant 0 : i32
          %dma_wait3A_132 = tpu.memref_slice %arg7[%add3A_91, %dma_wait3A_131] : memref<50x80xi32, #tpu.memory_space<vmem>> -> memref<1x80xi32, #tpu.memory_space<vmem>>
          %dma_wait3A_133 = tpu.memref_squeeze %dma_wait3A_132 : memref<1x80xi32, #tpu.memory_space<vmem>> -> memref<80xi32, #tpu.memory_space<vmem>>
          %dma_wait3A_134 = arith.constant 0 : i32
          %dma_wait3A_135 = arith.constant 0 : i32
          %dma_wait3A_136 = tpu.memref_slice %arg10[%dma_wait3A_134, %dma_wait3A_135] : memref<10240x128xf32, #tpu.memory_space<vmem_shared>> -> memref<10240x128xf32, #tpu.memory_space<vmem_shared>>
          tpu.wait_indirect_dma semaphore(%run_scoped3A_124 : memref<!tpu.dma_semaphore, #tpu.memory_space<semaphore_mem>>) src(%arg8 : memref<80x128xf32, #tpu.memory_space<vmem>>) dst(%dma_wait3A_136 : memref<10240x128xf32, #tpu.memory_space<vmem_shared>>)
          tpu.yield
        }) : () -> ()
        %add3A_98 = arith.constant 2 : i32
        %add3A_99 = arith.addi %add3A_91, %add3A_98 : i32
        %dma_start3A_100 = arith.constant 0 : i32
        %dma_start3A_101 = tpu.memref_slice %arg6[%add3A_99, %dma_start3A_100] : memref<50x80xi32, #tpu.memory_space<vmem>> -> memref<1x80xi32, #tpu.memory_space<vmem>>
        %dma_start3A_102 = tpu.memref_squeeze %dma_start3A_101 : memref<1x80xi32, #tpu.memory_space<vmem>> -> memref<80xi32, #tpu.memory_space<vmem>>
        %dma_start3A_103 = arith.constant 0 : i32
        %dma_start3A_104 = arith.constant 0 : i32
        %dma_start3A_105 = tpu.memref_slice %arg2[%dma_start3A_103, %dma_start3A_104] : memref<20000x128xf32, #tpu.memory_space<hbm>> -> memref<20000x128xf32, #tpu.memory_space<hbm>>
        tpu.enqueue_indirect_dma source(%dma_start3A_105 : memref<20000x128xf32, #tpu.memory_space<hbm>>) target(%arg8 : memref<80x128xf32, #tpu.memory_space<vmem>>) offsets(%dma_start3A_102 : memref<80xi32, #tpu.memory_space<vmem>>) semaphore(%arg11 : memref<!tpu.dma_semaphore, #tpu.memory_space<semaphore_mem>>)
        %add3A_106 = arith.constant 1 : i32
        %add3A_107 = arith.addi %add3A_91, %add3A_106 : i32
        %dma_wait3A_108 = arith.constant 0 : i32
        %dma_wait3A_109 = tpu.memref_slice %arg6[%add3A_107, %dma_wait3A_108] : memref<50x80xi32, #tpu.memory_space<vmem>> -> memref<1x80xi32, #tpu.memory_space<vmem>>
        %dma_wait3A_110 = tpu.memref_squeeze %dma_wait3A_109 : memref<1x80xi32, #tpu.memory_space<vmem>> -> memref<80xi32, #tpu.memory_space<vmem>>
        %dma_wait3A_111 = arith.constant 0 : i32
        %dma_wait3A_112 = arith.constant 0 : i32
        %dma_wait3A_113 = tpu.memref_slice %arg2[%dma_wait3A_111, %dma_wait3A_112] : memref<20000x128xf32, #tpu.memory_space<hbm>> -> memref<20000x128xf32, #tpu.memory_space<hbm>>
        tpu.wait_indirect_dma semaphore(%arg12 : memref<!tpu.dma_semaphore, #tpu.memory_space<semaphore_mem>>) src(%dma_wait3A_113 : memref<20000x128xf32, #tpu.memory_space<hbm>>) dst(%arg9 : memref<80x128xf32, #tpu.memory_space<vmem>>)
        %add3A_114 = arith.constant 1 : i32
        %add3A_115 = arith.addi %add3A_91, %add3A_114 : i32
        "tpu.region"() ({
          %run_scoped3A_124 = tpu.sem_alloc : memref<!tpu.dma_semaphore, #tpu.memory_space<semaphore_mem>>
          %dma_start3A_125 = arith.constant 0 : i32
          %dma_start3A_126 = tpu.memref_slice %arg7[%add3A_115, %dma_start3A_125] : memref<50x80xi32, #tpu.memory_space<vmem>> -> memref<1x80xi32, #tpu.memory_space<vmem>>
          %dma_start3A_127 = tpu.memref_squeeze %dma_start3A_126 : memref<1x80xi32, #tpu.memory_space<vmem>> -> memref<80xi32, #tpu.memory_space<vmem>>
          %dma_start3A_128 = arith.constant 0 : i32
          %dma_start3A_129 = arith.constant 0 : i32
          %dma_start3A_130 = tpu.memref_slice %arg10[%dma_start3A_128, %dma_start3A_129] : memref<10240x128xf32, #tpu.memory_space<vmem_shared>> -> memref<10240x128xf32, #tpu.memory_space<vmem_shared>>
          tpu.enqueue_indirect_dma source(%arg9 : memref<80x128xf32, #tpu.memory_space<vmem>>) target(%dma_start3A_130 : memref<10240x128xf32, #tpu.memory_space<vmem_shared>>) offsets(%dma_start3A_127 : memref<80xi32, #tpu.memory_space<vmem>>) semaphore(%run_scoped3A_124 : memref<!tpu.dma_semaphore, #tpu.memory_space<semaphore_mem>>) {add = true}
          %dma_wait3A_131 = arith.constant 0 : i32
          %dma_wait3A_132 = tpu.memref_slice %arg7[%add3A_115, %dma_wait3A_131] : memref<50x80xi32, #tpu.memory_space<vmem>> -> memref<1x80xi32, #tpu.memory_space<vmem>>
          %dma_wait3A_133 = tpu.memref_squeeze %dma_wait3A_132 : memref<1x80xi32, #tpu.memory_space<vmem>> -> memref<80xi32, #tpu.memory_space<vmem>>
          %dma_wait3A_134 = arith.constant 0 : i32
          %dma_wait3A_135 = arith.constant 0 : i32
          %dma_wait3A_136 = tpu.memref_slice %arg10[%dma_wait3A_134, %dma_wait3A_135] : memref<10240x128xf32, #tpu.memory_space<vmem_shared>> -> memref<10240x128xf32, #tpu.memory_space<vmem_shared>>
          tpu.wait_indirect_dma semaphore(%run_scoped3A_124 : memref<!tpu.dma_semaphore, #tpu.memory_space<semaphore_mem>>) src(%arg9 : memref<80x128xf32, #tpu.memory_space<vmem>>) dst(%dma_wait3A_136 : memref<10240x128xf32, #tpu.memory_space<vmem_shared>>)
          tpu.yield
        }) : () -> ()
        %add3A_116 = arith.constant 3 : i32
        %add3A_117 = arith.addi %add3A_91, %add3A_116 : i32
        %dma_start3A_118 = arith.constant 0 : i32
        %dma_start3A_119 = tpu.memref_slice %arg6[%add3A_117, %dma_start3A_118] : memref<50x80xi32, #tpu.memory_space<vmem>> -> memref<1x80xi32, #tpu.memory_space<vmem>>
        %dma_start3A_120 = tpu.memref_squeeze %dma_start3A_119 : memref<1x80xi32, #tpu.memory_space<vmem>> -> memref<80xi32, #tpu.memory_space<vmem>>
        %dma_start3A_121 = arith.constant 0 : i32
        %dma_start3A_122 = arith.constant 0 : i32
        %dma_start3A_123 = tpu.memref_slice %arg2[%dma_start3A_121, %dma_start3A_122] : memref<20000x128xf32, #tpu.memory_space<hbm>> -> memref<20000x128xf32, #tpu.memory_space<hbm>>
        tpu.enqueue_indirect_dma source(%dma_start3A_123 : memref<20000x128xf32, #tpu.memory_space<hbm>>) target(%arg9 : memref<80x128xf32, #tpu.memory_space<vmem>>) offsets(%dma_start3A_120 : memref<80xi32, #tpu.memory_space<vmem>>) semaphore(%arg12 : memref<!tpu.dma_semaphore, #tpu.memory_space<semaphore_mem>>)
      }
      %scan3A_71 = arith.constant 24 : i32
      %dma_wait3A_72 = arith.constant 48 : i32
      %dma_wait3A_73 = arith.constant 0 : i32
      %dma_wait3A_74 = tpu.memref_slice %arg6[%dma_wait3A_72, %dma_wait3A_73] : memref<50x80xi32, #tpu.memory_space<vmem>> -> memref<1x80xi32, #tpu.memory_space<vmem>>
      %dma_wait3A_75 = tpu.memref_squeeze %dma_wait3A_74 : memref<1x80xi32, #tpu.memory_space<vmem>> -> memref<80xi32, #tpu.memory_space<vmem>>
      %dma_wait3A_76 = arith.constant 0 : i32
      %dma_wait3A_77 = arith.constant 0 : i32
      %dma_wait3A_78 = tpu.memref_slice %arg2[%dma_wait3A_76, %dma_wait3A_77] : memref<20000x128xf32, #tpu.memory_space<hbm>> -> memref<20000x128xf32, #tpu.memory_space<hbm>>
      tpu.wait_indirect_dma semaphore(%arg11 : memref<!tpu.dma_semaphore, #tpu.memory_space<semaphore_mem>>) src(%dma_wait3A_78 : memref<20000x128xf32, #tpu.memory_space<hbm>>) dst(%arg8 : memref<80x128xf32, #tpu.memory_space<vmem>>)
      %run_scoped3A = arith.constant 48 : i32
      "tpu.region"() ({
        %run_scoped3A_87 = tpu.sem_alloc : memref<!tpu.dma_semaphore, #tpu.memory_space<semaphore_mem>>
        %dma_start3A_88 = arith.constant 0 : i32
        %dma_start3A_89 = tpu.memref_slice %arg7[%run_scoped3A, %dma_start3A_88] : memref<50x80xi32, #tpu.memory_space<vmem>> -> memref<1x80xi32, #tpu.memory_space<vmem>>
        %dma_start3A_90 = tpu.memref_squeeze %dma_start3A_89 : memref<1x80xi32, #tpu.memory_space<vmem>> -> memref<80xi32, #tpu.memory_space<vmem>>
        %dma_start3A_91 = arith.constant 0 : i32
        %dma_start3A_92 = arith.constant 0 : i32
        %dma_start3A_93 = tpu.memref_slice %arg10[%dma_start3A_91, %dma_start3A_92] : memref<10240x128xf32, #tpu.memory_space<vmem_shared>> -> memref<10240x128xf32, #tpu.memory_space<vmem_shared>>
        tpu.enqueue_indirect_dma source(%arg8 : memref<80x128xf32, #tpu.memory_space<vmem>>) target(%dma_start3A_93 : memref<10240x128xf32, #tpu.memory_space<vmem_shared>>) offsets(%dma_start3A_90 : memref<80xi32, #tpu.memory_space<vmem>>) semaphore(%run_scoped3A_87 : memref<!tpu.dma_semaphore, #tpu.memory_space<semaphore_mem>>) {add = true}
        %dma_wait3A_94 = arith.constant 0 : i32
        %dma_wait3A_95 = tpu.memref_slice %arg7[%run_scoped3A, %dma_wait3A_94] : memref<50x80xi32, #tpu.memory_space<vmem>> -> memref<1x80xi32, #tpu.memory_space<vmem>>
        %dma_wait3A_96 = tpu.memref_squeeze %dma_wait3A_95 : memref<1x80xi32, #tpu.memory_space<vmem>> -> memref<80xi32, #tpu.memory_space<vmem>>
        %dma_wait3A_97 = arith.constant 0 : i32
        %dma_wait3A_98 = arith.constant 0 : i32
        %dma_wait3A_99 = tpu.memref_slice %arg10[%dma_wait3A_97, %dma_wait3A_98] : memref<10240x128xf32, #tpu.memory_space<vmem_shared>> -> memref<10240x128xf32, #tpu.memory_space<vmem_shared>>
        tpu.wait_indirect_dma semaphore(%run_scoped3A_87 : memref<!tpu.dma_semaphore, #tpu.memory_space<semaphore_mem>>) src(%arg8 : memref<80x128xf32, #tpu.memory_space<vmem>>) dst(%dma_wait3A_99 : memref<10240x128xf32, #tpu.memory_space<vmem_shared>>)
        tpu.yield
      }) : () -> ()
      %dma_wait3A_79 = arith.constant 49 : i32
      %dma_wait3A_80 = arith.constant 0 : i32
      %dma_wait3A_81 = tpu.memref_slice %arg6[%dma_wait3A_79, %dma_wait3A_80] : memref<50x80xi32, #tpu.memory_space<vmem>> -> memref<1x80xi32, #tpu.memory_space<vmem>>
      %dma_wait3A_82 = tpu.memref_squeeze %dma_wait3A_81 : memref<1x80xi32, #tpu.memory_space<vmem>> -> memref<80xi32, #tpu.memory_space<vmem>>
      %dma_wait3A_83 = arith.constant 0 : i32
      %dma_wait3A_84 = arith.constant 0 : i32
      %dma_wait3A_85 = tpu.memref_slice %arg2[%dma_wait3A_83, %dma_wait3A_84] : memref<20000x128xf32, #tpu.memory_space<hbm>> -> memref<20000x128xf32, #tpu.memory_space<hbm>>
      tpu.wait_indirect_dma semaphore(%arg12 : memref<!tpu.dma_semaphore, #tpu.memory_space<semaphore_mem>>) src(%dma_wait3A_85 : memref<20000x128xf32, #tpu.memory_space<hbm>>) dst(%arg9 : memref<80x128xf32, #tpu.memory_space<vmem>>)
      %run_scoped3A_86 = arith.constant 49 : i32
      "tpu.region"() ({
        %run_scoped3A_87 = tpu.sem_alloc : memref<!tpu.dma_semaphore, #tpu.memory_space<semaphore_mem>>
        %dma_start3A_88 = arith.constant 0 : i32
        %dma_start3A_89 = tpu.memref_slice %arg7[%run_scoped3A_86, %dma_start3A_88] : memref<50x80xi32, #tpu.memory_space<vmem>> -> memref<1x80xi32, #tpu.memory_space<vmem>>
        %dma_start3A_90 = tpu.memref_squeeze %dma_start3A_89 : memref<1x80xi32, #tpu.memory_space<vmem>> -> memref<80xi32, #tpu.memory_space<vmem>>
        %dma_start3A_91 = arith.constant 0 : i32
        %dma_start3A_92 = arith.constant 0 : i32
        %dma_start3A_93 = tpu.memref_slice %arg10[%dma_start3A_91, %dma_start3A_92] : memref<10240x128xf32, #tpu.memory_space<vmem_shared>> -> memref<10240x128xf32, #tpu.memory_space<vmem_shared>>
        tpu.enqueue_indirect_dma source(%arg9 : memref<80x128xf32, #tpu.memory_space<vmem>>) target(%dma_start3A_93 : memref<10240x128xf32, #tpu.memory_space<vmem_shared>>) offsets(%dma_start3A_90 : memref<80xi32, #tpu.memory_space<vmem>>) semaphore(%run_scoped3A_87 : memref<!tpu.dma_semaphore, #tpu.memory_space<semaphore_mem>>) {add = true}
        %dma_wait3A_94 = arith.constant 0 : i32
        %dma_wait3A_95 = tpu.memref_slice %arg7[%run_scoped3A_86, %dma_wait3A_94] : memref<50x80xi32, #tpu.memory_space<vmem>> -> memref<1x80xi32, #tpu.memory_space<vmem>>
        %dma_wait3A_96 = tpu.memref_squeeze %dma_wait3A_95 : memref<1x80xi32, #tpu.memory_space<vmem>> -> memref<80xi32, #tpu.memory_space<vmem>>
        %dma_wait3A_97 = arith.constant 0 : i32
        %dma_wait3A_98 = arith.constant 0 : i32
        %dma_wait3A_99 = tpu.memref_slice %arg10[%dma_wait3A_97, %dma_wait3A_98] : memref<10240x128xf32, #tpu.memory_space<vmem_shared>> -> memref<10240x128xf32, #tpu.memory_space<vmem_shared>>
        tpu.wait_indirect_dma semaphore(%run_scoped3A_87 : memref<!tpu.dma_semaphore, #tpu.memory_space<semaphore_mem>>) src(%arg9 : memref<80x128xf32, #tpu.memory_space<vmem>>) dst(%dma_wait3A_99 : memref<10240x128xf32, #tpu.memory_space<vmem_shared>>)
        tpu.yield
      }) : () -> ()
    }
    %scan3A_13 = arith.constant 5 : i32
    %barrier3A_14 = arith.constant 0 : index
    tpu.barrier barrier_id(%barrier3A_14)
    %scan3A_15 = arith.constant 0 : i32
    %scan3A_16 = arith.constant 5 : i32
    %scan3A_17 = arith.addi %scan3A_15, %scan3A_16 : i32
    %scan3A_18 = arith.constant 1 : i32
    scf.for %scan3A_20 = %scan3A_15 to %scan3A_17 step %scan3A_18  : i32 {
      %mul3A = arith.constant 1 : i32
      %mul3A_21 = arith.muli %scan3A_20, %mul3A : i32
      %add3A = arith.constant 0 : i32
      %add3A_22 = arith.addi %add3A, %mul3A_21 : i32
      %mul3A_23 = arith.constant 640 : i32
      %mul3A_24 = arith.muli %arg1, %mul3A_23 : i32
      %mul3A_25 = arith.constant 128 : i32
      %mul3A_26 = arith.muli %add3A_22, %mul3A_25 : i32
      %add3A_27 = arith.addi %mul3A_24, %mul3A_26 : i32
      "tpu.region"() ({
        %run_scoped3A = tpu.sem_alloc : memref<!tpu.dma_semaphore, #tpu.memory_space<semaphore_mem>>
        %dma_start3A = arith.constant 0 : i32
        %dma_start3A_28 = tpu.memref_slice %arg5[%arg0, %add3A_27, %dma_start3A] : memref<2x10240x128xf32, #tpu.memory_space<hbm>> -> memref<1x128x128xf32, #tpu.memory_space<hbm>>
        %dma_start3A_29 = tpu.memref_squeeze %dma_start3A_28 : memref<1x128x128xf32, #tpu.memory_space<hbm>> -> memref<128x128xf32, #tpu.memory_space<hbm>>
        %dma_start3A_30 = arith.constant 0 : i32
        %dma_start3A_31 = tpu.memref_slice %arg10[%add3A_27, %dma_start3A_30] : memref<10240x128xf32, #tpu.memory_space<vmem_shared>> -> memref<128x128xf32, #tpu.memory_space<vmem_shared>>
        tpu.enqueue_dma source(%dma_start3A_31 : memref<128x128xf32, #tpu.memory_space<vmem_shared>>) target(%dma_start3A_29 : memref<128x128xf32, #tpu.memory_space<hbm>>) target_semaphore(%run_scoped3A : memref<!tpu.dma_semaphore, #tpu.memory_space<semaphore_mem>>)
        %dma_wait3A = arith.constant 0 : i32
        %dma_wait3A_32 = tpu.memref_slice %arg5[%arg0, %add3A_27, %dma_wait3A] : memref<2x10240x128xf32, #tpu.memory_space<hbm>> -> memref<1x128x128xf32, #tpu.memory_space<hbm>>
        %dma_wait3A_33 = tpu.memref_squeeze %dma_wait3A_32 : memref<1x128x128xf32, #tpu.memory_space<hbm>> -> memref<128x128xf32, #tpu.memory_space<hbm>>
        %dma_wait3A_34 = arith.constant 0 : i32
        %dma_wait3A_35 = tpu.memref_slice %arg10[%add3A_27, %dma_wait3A_34] : memref<10240x128xf32, #tpu.memory_space<vmem_shared>> -> memref<128x128xf32, #tpu.memory_space<vmem_shared>>
        tpu.wait_dma2 semaphore(%run_scoped3A : memref<!tpu.dma_semaphore, #tpu.memory_space<semaphore_mem>>) src(%dma_wait3A_35 : memref<128x128xf32, #tpu.memory_space<vmem_shared>>) dst(%dma_wait3A_33 : memref<128x128xf32, #tpu.memory_space<hbm>>)
        tpu.yield
      }) : () -> ()
    }
    %scan3A_19 = arith.constant 5 : i32
    return
  }
}

#map = affine_map<(d0, d1) -> (0, 0)>
#map1 = affine_map<(d0, d1) -> (0, 0, 0, 0, 0)>
#map2 = affine_map<(d0, d1) -> (0, 0, 0)>
module attributes {stable_mosaic.version = 14 : i64} {
  func.func @_sc_agg(%arg0: i32, %arg1: i32, %arg2: memref<20000x128xf32, #tpu.memory_space<hbm>>, %arg3: memref<2x16x5x50x80xi32, #tpu.memory_space<hbm>>, %arg4: memref<2x16x5x50x80xi32, #tpu.memory_space<hbm>>, %arg5: memref<2x10240x128xf32, #tpu.memory_space<hbm>>, %arg6: memref<50x80xi32, #tpu.memory_space<vmem>>, %arg7: memref<50x80xi32, #tpu.memory_space<vmem>>, %arg8: memref<80x128xf32, #tpu.memory_space<vmem>>, %arg9: memref<80x128xf32, #tpu.memory_space<vmem>>, %arg10: memref<10240x128xf32, #tpu.memory_space<vmem_shared>>, %arg11: memref<!tpu.dma_semaphore, #tpu.memory_space<semaphore_mem>>, %arg12: memref<!tpu.dma_semaphore, #tpu.memory_space<semaphore_mem>>, %arg13: memref<!tpu.dma_semaphore, #tpu.memory_space<semaphore_mem>>) attributes {dimension_semantics = [#tpu.dimension_semantics<core_parallel>, #tpu.dimension_semantics<subcore_parallel>], iteration_bounds = array<i64: 2, 16>, scalar_prefetch = 0 : i64, scratch_operands = 8 : i64, tpu.core_type = #tpu.core_type<sc_vector_subcore>, window_params = [{transform_indices = #map}, {transform_indices = #map1}, {transform_indices = #map1}, {transform_indices = #map2}]} {
    %scan3A = arith.constant 0 : i32
    %scan3A_0 = arith.constant 80 : i32
    %scan3A_1 = arith.addi %scan3A, %scan3A_0 : i32
    %scan3A_2 = arith.constant 1 : i32
    scf.for %scan3A_20 = %scan3A to %scan3A_1 step %scan3A_2  : i32 {
      %mul3A = arith.constant 1 : i32
      %mul3A_21 = arith.muli %scan3A_20, %mul3A : i32
      %add3A = arith.constant 0 : i32
      %add3A_22 = arith.addi %add3A, %mul3A_21 : i32
      %scan3A_23 = arith.constant 0 : i32
      %scan3A_24 = arith.constant 8 : i32
      %scan3A_25 = arith.addi %scan3A_23, %scan3A_24 : i32
      %scan3A_26 = arith.constant 1 : i32
      scf.for %scan3A_28 = %scan3A_23 to %scan3A_25 step %scan3A_26  : i32 {
        %mul3A_29 = arith.constant 1 : i32
        %mul3A_30 = arith.muli %scan3A_28, %mul3A_29 : i32
        %add3A_31 = arith.constant 0 : i32
        %add3A_32 = arith.addi %add3A_31, %mul3A_30 : i32
        %broadcast_in_dim3A = arith.constant 0.000000e+00 : f32
        %broadcast_in_dim3A_33 = vector.broadcast %broadcast_in_dim3A : f32 to vector<16xf32>
        %mul3A_34 = arith.constant 16 : i32
        %mul3A_35 = arith.muli %add3A_32, %mul3A_34 : i32
        %swap3A = arith.index_cast %add3A_22 : i32 to index
        %swap3A_36 = arith.index_cast %mul3A_35 : i32 to index
        %swap3A_37 = tpu.vector_load %arg8[%swap3A, %swap3A_36] {strides = array<i32>} : memref<80x128xf32, #tpu.memory_space<vmem>>, vector<1x16xf32>,
        %swap3A_38 = vector.shape_cast %swap3A_37 : vector<1x16xf32> to vector<16xf32>
        %swap3A_39 = vector.shape_cast %broadcast_in_dim3A_33 : vector<16xf32> to vector<1x16xf32>
        tpu.vector_store %arg8[%swap3A, %swap3A_36], %swap3A_39 {strides = array<i32>} : memref<80x128xf32, #tpu.memory_space<vmem>>, vector<1x16xf32>,
      }
      %scan3A_27 = arith.constant 8 : i32
    }
    %scan3A_3 = arith.constant 80 : i32
    %scan3A_4 = arith.constant 0 : i32
    %scan3A_5 = arith.constant 8 : i32
    %scan3A_6 = arith.addi %scan3A_4, %scan3A_5 : i32
    %scan3A_7 = arith.constant 1 : i32
    scf.for %scan3A_20 = %scan3A_4 to %scan3A_6 step %scan3A_7  : i32 {
      %mul3A = arith.constant 1 : i32
      %mul3A_21 = arith.muli %scan3A_20, %mul3A : i32
      %add3A = arith.constant 0 : i32
      %add3A_22 = arith.addi %add3A, %mul3A_21 : i32
      %mul3A_23 = arith.constant 640 : i32
      %mul3A_24 = arith.muli %arg1, %mul3A_23 : i32
      %mul3A_25 = arith.constant 80 : i32
      %mul3A_26 = arith.muli %add3A_22, %mul3A_25 : i32
      %add3A_27 = arith.addi %mul3A_24, %mul3A_26 : i32
      "tpu.region"() ({
        %run_scoped3A = tpu.sem_alloc : memref<!tpu.dma_semaphore, #tpu.memory_space<semaphore_mem>>
        %dma_start3A = arith.constant 0 : i32
        %dma_start3A_28 = tpu.memref_slice %arg10[%add3A_27, %dma_start3A] : memref<10240x128xf32, #tpu.memory_space<vmem_shared>> -> memref<80x128xf32, #tpu.memory_space<vmem_shared>>
        %dma_start3A_29 = arith.constant 0 : i32
        %dma_start3A_30 = tpu.memref_slice %arg10[%add3A_27, %dma_start3A_29] : memref<10240x128xf32, #tpu.memory_space<vmem_shared>> -> memref<80x128xf32, #tpu.memory_space<vmem_shared>>
        tpu.enqueue_dma source(%arg8 : memref<80x128xf32, #tpu.memory_space<vmem>>) target(%dma_start3A_30 : memref<80x128xf32, #tpu.memory_space<vmem_shared>>) target_semaphore(%run_scoped3A : memref<!tpu.dma_semaphore, #tpu.memory_space<semaphore_mem>>)
        %dma_wait3A = arith.constant 0 : i32
        %dma_wait3A_31 = tpu.memref_slice %arg10[%add3A_27, %dma_wait3A] : memref<10240x128xf32, #tpu.memory_space<vmem_shared>> -> memref<80x128xf32, #tpu.memory_space<vmem_shared>>
        %dma_wait3A_32 = arith.constant 0 : i32
        %dma_wait3A_33 = tpu.memref_slice %arg10[%add3A_27, %dma_wait3A_32] : memref<10240x128xf32, #tpu.memory_space<vmem_shared>> -> memref<80x128xf32, #tpu.memory_space<vmem_shared>>
        tpu.wait_dma2 semaphore(%run_scoped3A : memref<!tpu.dma_semaphore, #tpu.memory_space<semaphore_mem>>) src(%arg8 : memref<80x128xf32, #tpu.memory_space<vmem>>) dst(%dma_wait3A_33 : memref<80x128xf32, #tpu.memory_space<vmem_shared>>)
        tpu.yield
      }) : () -> ()
    }
    %scan3A_8 = arith.constant 8 : i32
    %barrier3A = arith.constant 0 : index
    tpu.barrier barrier_id(%barrier3A)
    %scan3A_9 = arith.constant 0 : i32
    %scan3A_10 = arith.constant 5 : i32
    %scan3A_11 = arith.addi %scan3A_9, %scan3A_10 : i32
    %scan3A_12 = arith.constant 1 : i32
    scf.for %scan3A_20 = %scan3A_9 to %scan3A_11 step %scan3A_12  : i32 {
      %mul3A = arith.constant 1 : i32
      %mul3A_21 = arith.muli %scan3A_20, %mul3A : i32
      %add3A = arith.constant 0 : i32
      %add3A_22 = arith.addi %add3A, %mul3A_21 : i32
      %dma_start3A = arith.constant 0 : i32
      %dma_start3A_23 = arith.constant 0 : i32
      %dma_start3A_24 = tpu.memref_slice %arg3[%arg0, %arg1, %add3A_22, %dma_start3A, %dma_start3A_23] : memref<2x16x5x50x80xi32, #tpu.memory_space<hbm>> -> memref<1x1x1x50x80xi32, #tpu.memory_space<hbm>>
      %dma_start3A_25 = tpu.memref_squeeze %dma_start3A_24 : memref<1x1x1x50x80xi32, #tpu.memory_space<hbm>> -> memref<50x80xi32, #tpu.memory_space<hbm>>
      %dma_start3A_26 = arith.constant 0 : i32
      %dma_start3A_27 = arith.constant 0 : i32
      %dma_start3A_28 = tpu.memref_slice %arg3[%arg0, %arg1, %add3A_22, %dma_start3A_26, %dma_start3A_27] : memref<2x16x5x50x80xi32, #tpu.memory_space<hbm>> -> memref<1x1x1x50x80xi32, #tpu.memory_space<hbm>>
      %dma_start3A_29 = tpu.memref_squeeze %dma_start3A_28 : memref<1x1x1x50x80xi32, #tpu.memory_space<hbm>> -> memref<50x80xi32, #tpu.memory_space<hbm>>
      tpu.enqueue_dma source(%dma_start3A_29 : memref<50x80xi32, #tpu.memory_space<hbm>>) target(%arg6 : memref<50x80xi32, #tpu.memory_space<vmem>>) target_semaphore(%arg13 : memref<!tpu.dma_semaphore, #tpu.memory_space<semaphore_mem>>)
      %dma_wait3A = arith.constant 0 : i32
      %dma_wait3A_30 = arith.constant 0 : i32
      %dma_wait3A_31 = tpu.memref_slice %arg3[%arg0, %arg1, %add3A_22, %dma_wait3A, %dma_wait3A_30] : memref<2x16x5x50x80xi32, #tpu.memory_space<hbm>> -> memref<1x1x1x50x80xi32, #tpu.memory_space<hbm>>
      %dma_wait3A_32 = tpu.memref_squeeze %dma_wait3A_31 : memref<1x1x1x50x80xi32, #tpu.memory_space<hbm>> -> memref<50x80xi32, #tpu.memory_space<hbm>>
      %dma_wait3A_33 = arith.constant 0 : i32
      %dma_wait3A_34 = arith.constant 0 : i32
      %dma_wait3A_35 = tpu.memref_slice %arg3[%arg0, %arg1, %add3A_22, %dma_wait3A_33, %dma_wait3A_34] : memref<2x16x5x50x80xi32, #tpu.memory_space<hbm>> -> memref<1x1x1x50x80xi32, #tpu.memory_space<hbm>>
      %dma_wait3A_36 = tpu.memref_squeeze %dma_wait3A_35 : memref<1x1x1x50x80xi32, #tpu.memory_space<hbm>> -> memref<50x80xi32, #tpu.memory_space<hbm>>
      tpu.wait_dma2 semaphore(%arg13 : memref<!tpu.dma_semaphore, #tpu.memory_space<semaphore_mem>>) src(%dma_wait3A_36 : memref<50x80xi32, #tpu.memory_space<hbm>>) dst(%arg6 : memref<50x80xi32, #tpu.memory_space<vmem>>)
      %dma_start3A_37 = arith.constant 0 : i32
      %dma_start3A_38 = arith.constant 0 : i32
      %dma_start3A_39 = tpu.memref_slice %arg4[%arg0, %arg1, %add3A_22, %dma_start3A_37, %dma_start3A_38] : memref<2x16x5x50x80xi32, #tpu.memory_space<hbm>> -> memref<1x1x1x50x80xi32, #tpu.memory_space<hbm>>
      %dma_start3A_40 = tpu.memref_squeeze %dma_start3A_39 : memref<1x1x1x50x80xi32, #tpu.memory_space<hbm>> -> memref<50x80xi32, #tpu.memory_space<hbm>>
      %dma_start3A_41 = arith.constant 0 : i32
      %dma_start3A_42 = arith.constant 0 : i32
      %dma_start3A_43 = tpu.memref_slice %arg4[%arg0, %arg1, %add3A_22, %dma_start3A_41, %dma_start3A_42] : memref<2x16x5x50x80xi32, #tpu.memory_space<hbm>> -> memref<1x1x1x50x80xi32, #tpu.memory_space<hbm>>
      %dma_start3A_44 = tpu.memref_squeeze %dma_start3A_43 : memref<1x1x1x50x80xi32, #tpu.memory_space<hbm>> -> memref<50x80xi32, #tpu.memory_space<hbm>>
      tpu.enqueue_dma source(%dma_start3A_44 : memref<50x80xi32, #tpu.memory_space<hbm>>) target(%arg7 : memref<50x80xi32, #tpu.memory_space<vmem>>) target_semaphore(%arg13 : memref<!tpu.dma_semaphore, #tpu.memory_space<semaphore_mem>>)
      %dma_wait3A_45 = arith.constant 0 : i32
      %dma_wait3A_46 = arith.constant 0 : i32
      %dma_wait3A_47 = tpu.memref_slice %arg4[%arg0, %arg1, %add3A_22, %dma_wait3A_45, %dma_wait3A_46] : memref<2x16x5x50x80xi32, #tpu.memory_space<hbm>> -> memref<1x1x1x50x80xi32, #tpu.memory_space<hbm>>
      %dma_wait3A_48 = tpu.memref_squeeze %dma_wait3A_47 : memref<1x1x1x50x80xi32, #tpu.memory_space<hbm>> -> memref<50x80xi32, #tpu.memory_space<hbm>>
      %dma_wait3A_49 = arith.constant 0 : i32
      %dma_wait3A_50 = arith.constant 0 : i32
      %dma_wait3A_51 = tpu.memref_slice %arg4[%arg0, %arg1, %add3A_22, %dma_wait3A_49, %dma_wait3A_50] : memref<2x16x5x50x80xi32, #tpu.memory_space<hbm>> -> memref<1x1x1x50x80xi32, #tpu.memory_space<hbm>>
      %dma_wait3A_52 = tpu.memref_squeeze %dma_wait3A_51 : memref<1x1x1x50x80xi32, #tpu.memory_space<hbm>> -> memref<50x80xi32, #tpu.memory_space<hbm>>
      tpu.wait_dma2 semaphore(%arg13 : memref<!tpu.dma_semaphore, #tpu.memory_space<semaphore_mem>>) src(%dma_wait3A_52 : memref<50x80xi32, #tpu.memory_space<hbm>>) dst(%arg7 : memref<50x80xi32, #tpu.memory_space<vmem>>)
      %dma_start3A_53 = arith.constant 0 : i32
      %dma_start3A_54 = arith.constant 0 : i32
      %dma_start3A_55 = tpu.memref_slice %arg6[%dma_start3A_53, %dma_start3A_54] : memref<50x80xi32, #tpu.memory_space<vmem>> -> memref<1x80xi32, #tpu.memory_space<vmem>>
      %dma_start3A_56 = tpu.memref_squeeze %dma_start3A_55 : memref<1x80xi32, #tpu.memory_space<vmem>> -> memref<80xi32, #tpu.memory_space<vmem>>
      %dma_start3A_57 = arith.constant 0 : i32
      %dma_start3A_58 = arith.constant 0 : i32
      %dma_start3A_59 = tpu.memref_slice %arg2[%dma_start3A_57, %dma_start3A_58] : memref<20000x128xf32, #tpu.memory_space<hbm>> -> memref<20000x128xf32, #tpu.memory_space<hbm>>
      tpu.enqueue_indirect_dma source(%dma_start3A_59 : memref<20000x128xf32, #tpu.memory_space<hbm>>) target(%arg8 : memref<80x128xf32, #tpu.memory_space<vmem>>) offsets(%dma_start3A_56 : memref<80xi32, #tpu.memory_space<vmem>>) semaphore(%arg11 : memref<!tpu.dma_semaphore, #tpu.memory_space<semaphore_mem>>)
      %dma_start3A_60 = arith.constant 1 : i32
      %dma_start3A_61 = arith.constant 0 : i32
      %dma_start3A_62 = tpu.memref_slice %arg6[%dma_start3A_60, %dma_start3A_61] : memref<50x80xi32, #tpu.memory_space<vmem>> -> memref<1x80xi32, #tpu.memory_space<vmem>>
      %dma_start3A_63 = tpu.memref_squeeze %dma_start3A_62 : memref<1x80xi32, #tpu.memory_space<vmem>> -> memref<80xi32, #tpu.memory_space<vmem>>
      %dma_start3A_64 = arith.constant 0 : i32
      %dma_start3A_65 = arith.constant 0 : i32
      %dma_start3A_66 = tpu.memref_slice %arg2[%dma_start3A_64, %dma_start3A_65] : memref<20000x128xf32, #tpu.memory_space<hbm>> -> memref<20000x128xf32, #tpu.memory_space<hbm>>
      tpu.enqueue_indirect_dma source(%dma_start3A_66 : memref<20000x128xf32, #tpu.memory_space<hbm>>) target(%arg9 : memref<80x128xf32, #tpu.memory_space<vmem>>) offsets(%dma_start3A_63 : memref<80xi32, #tpu.memory_space<vmem>>) semaphore(%arg12 : memref<!tpu.dma_semaphore, #tpu.memory_space<semaphore_mem>>)
      %scan3A_67 = arith.constant 0 : i32
      %scan3A_68 = arith.constant 24 : i32
      %scan3A_69 = arith.addi %scan3A_67, %scan3A_68 : i32
      %scan3A_70 = arith.constant 1 : i32
      scf.for %scan3A_87 = %scan3A_67 to %scan3A_69 step %scan3A_70  : i32 {
        %mul3A_88 = arith.constant 2 : i32
        %mul3A_89 = arith.muli %scan3A_87, %mul3A_88 : i32
        %add3A_90 = arith.constant 0 : i32
        %add3A_91 = arith.addi %add3A_90, %mul3A_89 : i32
        %dma_wait3A_92 = arith.constant 0 : i32
        %dma_wait3A_93 = tpu.memref_slice %arg6[%add3A_91, %dma_wait3A_92] : memref<50x80xi32, #tpu.memory_space<vmem>> -> memref<1x80xi32, #tpu.memory_space<vmem>>
        %dma_wait3A_94 = tpu.memref_squeeze %dma_wait3A_93 : memref<1x80xi32, #tpu.memory_space<vmem>> -> memref<80xi32, #tpu.memory_space<vmem>>
        %dma_wait3A_95 = arith.constant 0 : i32
        %dma_wait3A_96 = arith.constant 0 : i32
        %dma_wait3A_97 = tpu.memref_slice %arg2[%dma_wait3A_95, %dma_wait3A_96] : memref<20000x128xf32, #tpu.memory_space<hbm>> -> memref<20000x128xf32, #tpu.memory_space<hbm>>
        tpu.wait_indirect_dma semaphore(%arg11 : memref<!tpu.dma_semaphore, #tpu.memory_space<semaphore_mem>>) src(%dma_wait3A_97 : memref<20000x128xf32, #tpu.memory_space<hbm>>) dst(%arg8 : memref<80x128xf32, #tpu.memory_space<vmem>>)
        "tpu.region"() ({
          %run_scoped3A_124 = tpu.sem_alloc : memref<!tpu.dma_semaphore, #tpu.memory_space<semaphore_mem>>
          %dma_start3A_125 = arith.constant 0 : i32
          %dma_start3A_126 = tpu.memref_slice %arg7[%add3A_91, %dma_start3A_125] : memref<50x80xi32, #tpu.memory_space<vmem>> -> memref<1x80xi32, #tpu.memory_space<vmem>>
          %dma_start3A_127 = tpu.memref_squeeze %dma_start3A_126 : memref<1x80xi32, #tpu.memory_space<vmem>> -> memref<80xi32, #tpu.memory_space<vmem>>
          %dma_start3A_128 = arith.constant 0 : i32
          %dma_start3A_129 = arith.constant 0 : i32
          %dma_start3A_130 = tpu.memref_slice %arg10[%dma_start3A_128, %dma_start3A_129] : memref<10240x128xf32, #tpu.memory_space<vmem_shared>> -> memref<10240x128xf32, #tpu.memory_space<vmem_shared>>
          tpu.enqueue_indirect_dma source(%arg8 : memref<80x128xf32, #tpu.memory_space<vmem>>) target(%dma_start3A_130 : memref<10240x128xf32, #tpu.memory_space<vmem_shared>>) offsets(%dma_start3A_127 : memref<80xi32, #tpu.memory_space<vmem>>) semaphore(%run_scoped3A_124 : memref<!tpu.dma_semaphore, #tpu.memory_space<semaphore_mem>>) {add = true}
          %dma_wait3A_131 = arith.constant 0 : i32
          %dma_wait3A_132 = tpu.memref_slice %arg7[%add3A_91, %dma_wait3A_131] : memref<50x80xi32, #tpu.memory_space<vmem>> -> memref<1x80xi32, #tpu.memory_space<vmem>>
          %dma_wait3A_133 = tpu.memref_squeeze %dma_wait3A_132 : memref<1x80xi32, #tpu.memory_space<vmem>> -> memref<80xi32, #tpu.memory_space<vmem>>
          %dma_wait3A_134 = arith.constant 0 : i32
          %dma_wait3A_135 = arith.constant 0 : i32
          %dma_wait3A_136 = tpu.memref_slice %arg10[%dma_wait3A_134, %dma_wait3A_135] : memref<10240x128xf32, #tpu.memory_space<vmem_shared>> -> memref<10240x128xf32, #tpu.memory_space<vmem_shared>>
          tpu.wait_indirect_dma semaphore(%run_scoped3A_124 : memref<!tpu.dma_semaphore, #tpu.memory_space<semaphore_mem>>) src(%arg8 : memref<80x128xf32, #tpu.memory_space<vmem>>) dst(%dma_wait3A_136 : memref<10240x128xf32, #tpu.memory_space<vmem_shared>>)
          tpu.yield
        }) : () -> ()
        %add3A_98 = arith.constant 2 : i32
        %add3A_99 = arith.addi %add3A_91, %add3A_98 : i32
        %dma_start3A_100 = arith.constant 0 : i32
        %dma_start3A_101 = tpu.memref_slice %arg6[%add3A_99, %dma_start3A_100] : memref<50x80xi32, #tpu.memory_space<vmem>> -> memref<1x80xi32, #tpu.memory_space<vmem>>
        %dma_start3A_102 = tpu.memref_squeeze %dma_start3A_101 : memref<1x80xi32, #tpu.memory_space<vmem>> -> memref<80xi32, #tpu.memory_space<vmem>>
        %dma_start3A_103 = arith.constant 0 : i32
        %dma_start3A_104 = arith.constant 0 : i32
        %dma_start3A_105 = tpu.memref_slice %arg2[%dma_start3A_103, %dma_start3A_104] : memref<20000x128xf32, #tpu.memory_space<hbm>> -> memref<20000x128xf32, #tpu.memory_space<hbm>>
        tpu.enqueue_indirect_dma source(%dma_start3A_105 : memref<20000x128xf32, #tpu.memory_space<hbm>>) target(%arg8 : memref<80x128xf32, #tpu.memory_space<vmem>>) offsets(%dma_start3A_102 : memref<80xi32, #tpu.memory_space<vmem>>) semaphore(%arg11 : memref<!tpu.dma_semaphore, #tpu.memory_space<semaphore_mem>>)
        %add3A_106 = arith.constant 1 : i32
        %add3A_107 = arith.addi %add3A_91, %add3A_106 : i32
        %dma_wait3A_108 = arith.constant 0 : i32
        %dma_wait3A_109 = tpu.memref_slice %arg6[%add3A_107, %dma_wait3A_108] : memref<50x80xi32, #tpu.memory_space<vmem>> -> memref<1x80xi32, #tpu.memory_space<vmem>>
        %dma_wait3A_110 = tpu.memref_squeeze %dma_wait3A_109 : memref<1x80xi32, #tpu.memory_space<vmem>> -> memref<80xi32, #tpu.memory_space<vmem>>
        %dma_wait3A_111 = arith.constant 0 : i32
        %dma_wait3A_112 = arith.constant 0 : i32
        %dma_wait3A_113 = tpu.memref_slice %arg2[%dma_wait3A_111, %dma_wait3A_112] : memref<20000x128xf32, #tpu.memory_space<hbm>> -> memref<20000x128xf32, #tpu.memory_space<hbm>>
        tpu.wait_indirect_dma semaphore(%arg12 : memref<!tpu.dma_semaphore, #tpu.memory_space<semaphore_mem>>) src(%dma_wait3A_113 : memref<20000x128xf32, #tpu.memory_space<hbm>>) dst(%arg9 : memref<80x128xf32, #tpu.memory_space<vmem>>)
        %add3A_114 = arith.constant 1 : i32
        %add3A_115 = arith.addi %add3A_91, %add3A_114 : i32
        "tpu.region"() ({
          %run_scoped3A_124 = tpu.sem_alloc : memref<!tpu.dma_semaphore, #tpu.memory_space<semaphore_mem>>
          %dma_start3A_125 = arith.constant 0 : i32
          %dma_start3A_126 = tpu.memref_slice %arg7[%add3A_115, %dma_start3A_125] : memref<50x80xi32, #tpu.memory_space<vmem>> -> memref<1x80xi32, #tpu.memory_space<vmem>>
          %dma_start3A_127 = tpu.memref_squeeze %dma_start3A_126 : memref<1x80xi32, #tpu.memory_space<vmem>> -> memref<80xi32, #tpu.memory_space<vmem>>
          %dma_start3A_128 = arith.constant 0 : i32
          %dma_start3A_129 = arith.constant 0 : i32
          %dma_start3A_130 = tpu.memref_slice %arg10[%dma_start3A_128, %dma_start3A_129] : memref<10240x128xf32, #tpu.memory_space<vmem_shared>> -> memref<10240x128xf32, #tpu.memory_space<vmem_shared>>
          tpu.enqueue_indirect_dma source(%arg9 : memref<80x128xf32, #tpu.memory_space<vmem>>) target(%dma_start3A_130 : memref<10240x128xf32, #tpu.memory_space<vmem_shared>>) offsets(%dma_start3A_127 : memref<80xi32, #tpu.memory_space<vmem>>) semaphore(%run_scoped3A_124 : memref<!tpu.dma_semaphore, #tpu.memory_space<semaphore_mem>>) {add = true}
          %dma_wait3A_131 = arith.constant 0 : i32
          %dma_wait3A_132 = tpu.memref_slice %arg7[%add3A_115, %dma_wait3A_131] : memref<50x80xi32, #tpu.memory_space<vmem>> -> memref<1x80xi32, #tpu.memory_space<vmem>>
          %dma_wait3A_133 = tpu.memref_squeeze %dma_wait3A_132 : memref<1x80xi32, #tpu.memory_space<vmem>> -> memref<80xi32, #tpu.memory_space<vmem>>
          %dma_wait3A_134 = arith.constant 0 : i32
          %dma_wait3A_135 = arith.constant 0 : i32
          %dma_wait3A_136 = tpu.memref_slice %arg10[%dma_wait3A_134, %dma_wait3A_135] : memref<10240x128xf32, #tpu.memory_space<vmem_shared>> -> memref<10240x128xf32, #tpu.memory_space<vmem_shared>>
          tpu.wait_indirect_dma semaphore(%run_scoped3A_124 : memref<!tpu.dma_semaphore, #tpu.memory_space<semaphore_mem>>) src(%arg9 : memref<80x128xf32, #tpu.memory_space<vmem>>) dst(%dma_wait3A_136 : memref<10240x128xf32, #tpu.memory_space<vmem_shared>>)
          tpu.yield
        }) : () -> ()
        %add3A_116 = arith.constant 3 : i32
        %add3A_117 = arith.addi %add3A_91, %add3A_116 : i32
        %dma_start3A_118 = arith.constant 0 : i32
        %dma_start3A_119 = tpu.memref_slice %arg6[%add3A_117, %dma_start3A_118] : memref<50x80xi32, #tpu.memory_space<vmem>> -> memref<1x80xi32, #tpu.memory_space<vmem>>
        %dma_start3A_120 = tpu.memref_squeeze %dma_start3A_119 : memref<1x80xi32, #tpu.memory_space<vmem>> -> memref<80xi32, #tpu.memory_space<vmem>>
        %dma_start3A_121 = arith.constant 0 : i32
        %dma_start3A_122 = arith.constant 0 : i32
        %dma_start3A_123 = tpu.memref_slice %arg2[%dma_start3A_121, %dma_start3A_122] : memref<20000x128xf32, #tpu.memory_space<hbm>> -> memref<20000x128xf32, #tpu.memory_space<hbm>>
        tpu.enqueue_indirect_dma source(%dma_start3A_123 : memref<20000x128xf32, #tpu.memory_space<hbm>>) target(%arg9 : memref<80x128xf32, #tpu.memory_space<vmem>>) offsets(%dma_start3A_120 : memref<80xi32, #tpu.memory_space<vmem>>) semaphore(%arg12 : memref<!tpu.dma_semaphore, #tpu.memory_space<semaphore_mem>>)
      }
      %scan3A_71 = arith.constant 24 : i32
      %dma_wait3A_72 = arith.constant 48 : i32
      %dma_wait3A_73 = arith.constant 0 : i32
      %dma_wait3A_74 = tpu.memref_slice %arg6[%dma_wait3A_72, %dma_wait3A_73] : memref<50x80xi32, #tpu.memory_space<vmem>> -> memref<1x80xi32, #tpu.memory_space<vmem>>
      %dma_wait3A_75 = tpu.memref_squeeze %dma_wait3A_74 : memref<1x80xi32, #tpu.memory_space<vmem>> -> memref<80xi32, #tpu.memory_space<vmem>>
      %dma_wait3A_76 = arith.constant 0 : i32
      %dma_wait3A_77 = arith.constant 0 : i32
      %dma_wait3A_78 = tpu.memref_slice %arg2[%dma_wait3A_76, %dma_wait3A_77] : memref<20000x128xf32, #tpu.memory_space<hbm>> -> memref<20000x128xf32, #tpu.memory_space<hbm>>
      tpu.wait_indirect_dma semaphore(%arg11 : memref<!tpu.dma_semaphore, #tpu.memory_space<semaphore_mem>>) src(%dma_wait3A_78 : memref<20000x128xf32, #tpu.memory_space<hbm>>) dst(%arg8 : memref<80x128xf32, #tpu.memory_space<vmem>>)
      %run_scoped3A = arith.constant 48 : i32
      "tpu.region"() ({
        %run_scoped3A_87 = tpu.sem_alloc : memref<!tpu.dma_semaphore, #tpu.memory_space<semaphore_mem>>
        %dma_start3A_88 = arith.constant 0 : i32
        %dma_start3A_89 = tpu.memref_slice %arg7[%run_scoped3A, %dma_start3A_88] : memref<50x80xi32, #tpu.memory_space<vmem>> -> memref<1x80xi32, #tpu.memory_space<vmem>>
        %dma_start3A_90 = tpu.memref_squeeze %dma_start3A_89 : memref<1x80xi32, #tpu.memory_space<vmem>> -> memref<80xi32, #tpu.memory_space<vmem>>
        %dma_start3A_91 = arith.constant 0 : i32
        %dma_start3A_92 = arith.constant 0 : i32
        %dma_start3A_93 = tpu.memref_slice %arg10[%dma_start3A_91, %dma_start3A_92] : memref<10240x128xf32, #tpu.memory_space<vmem_shared>> -> memref<10240x128xf32, #tpu.memory_space<vmem_shared>>
        tpu.enqueue_indirect_dma source(%arg8 : memref<80x128xf32, #tpu.memory_space<vmem>>) target(%dma_start3A_93 : memref<10240x128xf32, #tpu.memory_space<vmem_shared>>) offsets(%dma_start3A_90 : memref<80xi32, #tpu.memory_space<vmem>>) semaphore(%run_scoped3A_87 : memref<!tpu.dma_semaphore, #tpu.memory_space<semaphore_mem>>) {add = true}
        %dma_wait3A_94 = arith.constant 0 : i32
        %dma_wait3A_95 = tpu.memref_slice %arg7[%run_scoped3A, %dma_wait3A_94] : memref<50x80xi32, #tpu.memory_space<vmem>> -> memref<1x80xi32, #tpu.memory_space<vmem>>
        %dma_wait3A_96 = tpu.memref_squeeze %dma_wait3A_95 : memref<1x80xi32, #tpu.memory_space<vmem>> -> memref<80xi32, #tpu.memory_space<vmem>>
        %dma_wait3A_97 = arith.constant 0 : i32
        %dma_wait3A_98 = arith.constant 0 : i32
        %dma_wait3A_99 = tpu.memref_slice %arg10[%dma_wait3A_97, %dma_wait3A_98] : memref<10240x128xf32, #tpu.memory_space<vmem_shared>> -> memref<10240x128xf32, #tpu.memory_space<vmem_shared>>
        tpu.wait_indirect_dma semaphore(%run_scoped3A_87 : memref<!tpu.dma_semaphore, #tpu.memory_space<semaphore_mem>>) src(%arg8 : memref<80x128xf32, #tpu.memory_space<vmem>>) dst(%dma_wait3A_99 : memref<10240x128xf32, #tpu.memory_space<vmem_shared>>)
        tpu.yield
      }) : () -> ()
      %dma_wait3A_79 = arith.constant 49 : i32
      %dma_wait3A_80 = arith.constant 0 : i32
      %dma_wait3A_81 = tpu.memref_slice %arg6[%dma_wait3A_79, %dma_wait3A_80] : memref<50x80xi32, #tpu.memory_space<vmem>> -> memref<1x80xi32, #tpu.memory_space<vmem>>
      %dma_wait3A_82 = tpu.memref_squeeze %dma_wait3A_81 : memref<1x80xi32, #tpu.memory_space<vmem>> -> memref<80xi32, #tpu.memory_space<vmem>>
      %dma_wait3A_83 = arith.constant 0 : i32
      %dma_wait3A_84 = arith.constant 0 : i32
      %dma_wait3A_85 = tpu.memref_slice %arg2[%dma_wait3A_83, %dma_wait3A_84] : memref<20000x128xf32, #tpu.memory_space<hbm>> -> memref<20000x128xf32, #tpu.memory_space<hbm>>
      tpu.wait_indirect_dma semaphore(%arg12 : memref<!tpu.dma_semaphore, #tpu.memory_space<semaphore_mem>>) src(%dma_wait3A_85 : memref<20000x128xf32, #tpu.memory_space<hbm>>) dst(%arg9 : memref<80x128xf32, #tpu.memory_space<vmem>>)
      %run_scoped3A_86 = arith.constant 49 : i32
      "tpu.region"() ({
        %run_scoped3A_87 = tpu.sem_alloc : memref<!tpu.dma_semaphore, #tpu.memory_space<semaphore_mem>>
        %dma_start3A_88 = arith.constant 0 : i32
        %dma_start3A_89 = tpu.memref_slice %arg7[%run_scoped3A_86, %dma_start3A_88] : memref<50x80xi32, #tpu.memory_space<vmem>> -> memref<1x80xi32, #tpu.memory_space<vmem>>
        %dma_start3A_90 = tpu.memref_squeeze %dma_start3A_89 : memref<1x80xi32, #tpu.memory_space<vmem>> -> memref<80xi32, #tpu.memory_space<vmem>>
        %dma_start3A_91 = arith.constant 0 : i32
        %dma_start3A_92 = arith.constant 0 : i32
        %dma_start3A_93 = tpu.memref_slice %arg10[%dma_start3A_91, %dma_start3A_92] : memref<10240x128xf32, #tpu.memory_space<vmem_shared>> -> memref<10240x128xf32, #tpu.memory_space<vmem_shared>>
        tpu.enqueue_indirect_dma source(%arg9 : memref<80x128xf32, #tpu.memory_space<vmem>>) target(%dma_start3A_93 : memref<10240x128xf32, #tpu.memory_space<vmem_shared>>) offsets(%dma_start3A_90 : memref<80xi32, #tpu.memory_space<vmem>>) semaphore(%run_scoped3A_87 : memref<!tpu.dma_semaphore, #tpu.memory_space<semaphore_mem>>) {add = true}
        %dma_wait3A_94 = arith.constant 0 : i32
        %dma_wait3A_95 = tpu.memref_slice %arg7[%run_scoped3A_86, %dma_wait3A_94] : memref<50x80xi32, #tpu.memory_space<vmem>> -> memref<1x80xi32, #tpu.memory_space<vmem>>
        %dma_wait3A_96 = tpu.memref_squeeze %dma_wait3A_95 : memref<1x80xi32, #tpu.memory_space<vmem>> -> memref<80xi32, #tpu.memory_space<vmem>>
        %dma_wait3A_97 = arith.constant 0 : i32
        %dma_wait3A_98 = arith.constant 0 : i32
        %dma_wait3A_99 = tpu.memref_slice %arg10[%dma_wait3A_97, %dma_wait3A_98] : memref<10240x128xf32, #tpu.memory_space<vmem_shared>> -> memref<10240x128xf32, #tpu.memory_space<vmem_shared>>
        tpu.wait_indirect_dma semaphore(%run_scoped3A_87 : memref<!tpu.dma_semaphore, #tpu.memory_space<semaphore_mem>>) src(%arg9 : memref<80x128xf32, #tpu.memory_space<vmem>>) dst(%dma_wait3A_99 : memref<10240x128xf32, #tpu.memory_space<vmem_shared>>)
        tpu.yield
      }) : () -> ()
    }
    %scan3A_13 = arith.constant 5 : i32
    %barrier3A_14 = arith.constant 0 : index
    tpu.barrier barrier_id(%barrier3A_14)
    %scan3A_15 = arith.constant 0 : i32
    %scan3A_16 = arith.constant 5 : i32
    %scan3A_17 = arith.addi %scan3A_15, %scan3A_16 : i32
    %scan3A_18 = arith.constant 1 : i32
    scf.for %scan3A_20 = %scan3A_15 to %scan3A_17 step %scan3A_18  : i32 {
      %mul3A = arith.constant 1 : i32
      %mul3A_21 = arith.muli %scan3A_20, %mul3A : i32
      %add3A = arith.constant 0 : i32
      %add3A_22 = arith.addi %add3A, %mul3A_21 : i32
      %mul3A_23 = arith.constant 640 : i32
      %mul3A_24 = arith.muli %arg1, %mul3A_23 : i32
      %mul3A_25 = arith.constant 128 : i32
      %mul3A_26 = arith.muli %add3A_22, %mul3A_25 : i32
      %add3A_27 = arith.addi %mul3A_24, %mul3A_26 : i32
      "tpu.region"() ({
        %run_scoped3A = tpu.sem_alloc : memref<!tpu.dma_semaphore, #tpu.memory_space<semaphore_mem>>
        %dma_start3A = arith.constant 0 : i32
        %dma_start3A_28 = tpu.memref_slice %arg5[%arg0, %add3A_27, %dma_start3A] : memref<2x10240x128xf32, #tpu.memory_space<hbm>> -> memref<1x128x128xf32, #tpu.memory_space<hbm>>
        %dma_start3A_29 = tpu.memref_squeeze %dma_start3A_28 : memref<1x128x128xf32, #tpu.memory_space<hbm>> -> memref<128x128xf32, #tpu.memory_space<hbm>>
        %dma_start3A_30 = arith.constant 0 : i32
        %dma_start3A_31 = tpu.memref_slice %arg10[%add3A_27, %dma_start3A_30] : memref<10240x128xf32, #tpu.memory_space<vmem_shared>> -> memref<128x128xf32, #tpu.memory_space<vmem_shared>>
        tpu.enqueue_dma source(%dma_start3A_31 : memref<128x128xf32, #tpu.memory_space<vmem_shared>>) target(%dma_start3A_29 : memref<128x128xf32, #tpu.memory_space<hbm>>) target_semaphore(%run_scoped3A : memref<!tpu.dma_semaphore, #tpu.memory_space<semaphore_mem>>)
        %dma_wait3A = arith.constant 0 : i32
        %dma_wait3A_32 = tpu.memref_slice %arg5[%arg0, %add3A_27, %dma_wait3A] : memref<2x10240x128xf32, #tpu.memory_space<hbm>> -> memref<1x128x128xf32, #tpu.memory_space<hbm>>
        %dma_wait3A_33 = tpu.memref_squeeze %dma_wait3A_32 : memref<1x128x128xf32, #tpu.memory_space<hbm>> -> memref<128x128xf32, #tpu.memory_space<hbm>>
        %dma_wait3A_34 = arith.constant 0 : i32
        %dma_wait3A_35 = tpu.memref_slice %arg10[%add3A_27, %dma_wait3A_34] : memref<10240x128xf32, #tpu.memory_space<vmem_shared>> -> memref<128x128xf32, #tpu.memory_space<vmem_shared>>
        tpu.wait_dma2 semaphore(%run_scoped3A : memref<!tpu.dma_semaphore, #tpu.memory_space<semaphore_mem>>) src(%dma_wait3A_35 : memref<128x128xf32, #tpu.memory_space<vmem_shared>>) dst(%dma_wait3A_33 : memref<128x128xf32, #tpu.memory_space<hbm>>)
        tpu.yield
      }) : () -> ()
    }
    %scan3A_19 = arith.constant 5 : i32
    return
  }
}

#map = affine_map<(d0, d1) -> (0, 0)>
#map1 = affine_map<(d0, d1) -> (0, 0, 0, 0, 0)>
#map2 = affine_map<(d0, d1) -> (0, 0, 0)>
module attributes {stable_mosaic.version = 14 : i64} {
  func.func @_sc_agg(%arg0: i32, %arg1: i32, %arg2: memref<20000x128xf32, #tpu.memory_space<hbm>>, %arg3: memref<2x16x5x50x80xi32, #tpu.memory_space<hbm>>, %arg4: memref<2x16x5x50x80xi32, #tpu.memory_space<hbm>>, %arg5: memref<2x10240x128xf32, #tpu.memory_space<hbm>>, %arg6: memref<50x80xi32, #tpu.memory_space<vmem>>, %arg7: memref<50x80xi32, #tpu.memory_space<vmem>>, %arg8: memref<80x128xf32, #tpu.memory_space<vmem>>, %arg9: memref<80x128xf32, #tpu.memory_space<vmem>>, %arg10: memref<10240x128xf32, #tpu.memory_space<vmem_shared>>, %arg11: memref<!tpu.dma_semaphore, #tpu.memory_space<semaphore_mem>>, %arg12: memref<!tpu.dma_semaphore, #tpu.memory_space<semaphore_mem>>, %arg13: memref<!tpu.dma_semaphore, #tpu.memory_space<semaphore_mem>>) attributes {dimension_semantics = [#tpu.dimension_semantics<core_parallel>, #tpu.dimension_semantics<subcore_parallel>], iteration_bounds = array<i64: 2, 16>, scalar_prefetch = 0 : i64, scratch_operands = 8 : i64, tpu.core_type = #tpu.core_type<sc_vector_subcore>, window_params = [{transform_indices = #map}, {transform_indices = #map1}, {transform_indices = #map1}, {transform_indices = #map2}]} {
    %scan3A = arith.constant 0 : i32
    %scan3A_0 = arith.constant 80 : i32
    %scan3A_1 = arith.addi %scan3A, %scan3A_0 : i32
    %scan3A_2 = arith.constant 1 : i32
    scf.for %scan3A_20 = %scan3A to %scan3A_1 step %scan3A_2  : i32 {
      %mul3A = arith.constant 1 : i32
      %mul3A_21 = arith.muli %scan3A_20, %mul3A : i32
      %add3A = arith.constant 0 : i32
      %add3A_22 = arith.addi %add3A, %mul3A_21 : i32
      %scan3A_23 = arith.constant 0 : i32
      %scan3A_24 = arith.constant 8 : i32
      %scan3A_25 = arith.addi %scan3A_23, %scan3A_24 : i32
      %scan3A_26 = arith.constant 1 : i32
      scf.for %scan3A_28 = %scan3A_23 to %scan3A_25 step %scan3A_26  : i32 {
        %mul3A_29 = arith.constant 1 : i32
        %mul3A_30 = arith.muli %scan3A_28, %mul3A_29 : i32
        %add3A_31 = arith.constant 0 : i32
        %add3A_32 = arith.addi %add3A_31, %mul3A_30 : i32
        %broadcast_in_dim3A = arith.constant 0.000000e+00 : f32
        %broadcast_in_dim3A_33 = vector.broadcast %broadcast_in_dim3A : f32 to vector<16xf32>
        %mul3A_34 = arith.constant 16 : i32
        %mul3A_35 = arith.muli %add3A_32, %mul3A_34 : i32
        %swap3A = arith.index_cast %add3A_22 : i32 to index
        %swap3A_36 = arith.index_cast %mul3A_35 : i32 to index
        %swap3A_37 = tpu.vector_load %arg8[%swap3A, %swap3A_36] {strides = array<i32>} : memref<80x128xf32, #tpu.memory_space<vmem>>, vector<1x16xf32>,
        %swap3A_38 = vector.shape_cast %swap3A_37 : vector<1x16xf32> to vector<16xf32>
        %swap3A_39 = vector.shape_cast %broadcast_in_dim3A_33 : vector<16xf32> to vector<1x16xf32>
        tpu.vector_store %arg8[%swap3A, %swap3A_36], %swap3A_39 {strides = array<i32>} : memref<80x128xf32, #tpu.memory_space<vmem>>, vector<1x16xf32>,
      }
      %scan3A_27 = arith.constant 8 : i32
    }
    %scan3A_3 = arith.constant 80 : i32
    %scan3A_4 = arith.constant 0 : i32
    %scan3A_5 = arith.constant 8 : i32
    %scan3A_6 = arith.addi %scan3A_4, %scan3A_5 : i32
    %scan3A_7 = arith.constant 1 : i32
    scf.for %scan3A_20 = %scan3A_4 to %scan3A_6 step %scan3A_7  : i32 {
      %mul3A = arith.constant 1 : i32
      %mul3A_21 = arith.muli %scan3A_20, %mul3A : i32
      %add3A = arith.constant 0 : i32
      %add3A_22 = arith.addi %add3A, %mul3A_21 : i32
      %mul3A_23 = arith.constant 640 : i32
      %mul3A_24 = arith.muli %arg1, %mul3A_23 : i32
      %mul3A_25 = arith.constant 80 : i32
      %mul3A_26 = arith.muli %add3A_22, %mul3A_25 : i32
      %add3A_27 = arith.addi %mul3A_24, %mul3A_26 : i32
      "tpu.region"() ({
        %run_scoped3A = tpu.sem_alloc : memref<!tpu.dma_semaphore, #tpu.memory_space<semaphore_mem>>
        %dma_start3A = arith.constant 0 : i32
        %dma_start3A_28 = tpu.memref_slice %arg10[%add3A_27, %dma_start3A] : memref<10240x128xf32, #tpu.memory_space<vmem_shared>> -> memref<80x128xf32, #tpu.memory_space<vmem_shared>>
        %dma_start3A_29 = arith.constant 0 : i32
        %dma_start3A_30 = tpu.memref_slice %arg10[%add3A_27, %dma_start3A_29] : memref<10240x128xf32, #tpu.memory_space<vmem_shared>> -> memref<80x128xf32, #tpu.memory_space<vmem_shared>>
        tpu.enqueue_dma source(%arg8 : memref<80x128xf32, #tpu.memory_space<vmem>>) target(%dma_start3A_30 : memref<80x128xf32, #tpu.memory_space<vmem_shared>>) target_semaphore(%run_scoped3A : memref<!tpu.dma_semaphore, #tpu.memory_space<semaphore_mem>>)
        %dma_wait3A = arith.constant 0 : i32
        %dma_wait3A_31 = tpu.memref_slice %arg10[%add3A_27, %dma_wait3A] : memref<10240x128xf32, #tpu.memory_space<vmem_shared>> -> memref<80x128xf32, #tpu.memory_space<vmem_shared>>
        %dma_wait3A_32 = arith.constant 0 : i32
        %dma_wait3A_33 = tpu.memref_slice %arg10[%add3A_27, %dma_wait3A_32] : memref<10240x128xf32, #tpu.memory_space<vmem_shared>> -> memref<80x128xf32, #tpu.memory_space<vmem_shared>>
        tpu.wait_dma2 semaphore(%run_scoped3A : memref<!tpu.dma_semaphore, #tpu.memory_space<semaphore_mem>>) src(%arg8 : memref<80x128xf32, #tpu.memory_space<vmem>>) dst(%dma_wait3A_33 : memref<80x128xf32, #tpu.memory_space<vmem_shared>>)
        tpu.yield
      }) : () -> ()
    }
    %scan3A_8 = arith.constant 8 : i32
    %barrier3A = arith.constant 0 : index
    tpu.barrier barrier_id(%barrier3A)
    %scan3A_9 = arith.constant 0 : i32
    %scan3A_10 = arith.constant 5 : i32
    %scan3A_11 = arith.addi %scan3A_9, %scan3A_10 : i32
    %scan3A_12 = arith.constant 1 : i32
    scf.for %scan3A_20 = %scan3A_9 to %scan3A_11 step %scan3A_12  : i32 {
      %mul3A = arith.constant 1 : i32
      %mul3A_21 = arith.muli %scan3A_20, %mul3A : i32
      %add3A = arith.constant 0 : i32
      %add3A_22 = arith.addi %add3A, %mul3A_21 : i32
      %dma_start3A = arith.constant 0 : i32
      %dma_start3A_23 = arith.constant 0 : i32
      %dma_start3A_24 = tpu.memref_slice %arg3[%arg0, %arg1, %add3A_22, %dma_start3A, %dma_start3A_23] : memref<2x16x5x50x80xi32, #tpu.memory_space<hbm>> -> memref<1x1x1x50x80xi32, #tpu.memory_space<hbm>>
      %dma_start3A_25 = tpu.memref_squeeze %dma_start3A_24 : memref<1x1x1x50x80xi32, #tpu.memory_space<hbm>> -> memref<50x80xi32, #tpu.memory_space<hbm>>
      %dma_start3A_26 = arith.constant 0 : i32
      %dma_start3A_27 = arith.constant 0 : i32
      %dma_start3A_28 = tpu.memref_slice %arg3[%arg0, %arg1, %add3A_22, %dma_start3A_26, %dma_start3A_27] : memref<2x16x5x50x80xi32, #tpu.memory_space<hbm>> -> memref<1x1x1x50x80xi32, #tpu.memory_space<hbm>>
      %dma_start3A_29 = tpu.memref_squeeze %dma_start3A_28 : memref<1x1x1x50x80xi32, #tpu.memory_space<hbm>> -> memref<50x80xi32, #tpu.memory_space<hbm>>
      tpu.enqueue_dma source(%dma_start3A_29 : memref<50x80xi32, #tpu.memory_space<hbm>>) target(%arg6 : memref<50x80xi32, #tpu.memory_space<vmem>>) target_semaphore(%arg13 : memref<!tpu.dma_semaphore, #tpu.memory_space<semaphore_mem>>)
      %dma_wait3A = arith.constant 0 : i32
      %dma_wait3A_30 = arith.constant 0 : i32
      %dma_wait3A_31 = tpu.memref_slice %arg3[%arg0, %arg1, %add3A_22, %dma_wait3A, %dma_wait3A_30] : memref<2x16x5x50x80xi32, #tpu.memory_space<hbm>> -> memref<1x1x1x50x80xi32, #tpu.memory_space<hbm>>
      %dma_wait3A_32 = tpu.memref_squeeze %dma_wait3A_31 : memref<1x1x1x50x80xi32, #tpu.memory_space<hbm>> -> memref<50x80xi32, #tpu.memory_space<hbm>>
      %dma_wait3A_33 = arith.constant 0 : i32
      %dma_wait3A_34 = arith.constant 0 : i32
      %dma_wait3A_35 = tpu.memref_slice %arg3[%arg0, %arg1, %add3A_22, %dma_wait3A_33, %dma_wait3A_34] : memref<2x16x5x50x80xi32, #tpu.memory_space<hbm>> -> memref<1x1x1x50x80xi32, #tpu.memory_space<hbm>>
      %dma_wait3A_36 = tpu.memref_squeeze %dma_wait3A_35 : memref<1x1x1x50x80xi32, #tpu.memory_space<hbm>> -> memref<50x80xi32, #tpu.memory_space<hbm>>
      tpu.wait_dma2 semaphore(%arg13 : memref<!tpu.dma_semaphore, #tpu.memory_space<semaphore_mem>>) src(%dma_wait3A_36 : memref<50x80xi32, #tpu.memory_space<hbm>>) dst(%arg6 : memref<50x80xi32, #tpu.memory_space<vmem>>)
      %dma_start3A_37 = arith.constant 0 : i32
      %dma_start3A_38 = arith.constant 0 : i32
      %dma_start3A_39 = tpu.memref_slice %arg4[%arg0, %arg1, %add3A_22, %dma_start3A_37, %dma_start3A_38] : memref<2x16x5x50x80xi32, #tpu.memory_space<hbm>> -> memref<1x1x1x50x80xi32, #tpu.memory_space<hbm>>
      %dma_start3A_40 = tpu.memref_squeeze %dma_start3A_39 : memref<1x1x1x50x80xi32, #tpu.memory_space<hbm>> -> memref<50x80xi32, #tpu.memory_space<hbm>>
      %dma_start3A_41 = arith.constant 0 : i32
      %dma_start3A_42 = arith.constant 0 : i32
      %dma_start3A_43 = tpu.memref_slice %arg4[%arg0, %arg1, %add3A_22, %dma_start3A_41, %dma_start3A_42] : memref<2x16x5x50x80xi32, #tpu.memory_space<hbm>> -> memref<1x1x1x50x80xi32, #tpu.memory_space<hbm>>
      %dma_start3A_44 = tpu.memref_squeeze %dma_start3A_43 : memref<1x1x1x50x80xi32, #tpu.memory_space<hbm>> -> memref<50x80xi32, #tpu.memory_space<hbm>>
      tpu.enqueue_dma source(%dma_start3A_44 : memref<50x80xi32, #tpu.memory_space<hbm>>) target(%arg7 : memref<50x80xi32, #tpu.memory_space<vmem>>) target_semaphore(%arg13 : memref<!tpu.dma_semaphore, #tpu.memory_space<semaphore_mem>>)
      %dma_wait3A_45 = arith.constant 0 : i32
      %dma_wait3A_46 = arith.constant 0 : i32
      %dma_wait3A_47 = tpu.memref_slice %arg4[%arg0, %arg1, %add3A_22, %dma_wait3A_45, %dma_wait3A_46] : memref<2x16x5x50x80xi32, #tpu.memory_space<hbm>> -> memref<1x1x1x50x80xi32, #tpu.memory_space<hbm>>
      %dma_wait3A_48 = tpu.memref_squeeze %dma_wait3A_47 : memref<1x1x1x50x80xi32, #tpu.memory_space<hbm>> -> memref<50x80xi32, #tpu.memory_space<hbm>>
      %dma_wait3A_49 = arith.constant 0 : i32
      %dma_wait3A_50 = arith.constant 0 : i32
      %dma_wait3A_51 = tpu.memref_slice %arg4[%arg0, %arg1, %add3A_22, %dma_wait3A_49, %dma_wait3A_50] : memref<2x16x5x50x80xi32, #tpu.memory_space<hbm>> -> memref<1x1x1x50x80xi32, #tpu.memory_space<hbm>>
      %dma_wait3A_52 = tpu.memref_squeeze %dma_wait3A_51 : memref<1x1x1x50x80xi32, #tpu.memory_space<hbm>> -> memref<50x80xi32, #tpu.memory_space<hbm>>
      tpu.wait_dma2 semaphore(%arg13 : memref<!tpu.dma_semaphore, #tpu.memory_space<semaphore_mem>>) src(%dma_wait3A_52 : memref<50x80xi32, #tpu.memory_space<hbm>>) dst(%arg7 : memref<50x80xi32, #tpu.memory_space<vmem>>)
      %dma_start3A_53 = arith.constant 0 : i32
      %dma_start3A_54 = arith.constant 0 : i32
      %dma_start3A_55 = tpu.memref_slice %arg6[%dma_start3A_53, %dma_start3A_54] : memref<50x80xi32, #tpu.memory_space<vmem>> -> memref<1x80xi32, #tpu.memory_space<vmem>>
      %dma_start3A_56 = tpu.memref_squeeze %dma_start3A_55 : memref<1x80xi32, #tpu.memory_space<vmem>> -> memref<80xi32, #tpu.memory_space<vmem>>
      %dma_start3A_57 = arith.constant 0 : i32
      %dma_start3A_58 = arith.constant 0 : i32
      %dma_start3A_59 = tpu.memref_slice %arg2[%dma_start3A_57, %dma_start3A_58] : memref<20000x128xf32, #tpu.memory_space<hbm>> -> memref<20000x128xf32, #tpu.memory_space<hbm>>
      tpu.enqueue_indirect_dma source(%dma_start3A_59 : memref<20000x128xf32, #tpu.memory_space<hbm>>) target(%arg8 : memref<80x128xf32, #tpu.memory_space<vmem>>) offsets(%dma_start3A_56 : memref<80xi32, #tpu.memory_space<vmem>>) semaphore(%arg11 : memref<!tpu.dma_semaphore, #tpu.memory_space<semaphore_mem>>)
      %dma_start3A_60 = arith.constant 1 : i32
      %dma_start3A_61 = arith.constant 0 : i32
      %dma_start3A_62 = tpu.memref_slice %arg6[%dma_start3A_60, %dma_start3A_61] : memref<50x80xi32, #tpu.memory_space<vmem>> -> memref<1x80xi32, #tpu.memory_space<vmem>>
      %dma_start3A_63 = tpu.memref_squeeze %dma_start3A_62 : memref<1x80xi32, #tpu.memory_space<vmem>> -> memref<80xi32, #tpu.memory_space<vmem>>
      %dma_start3A_64 = arith.constant 0 : i32
      %dma_start3A_65 = arith.constant 0 : i32
      %dma_start3A_66 = tpu.memref_slice %arg2[%dma_start3A_64, %dma_start3A_65] : memref<20000x128xf32, #tpu.memory_space<hbm>> -> memref<20000x128xf32, #tpu.memory_space<hbm>>
      tpu.enqueue_indirect_dma source(%dma_start3A_66 : memref<20000x128xf32, #tpu.memory_space<hbm>>) target(%arg9 : memref<80x128xf32, #tpu.memory_space<vmem>>) offsets(%dma_start3A_63 : memref<80xi32, #tpu.memory_space<vmem>>) semaphore(%arg12 : memref<!tpu.dma_semaphore, #tpu.memory_space<semaphore_mem>>)
      %scan3A_67 = arith.constant 0 : i32
      %scan3A_68 = arith.constant 24 : i32
      %scan3A_69 = arith.addi %scan3A_67, %scan3A_68 : i32
      %scan3A_70 = arith.constant 1 : i32
      scf.for %scan3A_87 = %scan3A_67 to %scan3A_69 step %scan3A_70  : i32 {
        %mul3A_88 = arith.constant 2 : i32
        %mul3A_89 = arith.muli %scan3A_87, %mul3A_88 : i32
        %add3A_90 = arith.constant 0 : i32
        %add3A_91 = arith.addi %add3A_90, %mul3A_89 : i32
        %dma_wait3A_92 = arith.constant 0 : i32
        %dma_wait3A_93 = tpu.memref_slice %arg6[%add3A_91, %dma_wait3A_92] : memref<50x80xi32, #tpu.memory_space<vmem>> -> memref<1x80xi32, #tpu.memory_space<vmem>>
        %dma_wait3A_94 = tpu.memref_squeeze %dma_wait3A_93 : memref<1x80xi32, #tpu.memory_space<vmem>> -> memref<80xi32, #tpu.memory_space<vmem>>
        %dma_wait3A_95 = arith.constant 0 : i32
        %dma_wait3A_96 = arith.constant 0 : i32
        %dma_wait3A_97 = tpu.memref_slice %arg2[%dma_wait3A_95, %dma_wait3A_96] : memref<20000x128xf32, #tpu.memory_space<hbm>> -> memref<20000x128xf32, #tpu.memory_space<hbm>>
        tpu.wait_indirect_dma semaphore(%arg11 : memref<!tpu.dma_semaphore, #tpu.memory_space<semaphore_mem>>) src(%dma_wait3A_97 : memref<20000x128xf32, #tpu.memory_space<hbm>>) dst(%arg8 : memref<80x128xf32, #tpu.memory_space<vmem>>)
        "tpu.region"() ({
          %run_scoped3A_124 = tpu.sem_alloc : memref<!tpu.dma_semaphore, #tpu.memory_space<semaphore_mem>>
          %dma_start3A_125 = arith.constant 0 : i32
          %dma_start3A_126 = tpu.memref_slice %arg7[%add3A_91, %dma_start3A_125] : memref<50x80xi32, #tpu.memory_space<vmem>> -> memref<1x80xi32, #tpu.memory_space<vmem>>
          %dma_start3A_127 = tpu.memref_squeeze %dma_start3A_126 : memref<1x80xi32, #tpu.memory_space<vmem>> -> memref<80xi32, #tpu.memory_space<vmem>>
          %dma_start3A_128 = arith.constant 0 : i32
          %dma_start3A_129 = arith.constant 0 : i32
          %dma_start3A_130 = tpu.memref_slice %arg10[%dma_start3A_128, %dma_start3A_129] : memref<10240x128xf32, #tpu.memory_space<vmem_shared>> -> memref<10240x128xf32, #tpu.memory_space<vmem_shared>>
          tpu.enqueue_indirect_dma source(%arg8 : memref<80x128xf32, #tpu.memory_space<vmem>>) target(%dma_start3A_130 : memref<10240x128xf32, #tpu.memory_space<vmem_shared>>) offsets(%dma_start3A_127 : memref<80xi32, #tpu.memory_space<vmem>>) semaphore(%run_scoped3A_124 : memref<!tpu.dma_semaphore, #tpu.memory_space<semaphore_mem>>) {add = true}
          %dma_wait3A_131 = arith.constant 0 : i32
          %dma_wait3A_132 = tpu.memref_slice %arg7[%add3A_91, %dma_wait3A_131] : memref<50x80xi32, #tpu.memory_space<vmem>> -> memref<1x80xi32, #tpu.memory_space<vmem>>
          %dma_wait3A_133 = tpu.memref_squeeze %dma_wait3A_132 : memref<1x80xi32, #tpu.memory_space<vmem>> -> memref<80xi32, #tpu.memory_space<vmem>>
          %dma_wait3A_134 = arith.constant 0 : i32
          %dma_wait3A_135 = arith.constant 0 : i32
          %dma_wait3A_136 = tpu.memref_slice %arg10[%dma_wait3A_134, %dma_wait3A_135] : memref<10240x128xf32, #tpu.memory_space<vmem_shared>> -> memref<10240x128xf32, #tpu.memory_space<vmem_shared>>
          tpu.wait_indirect_dma semaphore(%run_scoped3A_124 : memref<!tpu.dma_semaphore, #tpu.memory_space<semaphore_mem>>) src(%arg8 : memref<80x128xf32, #tpu.memory_space<vmem>>) dst(%dma_wait3A_136 : memref<10240x128xf32, #tpu.memory_space<vmem_shared>>)
          tpu.yield
        }) : () -> ()
        %add3A_98 = arith.constant 2 : i32
        %add3A_99 = arith.addi %add3A_91, %add3A_98 : i32
        %dma_start3A_100 = arith.constant 0 : i32
        %dma_start3A_101 = tpu.memref_slice %arg6[%add3A_99, %dma_start3A_100] : memref<50x80xi32, #tpu.memory_space<vmem>> -> memref<1x80xi32, #tpu.memory_space<vmem>>
        %dma_start3A_102 = tpu.memref_squeeze %dma_start3A_101 : memref<1x80xi32, #tpu.memory_space<vmem>> -> memref<80xi32, #tpu.memory_space<vmem>>
        %dma_start3A_103 = arith.constant 0 : i32
        %dma_start3A_104 = arith.constant 0 : i32
        %dma_start3A_105 = tpu.memref_slice %arg2[%dma_start3A_103, %dma_start3A_104] : memref<20000x128xf32, #tpu.memory_space<hbm>> -> memref<20000x128xf32, #tpu.memory_space<hbm>>
        tpu.enqueue_indirect_dma source(%dma_start3A_105 : memref<20000x128xf32, #tpu.memory_space<hbm>>) target(%arg8 : memref<80x128xf32, #tpu.memory_space<vmem>>) offsets(%dma_start3A_102 : memref<80xi32, #tpu.memory_space<vmem>>) semaphore(%arg11 : memref<!tpu.dma_semaphore, #tpu.memory_space<semaphore_mem>>)
        %add3A_106 = arith.constant 1 : i32
        %add3A_107 = arith.addi %add3A_91, %add3A_106 : i32
        %dma_wait3A_108 = arith.constant 0 : i32
        %dma_wait3A_109 = tpu.memref_slice %arg6[%add3A_107, %dma_wait3A_108] : memref<50x80xi32, #tpu.memory_space<vmem>> -> memref<1x80xi32, #tpu.memory_space<vmem>>
        %dma_wait3A_110 = tpu.memref_squeeze %dma_wait3A_109 : memref<1x80xi32, #tpu.memory_space<vmem>> -> memref<80xi32, #tpu.memory_space<vmem>>
        %dma_wait3A_111 = arith.constant 0 : i32
        %dma_wait3A_112 = arith.constant 0 : i32
        %dma_wait3A_113 = tpu.memref_slice %arg2[%dma_wait3A_111, %dma_wait3A_112] : memref<20000x128xf32, #tpu.memory_space<hbm>> -> memref<20000x128xf32, #tpu.memory_space<hbm>>
        tpu.wait_indirect_dma semaphore(%arg12 : memref<!tpu.dma_semaphore, #tpu.memory_space<semaphore_mem>>) src(%dma_wait3A_113 : memref<20000x128xf32, #tpu.memory_space<hbm>>) dst(%arg9 : memref<80x128xf32, #tpu.memory_space<vmem>>)
        %add3A_114 = arith.constant 1 : i32
        %add3A_115 = arith.addi %add3A_91, %add3A_114 : i32
        "tpu.region"() ({
          %run_scoped3A_124 = tpu.sem_alloc : memref<!tpu.dma_semaphore, #tpu.memory_space<semaphore_mem>>
          %dma_start3A_125 = arith.constant 0 : i32
          %dma_start3A_126 = tpu.memref_slice %arg7[%add3A_115, %dma_start3A_125] : memref<50x80xi32, #tpu.memory_space<vmem>> -> memref<1x80xi32, #tpu.memory_space<vmem>>
          %dma_start3A_127 = tpu.memref_squeeze %dma_start3A_126 : memref<1x80xi32, #tpu.memory_space<vmem>> -> memref<80xi32, #tpu.memory_space<vmem>>
          %dma_start3A_128 = arith.constant 0 : i32
          %dma_start3A_129 = arith.constant 0 : i32
          %dma_start3A_130 = tpu.memref_slice %arg10[%dma_start3A_128, %dma_start3A_129] : memref<10240x128xf32, #tpu.memory_space<vmem_shared>> -> memref<10240x128xf32, #tpu.memory_space<vmem_shared>>
          tpu.enqueue_indirect_dma source(%arg9 : memref<80x128xf32, #tpu.memory_space<vmem>>) target(%dma_start3A_130 : memref<10240x128xf32, #tpu.memory_space<vmem_shared>>) offsets(%dma_start3A_127 : memref<80xi32, #tpu.memory_space<vmem>>) semaphore(%run_scoped3A_124 : memref<!tpu.dma_semaphore, #tpu.memory_space<semaphore_mem>>) {add = true}
          %dma_wait3A_131 = arith.constant 0 : i32
          %dma_wait3A_132 = tpu.memref_slice %arg7[%add3A_115, %dma_wait3A_131] : memref<50x80xi32, #tpu.memory_space<vmem>> -> memref<1x80xi32, #tpu.memory_space<vmem>>
          %dma_wait3A_133 = tpu.memref_squeeze %dma_wait3A_132 : memref<1x80xi32, #tpu.memory_space<vmem>> -> memref<80xi32, #tpu.memory_space<vmem>>
          %dma_wait3A_134 = arith.constant 0 : i32
          %dma_wait3A_135 = arith.constant 0 : i32
          %dma_wait3A_136 = tpu.memref_slice %arg10[%dma_wait3A_134, %dma_wait3A_135] : memref<10240x128xf32, #tpu.memory_space<vmem_shared>> -> memref<10240x128xf32, #tpu.memory_space<vmem_shared>>
          tpu.wait_indirect_dma semaphore(%run_scoped3A_124 : memref<!tpu.dma_semaphore, #tpu.memory_space<semaphore_mem>>) src(%arg9 : memref<80x128xf32, #tpu.memory_space<vmem>>) dst(%dma_wait3A_136 : memref<10240x128xf32, #tpu.memory_space<vmem_shared>>)
          tpu.yield
        }) : () -> ()
        %add3A_116 = arith.constant 3 : i32
        %add3A_117 = arith.addi %add3A_91, %add3A_116 : i32
        %dma_start3A_118 = arith.constant 0 : i32
        %dma_start3A_119 = tpu.memref_slice %arg6[%add3A_117, %dma_start3A_118] : memref<50x80xi32, #tpu.memory_space<vmem>> -> memref<1x80xi32, #tpu.memory_space<vmem>>
        %dma_start3A_120 = tpu.memref_squeeze %dma_start3A_119 : memref<1x80xi32, #tpu.memory_space<vmem>> -> memref<80xi32, #tpu.memory_space<vmem>>
        %dma_start3A_121 = arith.constant 0 : i32
        %dma_start3A_122 = arith.constant 0 : i32
        %dma_start3A_123 = tpu.memref_slice %arg2[%dma_start3A_121, %dma_start3A_122] : memref<20000x128xf32, #tpu.memory_space<hbm>> -> memref<20000x128xf32, #tpu.memory_space<hbm>>
        tpu.enqueue_indirect_dma source(%dma_start3A_123 : memref<20000x128xf32, #tpu.memory_space<hbm>>) target(%arg9 : memref<80x128xf32, #tpu.memory_space<vmem>>) offsets(%dma_start3A_120 : memref<80xi32, #tpu.memory_space<vmem>>) semaphore(%arg12 : memref<!tpu.dma_semaphore, #tpu.memory_space<semaphore_mem>>)
      }
      %scan3A_71 = arith.constant 24 : i32
      %dma_wait3A_72 = arith.constant 48 : i32
      %dma_wait3A_73 = arith.constant 0 : i32
      %dma_wait3A_74 = tpu.memref_slice %arg6[%dma_wait3A_72, %dma_wait3A_73] : memref<50x80xi32, #tpu.memory_space<vmem>> -> memref<1x80xi32, #tpu.memory_space<vmem>>
      %dma_wait3A_75 = tpu.memref_squeeze %dma_wait3A_74 : memref<1x80xi32, #tpu.memory_space<vmem>> -> memref<80xi32, #tpu.memory_space<vmem>>
      %dma_wait3A_76 = arith.constant 0 : i32
      %dma_wait3A_77 = arith.constant 0 : i32
      %dma_wait3A_78 = tpu.memref_slice %arg2[%dma_wait3A_76, %dma_wait3A_77] : memref<20000x128xf32, #tpu.memory_space<hbm>> -> memref<20000x128xf32, #tpu.memory_space<hbm>>
      tpu.wait_indirect_dma semaphore(%arg11 : memref<!tpu.dma_semaphore, #tpu.memory_space<semaphore_mem>>) src(%dma_wait3A_78 : memref<20000x128xf32, #tpu.memory_space<hbm>>) dst(%arg8 : memref<80x128xf32, #tpu.memory_space<vmem>>)
      %run_scoped3A = arith.constant 48 : i32
      "tpu.region"() ({
        %run_scoped3A_87 = tpu.sem_alloc : memref<!tpu.dma_semaphore, #tpu.memory_space<semaphore_mem>>
        %dma_start3A_88 = arith.constant 0 : i32
        %dma_start3A_89 = tpu.memref_slice %arg7[%run_scoped3A, %dma_start3A_88] : memref<50x80xi32, #tpu.memory_space<vmem>> -> memref<1x80xi32, #tpu.memory_space<vmem>>
        %dma_start3A_90 = tpu.memref_squeeze %dma_start3A_89 : memref<1x80xi32, #tpu.memory_space<vmem>> -> memref<80xi32, #tpu.memory_space<vmem>>
        %dma_start3A_91 = arith.constant 0 : i32
        %dma_start3A_92 = arith.constant 0 : i32
        %dma_start3A_93 = tpu.memref_slice %arg10[%dma_start3A_91, %dma_start3A_92] : memref<10240x128xf32, #tpu.memory_space<vmem_shared>> -> memref<10240x128xf32, #tpu.memory_space<vmem_shared>>
        tpu.enqueue_indirect_dma source(%arg8 : memref<80x128xf32, #tpu.memory_space<vmem>>) target(%dma_start3A_93 : memref<10240x128xf32, #tpu.memory_space<vmem_shared>>) offsets(%dma_start3A_90 : memref<80xi32, #tpu.memory_space<vmem>>) semaphore(%run_scoped3A_87 : memref<!tpu.dma_semaphore, #tpu.memory_space<semaphore_mem>>) {add = true}
        %dma_wait3A_94 = arith.constant 0 : i32
        %dma_wait3A_95 = tpu.memref_slice %arg7[%run_scoped3A, %dma_wait3A_94] : memref<50x80xi32, #tpu.memory_space<vmem>> -> memref<1x80xi32, #tpu.memory_space<vmem>>
        %dma_wait3A_96 = tpu.memref_squeeze %dma_wait3A_95 : memref<1x80xi32, #tpu.memory_space<vmem>> -> memref<80xi32, #tpu.memory_space<vmem>>
        %dma_wait3A_97 = arith.constant 0 : i32
        %dma_wait3A_98 = arith.constant 0 : i32
        %dma_wait3A_99 = tpu.memref_slice %arg10[%dma_wait3A_97, %dma_wait3A_98] : memref<10240x128xf32, #tpu.memory_space<vmem_shared>> -> memref<10240x128xf32, #tpu.memory_space<vmem_shared>>
        tpu.wait_indirect_dma semaphore(%run_scoped3A_87 : memref<!tpu.dma_semaphore, #tpu.memory_space<semaphore_mem>>) src(%arg8 : memref<80x128xf32, #tpu.memory_space<vmem>>) dst(%dma_wait3A_99 : memref<10240x128xf32, #tpu.memory_space<vmem_shared>>)
        tpu.yield
      }) : () -> ()
      %dma_wait3A_79 = arith.constant 49 : i32
      %dma_wait3A_80 = arith.constant 0 : i32
      %dma_wait3A_81 = tpu.memref_slice %arg6[%dma_wait3A_79, %dma_wait3A_80] : memref<50x80xi32, #tpu.memory_space<vmem>> -> memref<1x80xi32, #tpu.memory_space<vmem>>
      %dma_wait3A_82 = tpu.memref_squeeze %dma_wait3A_81 : memref<1x80xi32, #tpu.memory_space<vmem>> -> memref<80xi32, #tpu.memory_space<vmem>>
      %dma_wait3A_83 = arith.constant 0 : i32
      %dma_wait3A_84 = arith.constant 0 : i32
      %dma_wait3A_85 = tpu.memref_slice %arg2[%dma_wait3A_83, %dma_wait3A_84] : memref<20000x128xf32, #tpu.memory_space<hbm>> -> memref<20000x128xf32, #tpu.memory_space<hbm>>
      tpu.wait_indirect_dma semaphore(%arg12 : memref<!tpu.dma_semaphore, #tpu.memory_space<semaphore_mem>>) src(%dma_wait3A_85 : memref<20000x128xf32, #tpu.memory_space<hbm>>) dst(%arg9 : memref<80x128xf32, #tpu.memory_space<vmem>>)
      %run_scoped3A_86 = arith.constant 49 : i32
      "tpu.region"() ({
        %run_scoped3A_87 = tpu.sem_alloc : memref<!tpu.dma_semaphore, #tpu.memory_space<semaphore_mem>>
        %dma_start3A_88 = arith.constant 0 : i32
        %dma_start3A_89 = tpu.memref_slice %arg7[%run_scoped3A_86, %dma_start3A_88] : memref<50x80xi32, #tpu.memory_space<vmem>> -> memref<1x80xi32, #tpu.memory_space<vmem>>
        %dma_start3A_90 = tpu.memref_squeeze %dma_start3A_89 : memref<1x80xi32, #tpu.memory_space<vmem>> -> memref<80xi32, #tpu.memory_space<vmem>>
        %dma_start3A_91 = arith.constant 0 : i32
        %dma_start3A_92 = arith.constant 0 : i32
        %dma_start3A_93 = tpu.memref_slice %arg10[%dma_start3A_91, %dma_start3A_92] : memref<10240x128xf32, #tpu.memory_space<vmem_shared>> -> memref<10240x128xf32, #tpu.memory_space<vmem_shared>>
        tpu.enqueue_indirect_dma source(%arg9 : memref<80x128xf32, #tpu.memory_space<vmem>>) target(%dma_start3A_93 : memref<10240x128xf32, #tpu.memory_space<vmem_shared>>) offsets(%dma_start3A_90 : memref<80xi32, #tpu.memory_space<vmem>>) semaphore(%run_scoped3A_87 : memref<!tpu.dma_semaphore, #tpu.memory_space<semaphore_mem>>) {add = true}
        %dma_wait3A_94 = arith.constant 0 : i32
        %dma_wait3A_95 = tpu.memref_slice %arg7[%run_scoped3A_86, %dma_wait3A_94] : memref<50x80xi32, #tpu.memory_space<vmem>> -> memref<1x80xi32, #tpu.memory_space<vmem>>
        %dma_wait3A_96 = tpu.memref_squeeze %dma_wait3A_95 : memref<1x80xi32, #tpu.memory_space<vmem>> -> memref<80xi32, #tpu.memory_space<vmem>>
        %dma_wait3A_97 = arith.constant 0 : i32
        %dma_wait3A_98 = arith.constant 0 : i32
        %dma_wait3A_99 = tpu.memref_slice %arg10[%dma_wait3A_97, %dma_wait3A_98] : memref<10240x128xf32, #tpu.memory_space<vmem_shared>> -> memref<10240x128xf32, #tpu.memory_space<vmem_shared>>
        tpu.wait_indirect_dma semaphore(%run_scoped3A_87 : memref<!tpu.dma_semaphore, #tpu.memory_space<semaphore_mem>>) src(%arg9 : memref<80x128xf32, #tpu.memory_space<vmem>>) dst(%dma_wait3A_99 : memref<10240x128xf32, #tpu.memory_space<vmem_shared>>)
        tpu.yield
      }) : () -> ()
    }
    %scan3A_13 = arith.constant 5 : i32
    %barrier3A_14 = arith.constant 0 : index
    tpu.barrier barrier_id(%barrier3A_14)
    %scan3A_15 = arith.constant 0 : i32
    %scan3A_16 = arith.constant 5 : i32
    %scan3A_17 = arith.addi %scan3A_15, %scan3A_16 : i32
    %scan3A_18 = arith.constant 1 : i32
    scf.for %scan3A_20 = %scan3A_15 to %scan3A_17 step %scan3A_18  : i32 {
      %mul3A = arith.constant 1 : i32
      %mul3A_21 = arith.muli %scan3A_20, %mul3A : i32
      %add3A = arith.constant 0 : i32
      %add3A_22 = arith.addi %add3A, %mul3A_21 : i32
      %mul3A_23 = arith.constant 640 : i32
      %mul3A_24 = arith.muli %arg1, %mul3A_23 : i32
      %mul3A_25 = arith.constant 128 : i32
      %mul3A_26 = arith.muli %add3A_22, %mul3A_25 : i32
      %add3A_27 = arith.addi %mul3A_24, %mul3A_26 : i32
      "tpu.region"() ({
        %run_scoped3A = tpu.sem_alloc : memref<!tpu.dma_semaphore, #tpu.memory_space<semaphore_mem>>
        %dma_start3A = arith.constant 0 : i32
        %dma_start3A_28 = tpu.memref_slice %arg5[%arg0, %add3A_27, %dma_start3A] : memref<2x10240x128xf32, #tpu.memory_space<hbm>> -> memref<1x128x128xf32, #tpu.memory_space<hbm>>
        %dma_start3A_29 = tpu.memref_squeeze %dma_start3A_28 : memref<1x128x128xf32, #tpu.memory_space<hbm>> -> memref<128x128xf32, #tpu.memory_space<hbm>>
        %dma_start3A_30 = arith.constant 0 : i32
        %dma_start3A_31 = tpu.memref_slice %arg10[%add3A_27, %dma_start3A_30] : memref<10240x128xf32, #tpu.memory_space<vmem_shared>> -> memref<128x128xf32, #tpu.memory_space<vmem_shared>>
        tpu.enqueue_dma source(%dma_start3A_31 : memref<128x128xf32, #tpu.memory_space<vmem_shared>>) target(%dma_start3A_29 : memref<128x128xf32, #tpu.memory_space<hbm>>) target_semaphore(%run_scoped3A : memref<!tpu.dma_semaphore, #tpu.memory_space<semaphore_mem>>)
        %dma_wait3A = arith.constant 0 : i32
        %dma_wait3A_32 = tpu.memref_slice %arg5[%arg0, %add3A_27, %dma_wait3A] : memref<2x10240x128xf32, #tpu.memory_space<hbm>> -> memref<1x128x128xf32, #tpu.memory_space<hbm>>
        %dma_wait3A_33 = tpu.memref_squeeze %dma_wait3A_32 : memref<1x128x128xf32, #tpu.memory_space<hbm>> -> memref<128x128xf32, #tpu.memory_space<hbm>>
        %dma_wait3A_34 = arith.constant 0 : i32
        %dma_wait3A_35 = tpu.memref_slice %arg10[%add3A_27, %dma_wait3A_34] : memref<10240x128xf32, #tpu.memory_space<vmem_shared>> -> memref<128x128xf32, #tpu.memory_space<vmem_shared>>
        tpu.wait_dma2 semaphore(%run_scoped3A : memref<!tpu.dma_semaphore, #tpu.memory_space<semaphore_mem>>) src(%dma_wait3A_35 : memref<128x128xf32, #tpu.memory_space<vmem_shared>>) dst(%dma_wait3A_33 : memref<128x128xf32, #tpu.memory_space<hbm>>)
        tpu.yield
      }) : () -> ()
    }
    %scan3A_19 = arith.constant 5 : i32
    return
  }
}

module attributes {stable_mosaic.version = 14 : i64} {
  func.func @body(%arg0: i32, %arg1: memref<2000x128xf32, #tpu.memory_space<vmem>>, %arg2: memref<256x128xf32, #tpu.memory_space<vmem>>, %arg3: memref<2000x256xf32, #tpu.memory_space<vmem>>) attributes {dimension_semantics = [#tpu.dimension_semantics<arbitrary>], iteration_bounds = array<i64: 5>, scalar_prefetch = 0 : i64, scratch_operands = 0 : i64, tpu.core_type = #tpu.core_type<tc>, window_params = [{transform_indices = @transform_0, window_bounds = array<i64: 2000, 128>}, {pipeline_mode = #tpu.pipeline_mode<synchronous>, transform_indices = @transform_1, window_bounds = array<i64: 256, 128>}, {transform_indices = @transform_2, window_bounds = array<i64: 2000, 256>}]} {
    %get3A = arith.constant 0 : index
    %get3A_0 = arith.constant 0 : index
    %get3A_1 = vector.load %arg1[%get3A, %get3A_0] : memref<2000x128xf32, #tpu.memory_space<vmem>>, vector<2000x128xf32>
    %get3A_2 = arith.constant 0 : index
    %get3A_3 = arith.constant 0 : index
    %get3A_4 = vector.load %arg2[%get3A_2, %get3A_3] : memref<256x128xf32, #tpu.memory_space<vmem>>, vector<256x128xf32>
    %dot_general3A = arith.constant dense<0.000000e+00> : vector<2000x256xf32>
    %dot_general3A_5 = tpu.matmul %get3A_1, %get3A_4, %dot_general3A {dimension_numbers = #tpu.dot_dimension_numbers<[1], [1], [0], [0], [0, 0, 1, 0], [], []>, transpose_lhs_hint = false} : vector<2000x128xf32>, vector<256x128xf32>, vector<2000x256xf32> -> vector<2000x256xf32>
    %swap3A = arith.constant 0 : index
    %swap3A_6 = arith.constant 0 : index
    %swap3A_7 = vector.load %arg3[%swap3A, %swap3A_6] : memref<2000x256xf32, #tpu.memory_space<vmem>>, vector<2000x256xf32>
    tpu.vector_store %arg3[%swap3A, %swap3A_6], %dot_general3A_5 {strides = array<i32>} : memref<2000x256xf32, #tpu.memory_space<vmem>>, vector<2000x256xf32>,
    return
  }
  func.func @transform_0(%arg0: i32) -> (i32, i32) {
    %c0_i32 = arith.constant 0 : i32
    %c0_i32_0 = arith.constant 0 : i32
    return %arg0, %c0_i32 : i32, i32
  }
  func.func @transform_1(%arg0: i32) -> (i32, i32) {
    %c0_i32 = arith.constant 0 : i32
    %c0_i32_0 = arith.constant 0 : i32
    %c0_i32_1 = arith.constant 0 : i32
    return %c0_i32, %c0_i32_0 : i32, i32
  }
  func.func @transform_2(%arg0: i32) -> (i32, i32) {
    %c0_i32 = arith.constant 0 : i32
    %c0_i32_0 = arith.constant 0 : i32
    return %arg0, %c0_i32 : i32, i32
  }
}

module attributes {stable_mosaic.version = 14 : i64} {
  func.func @body(%arg0: i32, %arg1: memref<2000x256xf32, #tpu.memory_space<vmem>>, %arg2: memref<2x2000x16xf32, #tpu.memory_space<vmem>>, %arg3: memref<2000x256xf32, #tpu.memory_space<vmem>>, %arg4: memref<2000x1xf32, #tpu.memory_space<vmem>>) attributes {dimension_semantics = [#tpu.dimension_semantics<arbitrary>], iteration_bounds = array<i64: 5>, scalar_prefetch = 0 : i64, scratch_operands = 0 : i64, tpu.core_type = #tpu.core_type<tc>, window_params = [{transform_indices = @transform_0, window_bounds = array<i64: 2000, 256>}, {transform_indices = @transform_1, window_bounds = array<i64: 2, 2000, 16>}, {transform_indices = @transform_2, window_bounds = array<i64: 2000, 256>}, {transform_indices = @transform_3, window_bounds = array<i64: 2000, 1>}]} {
    %get3A = arith.constant 0 : index
    %get3A_0 = arith.constant 0 : index
    %get3A_1 = arith.constant 0 : index
    %get3A_2 = vector.load %arg2[%get3A, %get3A_0, %get3A_1] : memref<2x2000x16xf32, #tpu.memory_space<vmem>>, vector<1x2000x1xf32>
    %get3A_3 = vector.shape_cast %get3A_2 : vector<1x2000x1xf32> to vector<2000x1xf32>
    %get3A_4 = arith.constant 1 : index
    %get3A_5 = arith.constant 0 : index
    %get3A_6 = arith.constant 0 : index
    %get3A_7 = vector.load %arg2[%get3A_4, %get3A_5, %get3A_6] : memref<2x2000x16xf32, #tpu.memory_space<vmem>>, vector<1x2000x1xf32>
    %get3A_8 = vector.shape_cast %get3A_7 : vector<1x2000x1xf32> to vector<2000x1xf32>
    %add3A = arith.addf %get3A_3, %get3A_8 : vector<2000x1xf32>
    %add3A_9 = arith.constant 1.000000e+00 : f32
    %add3A_10 = vector.broadcast %add3A_9 : f32 to vector<2000x1xf32>
    %add3A_11 = arith.addf %add3A, %add3A_10 : vector<2000x1xf32>
    %rsqrt3A = math.rsqrt %add3A_11 : vector<2000x1xf32>
    %get3A_12 = arith.constant 0 : index
    %get3A_13 = arith.constant 0 : index
    %get3A_14 = vector.load %arg1[%get3A_12, %get3A_13] : memref<2000x256xf32, #tpu.memory_space<vmem>>, vector<2000x256xf32>
    %mul3A = vector.broadcast %rsqrt3A : vector<2000x1xf32> to vector<2000x256xf32>
    %mul3A_15 = arith.mulf %mul3A, %get3A_14 : vector<2000x256xf32>
    %swap3A = arith.constant 0 : index
    %swap3A_16 = arith.constant 0 : index
    %swap3A_17 = vector.load %arg3[%swap3A, %swap3A_16] : memref<2000x256xf32, #tpu.memory_space<vmem>>, vector<2000x256xf32>
    tpu.vector_store %arg3[%swap3A, %swap3A_16], %mul3A_15 {strides = array<i32>} : memref<2000x256xf32, #tpu.memory_space<vmem>>, vector<2000x256xf32>,
    %swap3A_18 = arith.constant 0 : index
    %swap3A_19 = arith.constant 0 : index
    %swap3A_20 = vector.load %arg4[%swap3A_18, %swap3A_19] : memref<2000x1xf32, #tpu.memory_space<vmem>>, vector<2000x1xf32>
    tpu.vector_store %arg4[%swap3A_18, %swap3A_19], %rsqrt3A {strides = array<i32>} : memref<2000x1xf32, #tpu.memory_space<vmem>>, vector<2000x1xf32>,
    return
  }
  func.func @transform_0(%arg0: i32) -> (i32, i32) {
    %c0_i32 = arith.constant 0 : i32
    %c0_i32_0 = arith.constant 0 : i32
    return %arg0, %c0_i32 : i32, i32
  }
  func.func @transform_1(%arg0: i32) -> (i32, i32, i32) {
    %c0_i32 = arith.constant 0 : i32
    %c0_i32_0 = arith.constant 0 : i32
    %c0_i32_1 = arith.constant 0 : i32
    return %c0_i32, %arg0, %c0_i32_0 : i32, i32, i32
  }
  func.func @transform_2(%arg0: i32) -> (i32, i32) {
    %c0_i32 = arith.constant 0 : i32
    %c0_i32_0 = arith.constant 0 : i32
    return %arg0, %c0_i32 : i32, i32
  }
  func.func @transform_3(%arg0: i32) -> (i32, i32) {
    %c0_i32 = arith.constant 0 : i32
    %c0_i32_0 = arith.constant 0 : i32
    return %arg0, %c0_i32 : i32, i32
  }
}

module attributes {stable_mosaic.version = 14 : i64} {
  func.func @body(%arg0: i32, %arg1: memref<2x2000x128xf32, #tpu.memory_space<vmem>>, %arg2: memref<2000x256xf32, #tpu.memory_space<vmem>>, %arg3: memref<1x256xf32, #tpu.memory_space<vmem>>, %arg4: memref<2000x1xf32, #tpu.memory_space<vmem>>, %arg5: memref<256x256xf32, #tpu.memory_space<vmem>>, %arg6: memref<2000x256xf32, #tpu.memory_space<vmem>>) attributes {dimension_semantics = [#tpu.dimension_semantics<arbitrary>], iteration_bounds = array<i64: 5>, scalar_prefetch = 0 : i64, scratch_operands = 0 : i64, tpu.core_type = #tpu.core_type<tc>, window_params = [{transform_indices = @transform_0, window_bounds = array<i64: 2, 2000, 128>}, {transform_indices = @transform_1, window_bounds = array<i64: 2000, 256>}, {pipeline_mode = #tpu.pipeline_mode<synchronous>, transform_indices = @transform_2, window_bounds = array<i64: 1, 256>}, {transform_indices = @transform_3, window_bounds = array<i64: 2000, 1>}, {pipeline_mode = #tpu.pipeline_mode<synchronous>, transform_indices = @transform_4, window_bounds = array<i64: 256, 256>}, {transform_indices = @transform_5, window_bounds = array<i64: 2000, 256>}]} {
    %get3A = arith.constant 0 : index
    %get3A_0 = arith.constant 0 : index
    %get3A_1 = vector.load %arg4[%get3A, %get3A_0] : memref<2000x1xf32, #tpu.memory_space<vmem>>, vector<2000x1xf32>
    %get3A_2 = arith.constant 0 : index
    %get3A_3 = arith.constant 0 : index
    %get3A_4 = arith.constant 0 : index
    %get3A_5 = vector.load %arg1[%get3A_2, %get3A_3, %get3A_4] : memref<2x2000x128xf32, #tpu.memory_space<vmem>>, vector<1x2000x128xf32>
    %get3A_6 = vector.shape_cast %get3A_5 : vector<1x2000x128xf32> to vector<2000x128xf32>
    %get3A_7 = arith.constant 1 : index
    %get3A_8 = arith.constant 0 : index
    %get3A_9 = arith.constant 0 : index
    %get3A_10 = vector.load %arg1[%get3A_7, %get3A_8, %get3A_9] : memref<2x2000x128xf32, #tpu.memory_space<vmem>>, vector<1x2000x128xf32>
    %get3A_11 = vector.shape_cast %get3A_10 : vector<1x2000x128xf32> to vector<2000x128xf32>
    %concatenate3A = tpu.concatenate %get3A_6, %get3A_11 in 1 : vector<2000x128xf32>, vector<2000x128xf32> -> vector<2000x256xf32>
    %get3A_12 = arith.constant 0 : index
    %get3A_13 = arith.constant 0 : index
    %get3A_14 = vector.load %arg2[%get3A_12, %get3A_13] : memref<2000x256xf32, #tpu.memory_space<vmem>>, vector<2000x256xf32>
    %add3A = arith.addf %concatenate3A, %get3A_14 : vector<2000x256xf32>
    %mul3A = vector.broadcast %get3A_1 : vector<2000x1xf32> to vector<2000x256xf32>
    %mul3A_15 = arith.mulf %mul3A, %add3A : vector<2000x256xf32>
    %get3A_16 = arith.constant 0 : index
    %get3A_17 = arith.constant 0 : index
    %get3A_18 = vector.load %arg3[%get3A_16, %get3A_17] : memref<1x256xf32, #tpu.memory_space<vmem>>, vector<1x256xf32>
    %add3A_19 = vector.broadcast %get3A_18 : vector<1x256xf32> to vector<2000x256xf32>
    %add3A_20 = arith.addf %mul3A_15, %add3A_19 : vector<2000x256xf32>
    %max3A = arith.constant 0.000000e+00 : f32
    %max3A_21 = vector.broadcast %max3A : f32 to vector<2000x256xf32>
    %max3A_22 = arith.maximumf %add3A_20, %max3A_21 : vector<2000x256xf32>
    %get3A_23 = arith.constant 0 : index
    %get3A_24 = arith.constant 0 : index
    %get3A_25 = vector.load %arg5[%get3A_23, %get3A_24] : memref<256x256xf32, #tpu.memory_space<vmem>>, vector<256x256xf32>
    %dot_general3A = arith.constant dense<0.000000e+00> : vector<2000x256xf32>
    %dot_general3A_26 = tpu.matmul %max3A_22, %get3A_25, %dot_general3A {dimension_numbers = #tpu.dot_dimension_numbers<[1], [1], [0], [0], [0, 0, 1, 0], [], []>, transpose_lhs_hint = false} : vector<2000x256xf32>, vector<256x256xf32>, vector<2000x256xf32> -> vector<2000x256xf32>
    %mul3A_27 = vector.broadcast %get3A_1 : vector<2000x1xf32> to vector<2000x256xf32>
    %mul3A_28 = arith.mulf %mul3A_27, %dot_general3A_26 : vector<2000x256xf32>
    %swap3A = arith.constant 0 : index
    %swap3A_29 = arith.constant 0 : index
    %swap3A_30 = vector.load %arg6[%swap3A, %swap3A_29] : memref<2000x256xf32, #tpu.memory_space<vmem>>, vector<2000x256xf32>
    tpu.vector_store %arg6[%swap3A, %swap3A_29], %mul3A_28 {strides = array<i32>} : memref<2000x256xf32, #tpu.memory_space<vmem>>, vector<2000x256xf32>,
    return
  }
  func.func @transform_0(%arg0: i32) -> (i32, i32, i32) {
    %c0_i32 = arith.constant 0 : i32
    %c0_i32_0 = arith.constant 0 : i32
    %c0_i32_1 = arith.constant 0 : i32
    return %c0_i32, %arg0, %c0_i32_0 : i32, i32, i32
  }
  func.func @transform_1(%arg0: i32) -> (i32, i32) {
    %c0_i32 = arith.constant 0 : i32
    %c0_i32_0 = arith.constant 0 : i32
    return %arg0, %c0_i32 : i32, i32
  }
  func.func @transform_2(%arg0: i32) -> (i32, i32) {
    %c0_i32 = arith.constant 0 : i32
    %c0_i32_0 = arith.constant 0 : i32
    %c0_i32_1 = arith.constant 0 : i32
    return %c0_i32, %c0_i32_0 : i32, i32
  }
  func.func @transform_3(%arg0: i32) -> (i32, i32) {
    %c0_i32 = arith.constant 0 : i32
    %c0_i32_0 = arith.constant 0 : i32
    return %arg0, %c0_i32 : i32, i32
  }
  func.func @transform_4(%arg0: i32) -> (i32, i32) {
    %c0_i32 = arith.constant 0 : i32
    %c0_i32_0 = arith.constant 0 : i32
    %c0_i32_1 = arith.constant 0 : i32
    return %c0_i32, %c0_i32_0 : i32, i32
  }
  func.func @transform_5(%arg0: i32) -> (i32, i32) {
    %c0_i32 = arith.constant 0 : i32
    %c0_i32_0 = arith.constant 0 : i32
    return %arg0, %c0_i32 : i32, i32
  }
}

module attributes {stable_mosaic.version = 14 : i64} {
  func.func @body(%arg0: i32, %arg1: memref<2x2000x128xf32, #tpu.memory_space<vmem>>, %arg2: memref<2000x256xf32, #tpu.memory_space<vmem>>, %arg3: memref<1x256xf32, #tpu.memory_space<vmem>>, %arg4: memref<2000x1xf32, #tpu.memory_space<vmem>>, %arg5: memref<128x256xf32, #tpu.memory_space<vmem>>, %arg6: memref<2000x128xf32, #tpu.memory_space<vmem>>) attributes {dimension_semantics = [#tpu.dimension_semantics<arbitrary>], iteration_bounds = array<i64: 5>, scalar_prefetch = 0 : i64, scratch_operands = 0 : i64, tpu.core_type = #tpu.core_type<tc>, window_params = [{transform_indices = @transform_0, window_bounds = array<i64: 2, 2000, 128>}, {transform_indices = @transform_1, window_bounds = array<i64: 2000, 256>}, {pipeline_mode = #tpu.pipeline_mode<synchronous>, transform_indices = @transform_2, window_bounds = array<i64: 1, 256>}, {transform_indices = @transform_3, window_bounds = array<i64: 2000, 1>}, {pipeline_mode = #tpu.pipeline_mode<synchronous>, transform_indices = @transform_4, window_bounds = array<i64: 128, 256>}, {transform_indices = @transform_5, window_bounds = array<i64: 2000, 128>}]} {
    %get3A = arith.constant 0 : index
    %get3A_0 = arith.constant 0 : index
    %get3A_1 = vector.load %arg4[%get3A, %get3A_0] : memref<2000x1xf32, #tpu.memory_space<vmem>>, vector<2000x1xf32>
    %get3A_2 = arith.constant 0 : index
    %get3A_3 = arith.constant 0 : index
    %get3A_4 = arith.constant 0 : index
    %get3A_5 = vector.load %arg1[%get3A_2, %get3A_3, %get3A_4] : memref<2x2000x128xf32, #tpu.memory_space<vmem>>, vector<1x2000x128xf32>
    %get3A_6 = vector.shape_cast %get3A_5 : vector<1x2000x128xf32> to vector<2000x128xf32>
    %get3A_7 = arith.constant 1 : index
    %get3A_8 = arith.constant 0 : index
    %get3A_9 = arith.constant 0 : index
    %get3A_10 = vector.load %arg1[%get3A_7, %get3A_8, %get3A_9] : memref<2x2000x128xf32, #tpu.memory_space<vmem>>, vector<1x2000x128xf32>
    %get3A_11 = vector.shape_cast %get3A_10 : vector<1x2000x128xf32> to vector<2000x128xf32>
    %concatenate3A = tpu.concatenate %get3A_6, %get3A_11 in 1 : vector<2000x128xf32>, vector<2000x128xf32> -> vector<2000x256xf32>
    %get3A_12 = arith.constant 0 : index
    %get3A_13 = arith.constant 0 : index
    %get3A_14 = vector.load %arg2[%get3A_12, %get3A_13] : memref<2000x256xf32, #tpu.memory_space<vmem>>, vector<2000x256xf32>
    %add3A = arith.addf %concatenate3A, %get3A_14 : vector<2000x256xf32>
    %mul3A = vector.broadcast %get3A_1 : vector<2000x1xf32> to vector<2000x256xf32>
    %mul3A_15 = arith.mulf %mul3A, %add3A : vector<2000x256xf32>
    %get3A_16 = arith.constant 0 : index
    %get3A_17 = arith.constant 0 : index
    %get3A_18 = vector.load %arg3[%get3A_16, %get3A_17] : memref<1x256xf32, #tpu.memory_space<vmem>>, vector<1x256xf32>
    %add3A_19 = vector.broadcast %get3A_18 : vector<1x256xf32> to vector<2000x256xf32>
    %add3A_20 = arith.addf %mul3A_15, %add3A_19 : vector<2000x256xf32>
    %max3A = arith.constant 0.000000e+00 : f32
    %max3A_21 = vector.broadcast %max3A : f32 to vector<2000x256xf32>
    %max3A_22 = arith.maximumf %add3A_20, %max3A_21 : vector<2000x256xf32>
    %get3A_23 = arith.constant 0 : index
    %get3A_24 = arith.constant 0 : index
    %get3A_25 = vector.load %arg5[%get3A_23, %get3A_24] : memref<128x256xf32, #tpu.memory_space<vmem>>, vector<128x256xf32>
    %dot_general3A = arith.constant dense<0.000000e+00> : vector<2000x128xf32>
    %dot_general3A_26 = tpu.matmul %max3A_22, %get3A_25, %dot_general3A {dimension_numbers = #tpu.dot_dimension_numbers<[1], [1], [0], [0], [0, 0, 1, 0], [], []>, transpose_lhs_hint = false} : vector<2000x256xf32>, vector<128x256xf32>, vector<2000x128xf32> -> vector<2000x128xf32>
    %mul3A_27 = vector.broadcast %get3A_1 : vector<2000x1xf32> to vector<2000x128xf32>
    %mul3A_28 = arith.mulf %mul3A_27, %dot_general3A_26 : vector<2000x128xf32>
    %swap3A = arith.constant 0 : index
    %swap3A_29 = arith.constant 0 : index
    %swap3A_30 = vector.load %arg6[%swap3A, %swap3A_29] : memref<2000x128xf32, #tpu.memory_space<vmem>>, vector<2000x128xf32>
    tpu.vector_store %arg6[%swap3A, %swap3A_29], %mul3A_28 {strides = array<i32>} : memref<2000x128xf32, #tpu.memory_space<vmem>>, vector<2000x128xf32>,
    return
  }
  func.func @transform_0(%arg0: i32) -> (i32, i32, i32) {
    %c0_i32 = arith.constant 0 : i32
    %c0_i32_0 = arith.constant 0 : i32
    %c0_i32_1 = arith.constant 0 : i32
    return %c0_i32, %arg0, %c0_i32_0 : i32, i32, i32
  }
  func.func @transform_1(%arg0: i32) -> (i32, i32) {
    %c0_i32 = arith.constant 0 : i32
    %c0_i32_0 = arith.constant 0 : i32
    return %arg0, %c0_i32 : i32, i32
  }
  func.func @transform_2(%arg0: i32) -> (i32, i32) {
    %c0_i32 = arith.constant 0 : i32
    %c0_i32_0 = arith.constant 0 : i32
    %c0_i32_1 = arith.constant 0 : i32
    return %c0_i32, %c0_i32_0 : i32, i32
  }
  func.func @transform_3(%arg0: i32) -> (i32, i32) {
    %c0_i32 = arith.constant 0 : i32
    %c0_i32_0 = arith.constant 0 : i32
    return %arg0, %c0_i32 : i32, i32
  }
  func.func @transform_4(%arg0: i32) -> (i32, i32) {
    %c0_i32 = arith.constant 0 : i32
    %c0_i32_0 = arith.constant 0 : i32
    %c0_i32_1 = arith.constant 0 : i32
    return %c0_i32, %c0_i32_0 : i32, i32
  }
  func.func @transform_5(%arg0: i32) -> (i32, i32) {
    %c0_i32 = arith.constant 0 : i32
    %c0_i32_0 = arith.constant 0 : i32
    return %arg0, %c0_i32 : i32, i32
  }
}

module attributes {stable_mosaic.version = 14 : i64} {
  func.func @body(%arg0: i32, %arg1: memref<2x2000x128xf32, #tpu.memory_space<vmem>>, %arg2: memref<2000x128xf32, #tpu.memory_space<vmem>>, %arg3: memref<1x128xf32, #tpu.memory_space<vmem>>, %arg4: memref<2000x1xf32, #tpu.memory_space<vmem>>, %arg5: memref<2000x128xf32, #tpu.memory_space<vmem>>) attributes {dimension_semantics = [#tpu.dimension_semantics<arbitrary>], iteration_bounds = array<i64: 5>, scalar_prefetch = 0 : i64, scratch_operands = 0 : i64, tpu.core_type = #tpu.core_type<tc>, window_params = [{transform_indices = @transform_0, window_bounds = array<i64: 2, 2000, 128>}, {transform_indices = @transform_1, window_bounds = array<i64: 2000, 128>}, {pipeline_mode = #tpu.pipeline_mode<synchronous>, transform_indices = @transform_2, window_bounds = array<i64: 1, 128>}, {transform_indices = @transform_3, window_bounds = array<i64: 2000, 1>}, {transform_indices = @transform_4, window_bounds = array<i64: 2000, 128>}]} {
    %get3A = arith.constant 0 : index
    %get3A_0 = arith.constant 0 : index
    %get3A_1 = arith.constant 0 : index
    %get3A_2 = vector.load %arg1[%get3A, %get3A_0, %get3A_1] : memref<2x2000x128xf32, #tpu.memory_space<vmem>>, vector<1x2000x128xf32>
    %get3A_3 = vector.shape_cast %get3A_2 : vector<1x2000x128xf32> to vector<2000x128xf32>
    %get3A_4 = arith.constant 1 : index
    %get3A_5 = arith.constant 0 : index
    %get3A_6 = arith.constant 0 : index
    %get3A_7 = vector.load %arg1[%get3A_4, %get3A_5, %get3A_6] : memref<2x2000x128xf32, #tpu.memory_space<vmem>>, vector<1x2000x128xf32>
    %get3A_8 = vector.shape_cast %get3A_7 : vector<1x2000x128xf32> to vector<2000x128xf32>
    %add3A = arith.addf %get3A_3, %get3A_8 : vector<2000x128xf32>
    %get3A_9 = arith.constant 0 : index
    %get3A_10 = arith.constant 0 : index
    %get3A_11 = vector.load %arg2[%get3A_9, %get3A_10] : memref<2000x128xf32, #tpu.memory_space<vmem>>, vector<2000x128xf32>
    %add3A_12 = arith.addf %add3A, %get3A_11 : vector<2000x128xf32>
    %get3A_13 = arith.constant 0 : index
    %get3A_14 = arith.constant 0 : index
    %get3A_15 = vector.load %arg4[%get3A_13, %get3A_14] : memref<2000x1xf32, #tpu.memory_space<vmem>>, vector<2000x1xf32>
    %mul3A = vector.broadcast %get3A_15 : vector<2000x1xf32> to vector<2000x128xf32>
    %mul3A_16 = arith.mulf %mul3A, %add3A_12 : vector<2000x128xf32>
    %get3A_17 = arith.constant 0 : index
    %get3A_18 = arith.constant 0 : index
    %get3A_19 = vector.load %arg3[%get3A_17, %get3A_18] : memref<1x128xf32, #tpu.memory_space<vmem>>, vector<1x128xf32>
    %add3A_20 = vector.broadcast %get3A_19 : vector<1x128xf32> to vector<2000x128xf32>
    %add3A_21 = arith.addf %mul3A_16, %add3A_20 : vector<2000x128xf32>
    %swap3A = arith.constant 0 : index
    %swap3A_22 = arith.constant 0 : index
    %swap3A_23 = vector.load %arg5[%swap3A, %swap3A_22] : memref<2000x128xf32, #tpu.memory_space<vmem>>, vector<2000x128xf32>
    tpu.vector_store %arg5[%swap3A, %swap3A_22], %add3A_21 {strides = array<i32>} : memref<2000x128xf32, #tpu.memory_space<vmem>>, vector<2000x128xf32>,
    return
  }
  func.func @transform_0(%arg0: i32) -> (i32, i32, i32) {
    %c0_i32 = arith.constant 0 : i32
    %c0_i32_0 = arith.constant 0 : i32
    %c0_i32_1 = arith.constant 0 : i32
    return %c0_i32, %arg0, %c0_i32_0 : i32, i32, i32
  }
  func.func @transform_1(%arg0: i32) -> (i32, i32) {
    %c0_i32 = arith.constant 0 : i32
    %c0_i32_0 = arith.constant 0 : i32
    return %arg0, %c0_i32 : i32, i32
  }
  func.func @transform_2(%arg0: i32) -> (i32, i32) {
    %c0_i32 = arith.constant 0 : i32
    %c0_i32_0 = arith.constant 0 : i32
    %c0_i32_1 = arith.constant 0 : i32
    return %c0_i32, %c0_i32_0 : i32, i32
  }
  func.func @transform_3(%arg0: i32) -> (i32, i32) {
    %c0_i32 = arith.constant 0 : i32
    %c0_i32_0 = arith.constant 0 : i32
    return %arg0, %c0_i32 : i32, i32
  }
  func.func @transform_4(%arg0: i32) -> (i32, i32) {
    %c0_i32 = arith.constant 0 : i32
    %c0_i32_0 = arith.constant 0 : i32
    return %arg0, %c0_i32 : i32, i32
  }
}

</mosaic_0001>

<sc_bundles>
// kernel: kernel.11.cloned.1.call-start
scs
__scs_entry_jumppad:
0x0: {  	(pc) =	sbr.rel $0x88, $3  }
0x1: {  	(tag) =	ssettag $0x0;
	lr =	simm.s32 $0x1  }
0x2: {  	[smem:$0x3F99] =	sst lr;
	_ =	strace $0xD0000000  }
0x3: {  	_ = 	snop  }
0x4: {  	_ = 	snop  }
0x5: {  	_ = 	snop  }
0x6: {  	_ = 	snop  }
0x7: {  	_ = 	snop  }
__scs_overlays_trampoline_lowered:
0x8: {  	[smem:$0x3FA8] =	sst s0  }
0x9: {  	[smem:$0x3FA9] =	sst s1  }
0xa: {  	[smem:$0x3FAA] =	sst s2  }
0xb: {  	[smem:$0x3FAB] =	sst s3  }
0xc: {  	[smem:$0x3FAC] =	sst s4  }
0xd: {  	[smem:$0x3FAD] =	sst s5  }
0xe: {  	[smem:$0x3FAE] =	sst s6  }
0xf: {  	[smem:$0x3FAF] =	sst s7  }
0x10: {  	[smem:$0x3FB0] =	sst s8  }
0x11: {  	[smem:$0x3FB1] =	sst s9;
	s0 =	simm.s32 @!p0 $0x0  }
0x12: {  	s1 =	sld [smem:$0x3F97];
	s0 =	simm.s32 @p0 $0x1  }
0x13: {  	[smem:$0x3FB2] =	sst s0;
	s0 =	simm.s32 @!p1 $0x0  }
0x14: {  	s2 =	sld [smem:$0x3F96];
	s0 =	simm.s32 @p1 $0x1  }
0x15: {  	[smem:$0x3FB3] =	sst s0;
	s0 =	simm.s32 @!p2 $0x0  }
0x16: {  	s3 =	sld [smem:$0x3FDB];
	s0 =	simm.s32 @p2 $0x1  }
0x17: {  	s4 =	simm.s32 $0x1BF5;
	[smem:$0x3FB5] =	sst s0  }
0x18: {  	s0 =	sld [smem:$0x3F98];
	_ =	swait.ge [sflag:s4], $0x0  }
0x19: {  	s7 =	sld [smem:$0x3F99]  }
0x1a: {  	s8 =	sadd.s32 $0xFFFFE003, lr  }
0x1b: {  	s9 =	sadd.s32 $0xFFFFFEF7, lr;
	s5 =	simm.s32 $0xFFFFFFFF;
	p2 =	slt.u32 s8, $0xFFFFF086  }
0x1c: {  	p1 =	slt.u32 s9, $0xF7A;
	s5 =	simm.s32 @!p2 $0x0  }
0x1d: {  	s5 =	simm.s32 @p1 $0x1;
	p0 =	seq.s32 s7, s2  }
0x1e: {  	s7 =	smul.u32 @!p0 $0xF7A, s2;
	p2 =	seq.s32 @!p0 s5, $0x0  }
0x1f: {  	s9 =	smul.u32 $0xF7A, s1;
	s8 =	simm.s32 @!p0 $0x1BF5;
	p2 =	por !p2, p0  }
0x20: {  	[sflag:s8] =	ssyncset.s32 @!p0 $0xFFFFF086;
	s6 =	sadd.s32 @!p0 s3, s7;
	s7 =	simm.s32 @!p0 $0x108  }
0x21: {  	s3 =	sadd.s32 s3, s9;
	s6 =	sadd.s32 @!p0 $0x88, s6;
	s7 =	simm.s32 @p2 $0x1082  }
0x22: {  	[simem:s7], [sflag:s8] =	dma.local @!p0 [hbm:s6], $0xF7A  }
0x23: {  	s9 =	sor.u32 $0xD0000000, s2;
	s6 =	simm.s32 $0x108;
	_ =	swait.ge @!p0 [sflag:s8], $0x0  }
0x24: {  	s3 =	sadd.s32 $0x88, s3;
	s6 =	simm.s32 @!p1 $0x1082;
	[sflag:s4] =	ssyncset.s32 $0xFFFFF086  }
0x25: {  	[simem:s6], [sflag:s4] =	dma.local [hbm:s3], $0xF7A  }
0x26: {  	[smem:$0x3F99] =	sst s1;
	(tag) =	ssettag s2;
	_ =	strace s9  }
0x27: {  	s1 =	sld [smem:$0x3FA9]  }
0x28: {  	s2 =	sld [smem:$0x3FAA]  }
0x29: {  	s4 =	sld [smem:$0x3FAC]  }
0x2a: {  	p0 =	seq.s32 s5, $0x0;
	s5 =	sld [smem:$0x3FAD]  }
0x2b: {  	s6 =	sld [smem:$0x3FAE]  }
0x2c: {  	s7 =	sld [smem:$0x3FAF]  }
0x2d: {  	s3 =	simm.s32 $0x108;
	s8 =	sld [smem:$0x3FB0]  }
0x2e: {  	s3 =	simm.s32 @!p0 $0x1082;
	s9 =	sld [smem:$0x3FB1]  }
0x2f: {  	lr =	sadd.s32 s0, s3;
	s0 =	sld [smem:$0x3FA8]  }
0x30: {  	s3 =	sld [smem:$0x3FAB]  }
0x31: {  	[smem:$0x3FB4] =	sst s10  }
0x32: {  	s10 =	sld [smem:$0x3FB2];
	_ =	sdelay $0x3  }
0x33: {  	p0 =	seq.s32 s10, $0x1;
	s10 =	sld [smem:$0x3FB4];
	_ =	sdelay $0x3  }
0x34: {  	[smem:$0x3FB4] =	sst s10  }
0x35: {  	s10 =	sld [smem:$0x3FB3];
	_ =	sdelay $0x3  }
0x36: {  	p1 =	seq.s32 s10, $0x1;
	s10 =	sld [smem:$0x3FB4];
	_ =	sdelay $0x3  }
0x37: {  	[smem:$0x3FB4] =	sst s10  }
0x38: {  	s10 =	sld [smem:$0x3FB5]  }
0x39: {  	_ = 	snop;
	(pc) =	sbr.ind lr, $3  }
0x3a: {  	_ = 	snop  }
0x3b: {  	_ = 	snop  }
0x3c: {  	p2 =	seq.s32 s10, $0x1;
	s10 =	sld [smem:$0x3FB4]  }
0x3d: {  	_ =	shalt  }
0x3e: {  	_ =	shalt  }
0x3f: {  	_ =	shalt  }
0x40: {  	_ =	shalt  }
0x41: {  	_ =	shalt  }
0x42: {  	_ =	shalt  }
0x43: {  	_ =	shalt  }
0x44: {  	_ =	shalt  }
0x45: {  	_ =	shalt  }
0x46: {  	_ =	shalt  }
0x47: {  	_ =	shalt  }
0x48: {  	_ =	shalt  }
0x49: {  	_ =	shalt  }
0x4a: {  	_ =	shalt  }
0x4b: {  	_ =	shalt  }
0x4c: {  	_ =	shalt  }
0x4d: {  	_ =	shalt  }
0x4e: {  	_ =	shalt  }
0x4f: {  	_ =	shalt  }
0x50: {  	_ =	shalt  }
0x51: {  	_ =	shalt  }
0x52: {  	_ =	shalt  }
0x53: {  	_ =	shalt  }
0x54: {  	_ =	shalt  }
0x55: {  	_ =	shalt  }
0x56: {  	_ =	shalt  }
0x57: {  	_ =	shalt  }
0x58: {  	_ =	shalt  }
0x59: {  	_ =	shalt  }
0x5a: {  	_ =	shalt  }
0x5b: {  	_ =	shalt  }
0x5c: {  	_ =	shalt  }
0x5d: {  	_ =	shalt  }
0x5e: {  	_ =	shalt  }
0x5f: {  	_ =	shalt  }
0x60: {  	_ =	shalt  }
0x61: {  	_ =	shalt  }
0x62: {  	_ =	shalt  }
0x63: {  	_ =	shalt  }
0x64: {  	_ =	shalt  }
0x65: {  	_ =	shalt  }
0x66: {  	_ =	shalt  }
0x67: {  	_ =	shalt  }
0x68: {  	_ =	shalt  }
0x69: {  	_ =	shalt  }
0x6a: {  	_ =	shalt  }
0x6b: {  	_ =	shalt  }
0x6c: {  	_ =	shalt  }
0x6d: {  	_ =	shalt  }
0x6e: {  	_ =	shalt  }
0x6f: {  	_ =	shalt  }
0x70: {  	_ =	shalt  }
0x71: {  	_ =	shalt  }
0x72: {  	_ =	shalt  }
0x73: {  	_ =	shalt  }
0x74: {  	_ =	shalt  }
0x75: {  	_ =	shalt  }
0x76: {  	_ =	shalt  }
0x77: {  	_ =	shalt  }
0x78: {  	_ =	shalt  }
0x79: {  	_ =	shalt  }
0x7a: {  	_ =	shalt  }
0x7b: {  	_ =	shalt  }
0x7c: {  	_ =	shalt  }
0x7d: {  	_ =	shalt  }
0x7e: {  	_ =	shalt  }
0x7f: {  	_ =	shalt  }
0x80: {  	_ =	shalt  }
0x81: {  	_ =	shalt  }
0x82: {  	_ =	shalt  }
0x83: {  	_ =	shalt  }
0x84: {  	_ =	shalt  }
0x85: {  	_ =	shalt  }
0x86: {  	_ =	shalt  }
0x87: {  	_ =	shalt  }
.Lfunc_end0:
.L_simem_size_0:
called_computation_lowered:
.L_overlay_start_0:
0x88: {  	s2 =	sld [smem:$0x3FD9]  }
0x89: {  	s3 =	sld [smem:$0x3FFE];
	_ =	sdelay $0x1  }
0x8a: {  	s1 =	srdreg.scid  }
0x8b: {  	s0 =	sand.u32 $0x1, s1  }
0x8c: {  	s16 =	sshll.u32 s0, $0xA;
	s2 =	sadd.s32 s3, s2  }
0x8d: {  	s2 =	sadd.s32 s2, s16  }
0x8e: {  	[smem:$0x3FC0] =	sst s2  }
0x8f: {  	_ = 	snop  }
0x90: {  	(tm) =	ssettm $0x1  }
0x91: {  	s17 =	sld [smem:$0x3FFB];
	_ =	sdelay $0x3  }
0x92: {  	_ =	strace s17  }
0x93: {  	s2 =	sld [smem:$0x3FFC];
	_ =	sdelay $0x3  }
0x94: {  	_ =	strace s2  }
0x95: {  	s2 =	sld [smem:$0x3FFD];
	_ =	sdelay $0x3  }
0x96: {  	_ =	strace s2  }
0x97: {  	_ =	strace $0x8FFFFFFF  }
0x98: {  	s18 =	sld [smem:$0x3FDB];
	_ =	sdelay $0x1  }
0x99: {  	s19 =	simm.s32 $_scs_section_size  }
0x9a: {  	s4 =	simm.s32 $_size__tile_overlayer_lowered;
	s5 =	simm.s32 $_tile_overlayer_lowered  }
0x9b: {  	s22 =	simm.s32 $0x1BFF;
	s21 =	sshll.u32 s5, $0x1;
	s2 =	sadd.s32 s19, s18  }
0x9c: {  	s6 =	simm.s32 $0x0;
	s20 =	sshll.u32 s4, $0x1;
	s4 =	sadd.s32 s21, s2  }
0x9d: {  	[timem:s6], [sflag:s22] =	dma.local [hbm:s4], s20  }
0x9e: {  	_ =	swait.ge [sflag:s22], s20  }
0x9f: {  	s3 =	ssub.s32 $0x0, s20;
	[sflag:s22] =	ssyncset.done $0x0  }
0xa0: {  	[sflag:s22] =	ssyncadd.s32 s3;
	_ =	sdelay $0x1  }
0xa1: {  	s23 =	simm.s32 $0x1B8B  }
0xa2: {  	_ =	swait.ge [sflag:s23], $0x1  }
0xa3: {  	[sflag:s23] =	ssyncset.done $0x0  }
0xa4: {  	s25 =	simm.s32 $0x1B8E;
	s24 =	sld [smem:$0x3FFE];
	[sflag:s23] =	ssyncadd.s32 $0xFFFFFFFF  }
0xa5: {  	s26 =	simm.s32 $execute0_lowered;
	[smem:$0x3FD2] =	sst s25  }
0xa6: {  	s4 =	sshll.u32 s26, $0x1;
	_ =	strace $0x80000046;
	[dreg:$0x1] =	wrdreg $0xFFFFFFFF  }
0xa7: {  	s28 =	simm.s32 $_size_execute0_lowered;
	s2 =	sadd.s32 s2, s4;
	[dreg:$0x0] =	wrdreg $0x0  }
0xa8: {  	s4 =	sshll.u32 s28, $0x1;
	[dreg:$0x2] =	wrdreg s2  }
0xa9: {  	[dreg:$0x3] =	wrdreg s4  }
0xaa: {  	[dreg:$0x4] =	wrdreg $0xC0  }
0xab: {  	_ =	task [dreg:s6], $0x5FFFF  }
0xac: {  	[dreg:$0x1] =	wrdreg $0xFFFFFFFF  }
0xad: {  	[dreg:$0x0] =	wrdreg $0x60  }
0xae: {  	[dreg:$0x2] =	wrdreg s24  }
0xaf: {  	[dreg:$0x3] =	wrdreg $0x60000  }
0xb0: {  	[dreg:$0x4] =	wrdreg $0x9  }
0xb1: {  	_ =	task.clear_ibuf [dreg:s6], $0x5FFFF;
	_ =	strace $0x90000046  }
0xb2: {  	s29 =	simm.s32 $0x9;
	_ =	strace $0x80000048  }
0xb3: {  	_ =	swait.ge [sflag:s29], $0x1  }
0xb4: {  	[sflag:s29] =	ssyncadd.s32 $0xFFFFFFFF  }
0xb5: {  	_ =	strace $0x90000048  }
0xb6: {  	_ =	sfence  }
0xb7: {  	s30 =	sld [smem:$0x0];
	_ =	sdelay $0x2  }
0xb8: {  	s31 =	sshll.u32 s1, $0xD;
	s1 =	sshrl.u32 s1, $0x2  }
0xb9: {  	s3 =	sand.u32 $0x4000, s31;
	s1 =	sadd.s32 s1, s30  }
0xba: {  	s0 =	sor.u32 s3, s0;
	s1 =	sshll.u32 s1, $0x11  }
0xbb: {  	s0 =	sor.u32 s1, s0  }
0xbc: {  	s0 =	sadd.s32 $0x8F2B, s0  }
0xbd: {  	[sflag:s0] =	ssyncadd.remote.s32 $0x1  }
0xbe: {  	_ =	sfence.sel $0xFFFF  }
0xbf: {  	[dreg:$0x0] =	wrdreg $0xFFFFFFFF;
	(pc) =	sbr.abs _section_cstart, $3  }
0xc0: {  	[dreg:$0x1] =	wrdreg $0xFFFFFFFF  }
0xc1: {  	_ =	task.clear_ibuf [dreg:s6], $0x2FFFF;
	_ =	strace $0x9FFFFFFF  }
0xc2: {  	(tm) =	ssettm $0x7FFFFFFF  }
0xc3: {  	_ =	shalt  }
tec
execute0_lowered:
.L_overlay_start_1:
0x0: {  	(tag) =	ssettag $0x1  }
0x1: {  	s0 =	srdreg.scid  }
0x2: {  	s5 =	stileid.u32;
	s4 =	rddreg [dreg:$0x0]  }
0x3: {  	s2 =	rddreg [dreg:$0x1];
	s3 =	simm.s32 $0x0;
	s28 =	simm.s32 $0x3800  }
0x4: {  	s29 =	simm.s32 $0x2;
	s30 =	simm.s32 $0x1;
	s31 =	simm.s32 $0x50  }
0x5: {  	s0 =	sand.u32 $0x1, s0;
	[smem:$0x7FF] =	sst s3;
	s18 =	smul.u32 $0x14000, s5  }
0x6: {  	s1 =	sshll.u32 s0, $0x4;
	s17 =	smul.u32 $0x140000, s0;
	_ =	strace $0x80000047  }
0x7: {  	s0 =	ssub.s32 $0x2, s0;
	s1 =	sor.u32 s5, s1;
	s5 =	smul.u32 $0x50000, s5  }
0x8: {  	s7 =	sshrl.u32 s0, $0x1;
	s22 =	sadd.s32 $0x8000, s18;
	s23 =	sadd.s32 $0xC000, s18  }
0x9: {  	s24 =	sadd.s32 $0x10000, s18;
	s1 =	smul.u32 $0x5000, s1;
	s6 =	sadd.s32 s17, s18  }
0xa: {  	s0 =	ssub.s32 s0, s7;
	s19 =	sadd.s32 s17, s22;
	s21 =	sadd.s32 s17, s23  }
0xb: {  	s20 =	sadd.s32 s17, s24;
	s6 =	sshrl.u32 s6, $0x3;
	s5 =	sshrl.u32 s5, $0x2  }
0xc: {  	s0 =	smax.u32 s0, $0x1;
	s19 =	sshrl.u32 s19, $0x3;
	s25 =	sshrl.u32 s21, $0x3  }
0xd: {  	s26 =	sshrl.u32 s20, $0x3;
	s1 =	sshrl.u32 s1, $0x3;
	s5 =	sadd.s32 s5, s2  }
0xe: {  	[dreg:$0x4] =	wrdreg s0;
	s1 =	sadd.s32 s1, s4;
	s4 =	sadd.s32 $0x16400, s4  }
0xf: {  	s7 =	sadd.s32 $0x2800, s5;
	s8 =	sadd.s32 $0x5000, s5;
	s9 =	sadd.s32 $0x7800, s5  }
0x10: {  	s10 =	sadd.s32 $0xA000, s5;
	s11 =	sadd.s32 $0xC800, s5;
	s12 =	sadd.s32 $0xF000, s5  }
0x11: {  	s6 =	sadd.s32 s4, s6;
	s13 =	sadd.s32 $0x2400, s1;
	s14 =	sadd.s32 $0x2600, s1  }
0x12: {  	s20 =	sadd.s32 $0x2A00, s1;
	s21 =	sadd.s32 $0x2C00, s1;
	[dreg:$0x3] =	wrdreg s6  }
0x13: {  	s6 =	sadd.s32 $0x4000, s18;
	s18 =	sadd.s32 s4, s25;
	s25 =	sadd.s32 s24, s2  }
0x14: {  	s15 =	sadd.s32 s17, s6;
	s17 =	sadd.s32 s4, s19;
	s19 =	sadd.s32 s4, s26  }
0x15: {  	s0 =	sadd.s32 s6, s2;
	s6 =	sadd.s32 s22, s2;
	s26 =	sadd.s32 s23, s2  }
0x16: {  	s25 =	sshrl.u32 s25, $0x3;
	s16 =	sshrl.u32 s15, $0x3;
	s15 =	sadd.s32 $0x2800, s1  }
0x17: {  	s22 =	sshrl.u32 s0, $0x3;
	s23 =	sshrl.u32 s6, $0x3;
	s24 =	sshrl.u32 s26, $0x3  }
0x18: {  	v0 =	vimm.f32 $1.000000000e+00;
	v1 =	vimm.f32 $0.0e+00;
	s26 =	sadd.s32 $0x11800, s5;
	s1 =	simm.s32 $0x1000;
	s16 =	sadd.s32 s4, s16  }
.LBB2_1:
0x19: {  	s0 =	simm.s32 $0x200;
	s4 =	simm.s32 $0x0  }
.LBB2_2:
0x1a: {  	p0 =	sne.s32 s0, $0x9E00;
	[tilespmem:s4+$0x1000] =	vst v0;
	s6 =	smov.u32 s0;
	s0 =	sadd.s32 $0x200, s0  }
.Ltmp0:
0x1b: {  	[tilespmem:s4+$0x3800] =	vst v1;
	(pc) =	sbr.rel @p0 .LBB2_2-.Ltmp0, $2  }
0x1c: {  	_ =	sdelay $0x2  }
0x1d: {  	s4 =	sshra.s32 s6, $0x2  }
0x1e: {  	[tilespmem:s4+$0x1000] =	vst v0  }
0x1f: {  	[tilespmem:s4+$0x3800] =	vst v1  }
0x20: {  	[spmem:s5] =	stream.linear.scatter [tilespmem:s28], [sflag:$0x2], $0x2800, $0x38;
	[tilespmem:$0x8800] =	vst v63  }
0x21: {  	_ =	swait.ge [sflag:s29], $0x2800  }
0x22: {  	[sflag:s29] =	ssyncset.done $0x0  }
0x23: {  	[sflag:s29] =	ssyncadd.s32 $0xFFFFD800  }
0x24: {  	[spmem:s7] =	stream.linear.scatter [tilespmem:s28], [sflag:$0x2], $0x2800, $0x38;
	[tilespmem:$0x8800] =	vst v63  }
0x25: {  	_ =	swait.ge [sflag:s29], $0x2800  }
0x26: {  	[sflag:s29] =	ssyncset.done $0x0  }
0x27: {  	[sflag:s29] =	ssyncadd.s32 $0xFFFFD800  }
0x28: {  	[spmem:s8] =	stream.linear.scatter [tilespmem:s28], [sflag:$0x2], $0x2800, $0x38;
	[tilespmem:$0x8800] =	vst v63  }
0x29: {  	_ =	swait.ge [sflag:s29], $0x2800  }
0x2a: {  	[sflag:s29] =	ssyncset.done $0x0  }
0x2b: {  	[sflag:s29] =	ssyncadd.s32 $0xFFFFD800  }
0x2c: {  	[spmem:s9] =	stream.linear.scatter [tilespmem:s28], [sflag:$0x2], $0x2800, $0x38;
	[tilespmem:$0x8800] =	vst v63  }
0x2d: {  	_ =	swait.ge [sflag:s29], $0x2800  }
0x2e: {  	[sflag:s29] =	ssyncset.done $0x0  }
0x2f: {  	[sflag:s29] =	ssyncadd.s32 $0xFFFFD800  }
0x30: {  	[spmem:s10] =	stream.linear.scatter [tilespmem:s28], [sflag:$0x2], $0x2800, $0x38;
	[tilespmem:$0x8800] =	vst v63  }
0x31: {  	_ =	swait.ge [sflag:s29], $0x2800  }
0x32: {  	[sflag:s29] =	ssyncset.done $0x0  }
0x33: {  	[sflag:s29] =	ssyncadd.s32 $0xFFFFD800  }
0x34: {  	[spmem:s11] =	stream.linear.scatter [tilespmem:s28], [sflag:$0x2], $0x2800, $0x38;
	[tilespmem:$0x8800] =	vst v63  }
0x35: {  	_ =	swait.ge [sflag:s29], $0x2800  }
0x36: {  	[sflag:s29] =	ssyncset.done $0x0  }
0x37: {  	[sflag:s29] =	ssyncadd.s32 $0xFFFFD800  }
0x38: {  	[spmem:s12] =	stream.linear.scatter [tilespmem:s28], [sflag:$0x2], $0x2800, $0x38;
	[tilespmem:$0x8800] =	vst v63  }
0x39: {  	_ =	swait.ge [sflag:s29], $0x2800  }
0x3a: {  	[sflag:s29] =	ssyncset.done $0x0  }
0x3b: {  	[sflag:s29] =	ssyncadd.s32 $0xFFFFD800  }
0x3c: {  	[spmem:s26] =	stream.linear.scatter [tilespmem:s28], [sflag:$0x2], $0x2800, $0x38;
	[tilespmem:$0x8800] =	vst v63  }
0x3d: {  	_ =	swait.ge [sflag:s29], $0x2800  }
0x3e: {  	[sflag:s29] =	ssyncset.done $0x0  }
0x3f: {  	[sflag:s29] =	ssyncadd.s32 $0xFFFFD800  }
0x40: {  	s0 =	simm.s32 $0x0;
	[bflag:$0x0] =	sbarrier.arrive $0xFFFF  }
0x41: {  	[tilespmem:s0], [sflag:$0x1] =	stream.linear.gather [hbm4b:s13+s0], $0xC80, $0x38;
	[tilespmem:$0x8800] =	vst v63  }
0x42: {  	_ =	swait.ge [sflag:s30], $0xC80  }
0x43: {  	[sflag:s30] =	ssyncset.done $0x0  }
0x44: {  	s6 =	simm.s32 $0x0;
	[sflag:s30] =	ssyncadd.s32 $0xFFFFF380  }
0x45: {  	[spmem:s2] =	stream.indirect.scatter.add.f32 [tilespmem:s1], [sflag:$0x2], $0x10, s6, s31, $0xb8;
	[tilespmem:$0x8800] =	vst v63  }
0x46: {  	_ =	swait.ge [sflag:s29], $0x500  }
0x47: {  	s0 =	simm.s32 $0x200;
	[sflag:s29] =	ssyncset.done $0x0  }
.LBB2_4:
0x48: {  	s4 =	sshra.s32 s0, $0x2;
	[sflag:s29] =	ssyncadd.s32 $0xFFFFFB00;
	p0 =	sne.s32 s0, $0x3000  }
0x49: {  	[spmem:s2] =	stream.indirect.scatter.add.f32 [tilespmem:s1], [sflag:$0x2], $0x10, s4, s31, $0xb8;
	[tilespmem:$0x8800] =	vst v63  }
.Ltmp1:
0x4a: {  	_ = 	snop;
	(pc) =	sbr.rel @p0 .LBB2_4-.Ltmp1, $4  }
0x4b: {  	_ = 	snop  }
0x4c: {  	s0 =	sadd.s32 $0x200, s0  }
0x4d: {  	_ =	swait.ge [sflag:s29], $0x500  }
0x4e: {  	[sflag:s29] =	ssyncset.done $0x0  }
0x4f: {  	[sflag:s29] =	ssyncadd.s32 $0xFFFFFB00;
	s0 =	simm.s32 $0x0  }
0x50: {  	[tilespmem:s0], [sflag:$0x1] =	stream.linear.gather [hbm4b:s14+s0], $0xC80, $0x38;
	[tilespmem:$0x8800] =	vst v63  }
0x51: {  	_ =	swait.ge [sflag:s30], $0xC80  }
0x52: {  	[sflag:s30] =	ssyncset.done $0x0  }
0x53: {  	s6 =	simm.s32 $0x0;
	[sflag:s30] =	ssyncadd.s32 $0xFFFFF380  }
0x54: {  	[spmem:s2] =	stream.indirect.scatter.add.f32 [tilespmem:s1], [sflag:$0x2], $0x10, s6, s31, $0xb8;
	[tilespmem:$0x8800] =	vst v63  }
0x55: {  	_ =	swait.ge [sflag:s29], $0x500  }
0x56: {  	s0 =	simm.s32 $0x200;
	[sflag:s29] =	ssyncset.done $0x0  }
.LBB2_6:
0x57: {  	s4 =	sshra.s32 s0, $0x2;
	[sflag:s29] =	ssyncadd.s32 $0xFFFFFB00;
	p0 =	sne.s32 s0, $0x3000  }
0x58: {  	[spmem:s2] =	stream.indirect.scatter.add.f32 [tilespmem:s1], [sflag:$0x2], $0x10, s4, s31, $0xb8;
	[tilespmem:$0x8800] =	vst v63  }
.Ltmp2:
0x59: {  	_ = 	snop;
	(pc) =	sbr.rel @p0 .LBB2_6-.Ltmp2, $4  }
0x5a: {  	_ = 	snop  }
0x5b: {  	s0 =	sadd.s32 $0x200, s0  }
0x5c: {  	_ =	swait.ge [sflag:s29], $0x500  }
0x5d: {  	[sflag:s29] =	ssyncset.done $0x0  }
0x5e: {  	[sflag:s29] =	ssyncadd.s32 $0xFFFFFB00;
	s0 =	simm.s32 $0x0  }
0x5f: {  	[tilespmem:s0], [sflag:$0x1] =	stream.linear.gather [hbm4b:s15+s0], $0xC80, $0x38;
	[tilespmem:$0x8800] =	vst v63  }
0x60: {  	_ =	swait.ge [sflag:s30], $0xC80  }
0x61: {  	[sflag:s30] =	ssyncset.done $0x0  }
0x62: {  	s6 =	simm.s32 $0x0;
	[sflag:s30] =	ssyncadd.s32 $0xFFFFF380  }
0x63: {  	[spmem:s2] =	stream.indirect.scatter.add.f32 [tilespmem:s1], [sflag:$0x2], $0x10, s6, s31, $0xb8;
	[tilespmem:$0x8800] =	vst v63  }
0x64: {  	_ =	swait.ge [sflag:s29], $0x500  }
0x65: {  	s0 =	simm.s32 $0x200;
	[sflag:s29] =	ssyncset.done $0x0  }
.LBB2_8:
0x66: {  	s4 =	sshra.s32 s0, $0x2;
	[sflag:s29] =	ssyncadd.s32 $0xFFFFFB00;
	p0 =	sne.s32 s0, $0x3000  }
0x67: {  	[spmem:s2] =	stream.indirect.scatter.add.f32 [tilespmem:s1], [sflag:$0x2], $0x10, s4, s31, $0xb8;
	[tilespmem:$0x8800] =	vst v63  }
.Ltmp3:
0x68: {  	_ = 	snop;
	(pc) =	sbr.rel @p0 .LBB2_8-.Ltmp3, $4  }
0x69: {  	_ = 	snop  }
0x6a: {  	s0 =	sadd.s32 $0x200, s0  }
0x6b: {  	_ =	swait.ge [sflag:s29], $0x500  }
0x6c: {  	[sflag:s29] =	ssyncset.done $0x0  }
0x6d: {  	[sflag:s29] =	ssyncadd.s32 $0xFFFFFB00;
	s0 =	simm.s32 $0x0  }
0x6e: {  	[tilespmem:s0], [sflag:$0x1] =	stream.linear.gather [hbm4b:s20+s0], $0xC80, $0x38;
	[tilespmem:$0x8800] =	vst v63  }
0x6f: {  	_ =	swait.ge [sflag:s30], $0xC80  }
0x70: {  	[sflag:s30] =	ssyncset.done $0x0  }
0x71: {  	s6 =	simm.s32 $0x0;
	[sflag:s30] =	ssyncadd.s32 $0xFFFFF380  }
0x72: {  	[spmem:s2] =	stream.indirect.scatter.add.f32 [tilespmem:s1], [sflag:$0x2], $0x10, s6, s31, $0xb8;
	[tilespmem:$0x8800] =	vst v63  }
0x73: {  	_ =	swait.ge [sflag:s29], $0x500  }
0x74: {  	s0 =	simm.s32 $0x200;
	[sflag:s29] =	ssyncset.done $0x0  }
.LBB2_10:
0x75: {  	s4 =	sshra.s32 s0, $0x2;
	[sflag:s29] =	ssyncadd.s32 $0xFFFFFB00;
	p0 =	sne.s32 s0, $0x3000  }
0x76: {  	[spmem:s2] =	stream.indirect.scatter.add.f32 [tilespmem:s1], [sflag:$0x2], $0x10, s4, s31, $0xb8;
	[tilespmem:$0x8800] =	vst v63  }
.Ltmp4:
0x77: {  	_ = 	snop;
	(pc) =	sbr.rel @p0 .LBB2_10-.Ltmp4, $4  }
0x78: {  	_ = 	snop  }
0x79: {  	s0 =	sadd.s32 $0x200, s0  }
0x7a: {  	_ =	swait.ge [sflag:s29], $0x500  }
0x7b: {  	[sflag:s29] =	ssyncset.done $0x0  }
0x7c: {  	[sflag:s29] =	ssyncadd.s32 $0xFFFFFB00;
	s0 =	simm.s32 $0x0  }
0x7d: {  	[tilespmem:s0], [sflag:$0x1] =	stream.linear.gather [hbm4b:s21+s0], $0xC80, $0x38;
	[tilespmem:$0x8800] =	vst v63  }
0x7e: {  	_ =	swait.ge [sflag:s30], $0xC80  }
0x7f: {  	[sflag:s30] =	ssyncset.done $0x0  }
0x80: {  	s6 =	simm.s32 $0x0;
	[sflag:s30] =	ssyncadd.s32 $0xFFFFF380  }
0x81: {  	[spmem:s2] =	stream.indirect.scatter.add.f32 [tilespmem:s1], [sflag:$0x2], $0x10, s6, s31, $0xb8;
	[tilespmem:$0x8800] =	vst v63  }
0x82: {  	_ =	swait.ge [sflag:s29], $0x500  }
0x83: {  	s0 =	simm.s32 $0x200;
	[sflag:s29] =	ssyncset.done $0x0  }
.LBB2_12:
0x84: {  	s4 =	sshra.s32 s0, $0x2;
	[sflag:s29] =	ssyncadd.s32 $0xFFFFFB00;
	p0 =	sne.s32 s0, $0x3000  }
0x85: {  	[spmem:s2] =	stream.indirect.scatter.add.f32 [tilespmem:s1], [sflag:$0x2], $0x10, s4, s31, $0xb8;
	[tilespmem:$0x8800] =	vst v63  }
.Ltmp5:
0x86: {  	_ = 	snop;
	(pc) =	sbr.rel @p0 .LBB2_12-.Ltmp5, $4  }
0x87: {  	_ = 	snop  }
0x88: {  	s0 =	sadd.s32 $0x200, s0  }
0x89: {  	_ =	swait.ge [sflag:s29], $0x500  }
0x8a: {  	[sflag:s29] =	ssyncset.done $0x0  }
0x8b: {  	[sflag:s29] =	ssyncadd.s32 $0xFFFFFB00;
	s0 =	stileid.u32  }
0x8c: {  	s0 =	sshll.u32 s0, $0x6;
	[bflag:$0x0] =	sbarrier.arrive $0xFFFF  }
0x8d: {  	s4 =	sshrl.u32 s5, $0x3;
	s0 =	sor.u32 $0x1C02, s0;
	s6 =	rddreg [dreg:$0x3]  }
0x8e: {  	[hbm:s6], [sflag:s0] =	dma.local [spmem:s4], $0x800  }
0x8f: {  	_ =	swait.ge [sflag:s29], $0x800  }
0x90: {  	[sflag:s29] =	ssyncset.done $0x0  }
0x91: {  	[sflag:s29] =	ssyncadd.s32 $0xFFFFF800  }
0x92: {  	[hbm:s16], [sflag:s0] =	dma.local [spmem:s22], $0x800  }
0x93: {  	_ =	swait.ge [sflag:s29], $0x800  }
0x94: {  	[sflag:s29] =	ssyncset.done $0x0  }
0x95: {  	[sflag:s29] =	ssyncadd.s32 $0xFFFFF800  }
0x96: {  	[hbm:s17], [sflag:s0] =	dma.local [spmem:s23], $0x800  }
0x97: {  	_ =	swait.ge [sflag:s29], $0x800  }
0x98: {  	[sflag:s29] =	ssyncset.done $0x0  }
0x99: {  	[sflag:s29] =	ssyncadd.s32 $0xFFFFF800  }
0x9a: {  	[hbm:s18], [sflag:s0] =	dma.local [spmem:s24], $0x800  }
0x9b: {  	_ =	swait.ge [sflag:s29], $0x800  }
0x9c: {  	[sflag:s29] =	ssyncset.done $0x0  }
0x9d: {  	[sflag:s29] =	ssyncadd.s32 $0xFFFFF800  }
0x9e: {  	[hbm:s19], [sflag:s0] =	dma.local [spmem:s25], $0x800  }
0x9f: {  	_ =	swait.ge [sflag:s29], $0x800  }
0xa0: {  	s3 =	sadd.s32 $0x1, s3;
	s6 =	rddreg [dreg:$0x4]  }
0xa1: {  	p0 =	sne.s32 s3, s6  }
.Ltmp6:
0xa2: {  	_ = 	snop;
	(pc) =	sbr.rel @p0 .LBB2_1-.Ltmp6, $3  }
0xa3: {  	_ =	sdelay $0x1  }
0xa4: {  	[sflag:s29] =	ssyncset.done $0x0  }
0xa5: {  	[sflag:s29] =	ssyncadd.s32 $0xFFFFF800  }
0xa6: {  	_ =	sfence.sel $0x180000  }
0xa7: {  	[bflag:$0x0] =	sbarrier.arrive $0xFFFF  }
0xa8: {  	_ =	strace $0x90000047  }
0xa9: {  	s0 =	stileid.u32;
	[bflag:$0x2] =	sbarrier.arrive $0xFFFF  }
0xaa: {  	p0 =	sne.s32 s0, $0x0;
	s0 =	rddreg [dreg:$0x2]  }
0xab: {  	s0 =	sadd.s32 @!p0 $0x100000, s0  }
0xac: {  	[sflag:s0] =	ssyncadd.tile.s32 @!p0 $0x1;
	_ =	shalt  }
.Lfunc_end2:
_tile_overlayer_lowered:
.L_overlay_start_2:
0xad: {  	(tag) =	ssettag $0x2  }
0xae: {  	s0 =	rddreg [dreg:$0x0];
	s2 =	stileid.u32  }
0xaf: {  	s1 =	rddreg [dreg:$0x1];
	p0 =	sne.s32 s2, $0x0  }
0xb0: {  	s3 =	rddreg [dreg:$0x2];
	[bflag:$0x3] =	sbarrier.arrive $0xFFFF;
	s2 =	simm.s32 @!p0 $0x1C02  }
0xb1: {  	[timem:s3], [sflag:s2] =	dma.local @!p0 [hbm:s0], s1  }
0xb2: {  	s0 =	simm.s32 @!p0 $0x2  }
0xb3: {  	_ =	swait.ge @!p0 [sflag:s0], s1  }
0xb4: {  	s1 =	ssub.s32 @!p0 $0x0, s1;
	[sflag:s0] =	ssyncset.done @!p0 $0x0  }
0xb5: {  	[sflag:s0] =	ssyncadd.s32 @!p0 s1  }
0xb6: {  	[bflag:$0x3] =	sbarrier.arrive $0xFFFF  }
0xb7: {  	_ =	shalt  }

// kernel: kernel.14.cloned.1.call-start
scs
__scs_entry_jumppad:
0x0: {  	(pc) =	sbr.rel $0x88, $3  }
0x1: {  	(tag) =	ssettag $0x0;
	lr =	simm.s32 $0x1  }
0x2: {  	[smem:$0x3F99] =	sst lr;
	_ =	strace $0xD0000000  }
0x3: {  	_ = 	snop  }
0x4: {  	_ = 	snop  }
0x5: {  	_ = 	snop  }
0x6: {  	_ = 	snop  }
0x7: {  	_ = 	snop  }
__scs_overlays_trampoline_lowered:
0x8: {  	[smem:$0x3FA8] =	sst s0  }
0x9: {  	[smem:$0x3FA9] =	sst s1  }
0xa: {  	[smem:$0x3FAA] =	sst s2  }
0xb: {  	[smem:$0x3FAB] =	sst s3  }
0xc: {  	[smem:$0x3FAC] =	sst s4  }
0xd: {  	[smem:$0x3FAD] =	sst s5  }
0xe: {  	[smem:$0x3FAE] =	sst s6  }
0xf: {  	[smem:$0x3FAF] =	sst s7  }
0x10: {  	[smem:$0x3FB0] =	sst s8  }
0x11: {  	[smem:$0x3FB1] =	sst s9;
	s0 =	simm.s32 @!p0 $0x0  }
0x12: {  	s1 =	sld [smem:$0x3F97];
	s0 =	simm.s32 @p0 $0x1  }
0x13: {  	[smem:$0x3FB2] =	sst s0;
	s0 =	simm.s32 @!p1 $0x0  }
0x14: {  	s2 =	sld [smem:$0x3F96];
	s0 =	simm.s32 @p1 $0x1  }
0x15: {  	[smem:$0x3FB3] =	sst s0;
	s0 =	simm.s32 @!p2 $0x0  }
0x16: {  	s3 =	sld [smem:$0x3FDB];
	s0 =	simm.s32 @p2 $0x1  }
0x17: {  	s4 =	simm.s32 $0x1BF5;
	[smem:$0x3FB5] =	sst s0  }
0x18: {  	s0 =	sld [smem:$0x3F98];
	_ =	swait.ge [sflag:s4], $0x0  }
0x19: {  	s7 =	sld [smem:$0x3F99]  }
0x1a: {  	s8 =	sadd.s32 $0xFFFFE003, lr  }
0x1b: {  	s9 =	sadd.s32 $0xFFFFFEF7, lr;
	s5 =	simm.s32 $0xFFFFFFFF;
	p2 =	slt.u32 s8, $0xFFFFF086  }
0x1c: {  	p1 =	slt.u32 s9, $0xF7A;
	s5 =	simm.s32 @!p2 $0x0  }
0x1d: {  	s5 =	simm.s32 @p1 $0x1;
	p0 =	seq.s32 s7, s2  }
0x1e: {  	s7 =	smul.u32 @!p0 $0xF7A, s2;
	p2 =	seq.s32 @!p0 s5, $0x0  }
0x1f: {  	s9 =	smul.u32 $0xF7A, s1;
	s8 =	simm.s32 @!p0 $0x1BF5;
	p2 =	por !p2, p0  }
0x20: {  	[sflag:s8] =	ssyncset.s32 @!p0 $0xFFFFF086;
	s6 =	sadd.s32 @!p0 s3, s7;
	s7 =	simm.s32 @!p0 $0x108  }
0x21: {  	s3 =	sadd.s32 s3, s9;
	s6 =	sadd.s32 @!p0 $0x88, s6;
	s7 =	simm.s32 @p2 $0x1082  }
0x22: {  	[simem:s7], [sflag:s8] =	dma.local @!p0 [hbm:s6], $0xF7A  }
0x23: {  	s9 =	sor.u32 $0xD0000000, s2;
	s6 =	simm.s32 $0x108;
	_ =	swait.ge @!p0 [sflag:s8], $0x0  }
0x24: {  	s3 =	sadd.s32 $0x88, s3;
	s6 =	simm.s32 @!p1 $0x1082;
	[sflag:s4] =	ssyncset.s32 $0xFFFFF086  }
0x25: {  	[simem:s6], [sflag:s4] =	dma.local [hbm:s3], $0xF7A  }
0x26: {  	[smem:$0x3F99] =	sst s1;
	(tag) =	ssettag s2;
	_ =	strace s9  }
0x27: {  	s1 =	sld [smem:$0x3FA9]  }
0x28: {  	s2 =	sld [smem:$0x3FAA]  }
0x29: {  	s4 =	sld [smem:$0x3FAC]  }
0x2a: {  	p0 =	seq.s32 s5, $0x0;
	s5 =	sld [smem:$0x3FAD]  }
0x2b: {  	s6 =	sld [smem:$0x3FAE]  }
0x2c: {  	s7 =	sld [smem:$0x3FAF]  }
0x2d: {  	s3 =	simm.s32 $0x108;
	s8 =	sld [smem:$0x3FB0]  }
0x2e: {  	s3 =	simm.s32 @!p0 $0x1082;
	s9 =	sld [smem:$0x3FB1]  }
0x2f: {  	lr =	sadd.s32 s0, s3;
	s0 =	sld [smem:$0x3FA8]  }
0x30: {  	s3 =	sld [smem:$0x3FAB]  }
0x31: {  	[smem:$0x3FB4] =	sst s10  }
0x32: {  	s10 =	sld [smem:$0x3FB2];
	_ =	sdelay $0x3  }
0x33: {  	p0 =	seq.s32 s10, $0x1;
	s10 =	sld [smem:$0x3FB4];
	_ =	sdelay $0x3  }
0x34: {  	[smem:$0x3FB4] =	sst s10  }
0x35: {  	s10 =	sld [smem:$0x3FB3];
	_ =	sdelay $0x3  }
0x36: {  	p1 =	seq.s32 s10, $0x1;
	s10 =	sld [smem:$0x3FB4];
	_ =	sdelay $0x3  }
0x37: {  	[smem:$0x3FB4] =	sst s10  }
0x38: {  	s10 =	sld [smem:$0x3FB5]  }
0x39: {  	_ = 	snop;
	(pc) =	sbr.ind lr, $3  }
0x3a: {  	_ = 	snop  }
0x3b: {  	_ = 	snop  }
0x3c: {  	p2 =	seq.s32 s10, $0x1;
	s10 =	sld [smem:$0x3FB4]  }
0x3d: {  	_ =	shalt  }
0x3e: {  	_ =	shalt  }
0x3f: {  	_ =	shalt  }
0x40: {  	_ =	shalt  }
0x41: {  	_ =	shalt  }
0x42: {  	_ =	shalt  }
0x43: {  	_ =	shalt  }
0x44: {  	_ =	shalt  }
0x45: {  	_ =	shalt  }
0x46: {  	_ =	shalt  }
0x47: {  	_ =	shalt  }
0x48: {  	_ =	shalt  }
0x49: {  	_ =	shalt  }
0x4a: {  	_ =	shalt  }
0x4b: {  	_ =	shalt  }
0x4c: {  	_ =	shalt  }
0x4d: {  	_ =	shalt  }
0x4e: {  	_ =	shalt  }
0x4f: {  	_ =	shalt  }
0x50: {  	_ =	shalt  }
0x51: {  	_ =	shalt  }
0x52: {  	_ =	shalt  }
0x53: {  	_ =	shalt  }
0x54: {  	_ =	shalt  }
0x55: {  	_ =	shalt  }
0x56: {  	_ =	shalt  }
0x57: {  	_ =	shalt  }
0x58: {  	_ =	shalt  }
0x59: {  	_ =	shalt  }
0x5a: {  	_ =	shalt  }
0x5b: {  	_ =	shalt  }
0x5c: {  	_ =	shalt  }
0x5d: {  	_ =	shalt  }
0x5e: {  	_ =	shalt  }
0x5f: {  	_ =	shalt  }
0x60: {  	_ =	shalt  }
0x61: {  	_ =	shalt  }
0x62: {  	_ =	shalt  }
0x63: {  	_ =	shalt  }
0x64: {  	_ =	shalt  }
0x65: {  	_ =	shalt  }
0x66: {  	_ =	shalt  }
0x67: {  	_ =	shalt  }
0x68: {  	_ =	shalt  }
0x69: {  	_ =	shalt  }
0x6a: {  	_ =	shalt  }
0x6b: {  	_ =	shalt  }
0x6c: {  	_ =	shalt  }
0x6d: {  	_ =	shalt  }
0x6e: {  	_ =	shalt  }
0x6f: {  	_ =	shalt  }
0x70: {  	_ =	shalt  }
0x71: {  	_ =	shalt  }
0x72: {  	_ =	shalt  }
0x73: {  	_ =	shalt  }
0x74: {  	_ =	shalt  }
0x75: {  	_ =	shalt  }
0x76: {  	_ =	shalt  }
0x77: {  	_ =	shalt  }
0x78: {  	_ =	shalt  }
0x79: {  	_ =	shalt  }
0x7a: {  	_ =	shalt  }
0x7b: {  	_ =	shalt  }
0x7c: {  	_ =	shalt  }
0x7d: {  	_ =	shalt  }
0x7e: {  	_ =	shalt  }
0x7f: {  	_ =	shalt  }
0x80: {  	_ =	shalt  }
0x81: {  	_ =	shalt  }
0x82: {  	_ =	shalt  }
0x83: {  	_ =	shalt  }
0x84: {  	_ =	shalt  }
0x85: {  	_ =	shalt  }
0x86: {  	_ =	shalt  }
0x87: {  	_ =	shalt  }
.Lfunc_end0:
.L_simem_size_0:
called_computation.1_lowered:
.L_overlay_start_0:
0x88: {  	s2 =	sld [smem:$0x3FD9]  }
0x89: {  	s3 =	sld [smem:$0x3FFE];
	_ =	sdelay $0x1  }
0x8a: {  	s1 =	srdreg.scid  }
0x8b: {  	s0 =	sand.u32 $0x1, s1  }
0x8c: {  	s17 =	sshll.u32 s0, $0xA;
	s2 =	sadd.s32 s3, s2  }
0x8d: {  	s2 =	sadd.s32 s2, s17  }
0x8e: {  	[smem:$0x3FC0] =	sst s2  }
0x8f: {  	_ = 	snop  }
0x90: {  	s2 =	sld [smem:$0x3FD0];
	(tm) =	ssettm $0x1  }
0x91: {  	s18 =	sld [smem:$0x3FFB];
	_ =	sdelay $0x3  }
0x92: {  	_ =	strace s18  }
0x93: {  	s3 =	sld [smem:$0x3FFC];
	_ =	sdelay $0x3  }
0x94: {  	_ =	strace s3  }
0x95: {  	s3 =	sld [smem:$0x3FFD];
	_ =	sdelay $0x3  }
0x96: {  	_ =	strace s3  }
0x97: {  	_ =	strace $0x8FFFFFFF  }
0x98: {  	s19 =	sld [smem:$0x3FDB];
	_ =	sdelay $0x1  }
0x99: {  	s4 =	simm.s32 $_scs_section_size  }
0x9a: {  	s5 =	simm.s32 $_size__tile_overlayer_lowered;
	s6 =	simm.s32 $_tile_overlayer_lowered  }
0x9b: {  	s22 =	simm.s32 $0x1BFF;
	s21 =	sshll.u32 s6, $0x1;
	s3 =	sadd.s32 s4, s19  }
0x9c: {  	s7 =	simm.s32 $0x0;
	s20 =	sshll.u32 s5, $0x1;
	s5 =	sadd.s32 s21, s3  }
0x9d: {  	[timem:s7], [sflag:s22] =	dma.local [hbm:s5], s20  }
0x9e: {  	_ =	swait.ge [sflag:s22], s20  }
0x9f: {  	s4 =	ssub.s32 $0x0, s20;
	[sflag:s22] =	ssyncset.done $0x0  }
0xa0: {  	[sflag:s22] =	ssyncadd.s32 s4;
	_ =	sdelay $0x1  }
0xa1: {  	s23 =	simm.s32 $0x1B8B  }
0xa2: {  	_ =	swait.ge [sflag:s23], $0x1  }
0xa3: {  	[sflag:s23] =	ssyncset.done $0x0  }
0xa4: {  	s25 =	simm.s32 $0x1B8E;
	s24 =	sld [smem:$0x3FFE];
	[sflag:s23] =	ssyncadd.s32 $0xFFFFFFFF  }
0xa5: {  	s26 =	simm.s32 $execute0_lowered;
	[smem:$0x3FD2] =	sst s25  }
0xa6: {  	s5 =	sshll.u32 s26, $0x1;
	_ =	strace $0x80000049;
	[dreg:$0x1] =	wrdreg $0xFFFFFFFF  }
0xa7: {  	s28 =	simm.s32 $_size_execute0_lowered;
	s3 =	sadd.s32 s3, s5;
	[dreg:$0x0] =	wrdreg $0x0  }
0xa8: {  	s5 =	sshll.u32 s28, $0x1;
	[dreg:$0x2] =	wrdreg s3  }
0xa9: {  	[dreg:$0x3] =	wrdreg s5  }
0xaa: {  	[dreg:$0x4] =	wrdreg $0xC0  }
0xab: {  	_ =	task [dreg:s7], $0x5FFFF  }
0xac: {  	[dreg:$0x1] =	wrdreg $0xFFFFFFFF  }
0xad: {  	[dreg:$0x0] =	wrdreg $0x60  }
0xae: {  	[dreg:$0x2] =	wrdreg s24  }
0xaf: {  	[dreg:$0x3] =	wrdreg s2  }
0xb0: {  	[dreg:$0x4] =	wrdreg $0x88000  }
0xb1: {  	[dreg:$0x5] =	wrdreg $0x9  }
0xb2: {  	_ =	task.clear_ibuf [dreg:s7], $0x6FFFF;
	_ =	strace $0x90000049  }
0xb3: {  	s29 =	simm.s32 $0x9;
	_ =	strace $0x8000004B  }
0xb4: {  	_ =	swait.ge [sflag:s29], $0x1  }
0xb5: {  	[sflag:s29] =	ssyncadd.s32 $0xFFFFFFFF  }
0xb6: {  	_ =	strace $0x9000004B  }
0xb7: {  	_ =	sfence  }
0xb8: {  	s30 =	sld [smem:$0x0];
	_ =	sdelay $0x2  }
0xb9: {  	s31 =	sshll.u32 s1, $0xD;
	s1 =	sshrl.u32 s1, $0x2  }
0xba: {  	s3 =	sand.u32 $0x4000, s31;
	s1 =	sadd.s32 s1, s30  }
0xbb: {  	s0 =	sor.u32 s3, s0;
	s1 =	sshll.u32 s1, $0x11  }
0xbc: {  	s0 =	sor.u32 s1, s0  }
0xbd: {  	s0 =	sadd.s32 $0x8F2B, s0  }
0xbe: {  	[sflag:s0] =	ssyncadd.remote.s32 $0x1  }
0xbf: {  	_ =	sfence.sel $0xFFFF  }
0xc0: {  	[dreg:$0x0] =	wrdreg $0xFFFFFFFF;
	(pc) =	sbr.abs _section_cstart, $3  }
0xc1: {  	[dreg:$0x1] =	wrdreg $0xFFFFFFFF  }
0xc2: {  	_ =	task.clear_ibuf [dreg:s7], $0x2FFFF;
	_ =	strace $0x9FFFFFFF  }
0xc3: {  	(tm) =	ssettm $0x7FFFFFFF  }
tec
execute0_lowered:
.L_overlay_start_1:
0x0: {  	(tag) =	ssettag $0x1  }
0x1: {  	s0 =	rddreg [dreg:$0x0]  }
0x2: {  	s1 =	rddreg [dreg:$0x1]  }
0x3: {  	s2 =	rddreg [dreg:$0x2]  }
0x4: {  	s3 =	srdreg.scid;
	s4 =	simm.s32 $0x0;
	s12 =	stileid.u32  }
0x5: {  	s28 =	simm.s32 $0x4;
	s29 =	simm.s32 $0x3;
	s8 =	smul.u32 $0x8C00, s12  }
0x6: {  	s30 =	simm.s32 $0x1C00;
	s31 =	simm.s32 $0x50;
	s11 =	smul.u32 $0x14000, s12  }
0x7: {  	s3 =	sand.u32 $0x1, s3;
	[smem:$0x7FF] =	sst s4;
	s12 =	smul.u32 $0x50000, s12  }
0x8: {  	s5 =	sadd.s32 $0x50600, s0;
	s6 =	sadd.s32 $0xB4600, s0;
	s7 =	smul.u32 $0x8C000, s3  }
0x9: {  	s0 =	sadd.s32 $0xD7600, s0;
	s9 =	smul.u32 $0x140000, s3;
	s3 =	ssub.s32 $0x2, s3  }
0xa: {  	_ =	strace $0x8000004A;
	s10 =	sshrl.u32 s3, $0x1;
	s23 =	sshrl.u32 s12, $0x2  }
0xb: {  	s26 =	sadd.s32 $0x4000, s11;
	s17 =	sadd.s32 $0x8000, s11;
	s3 =	ssub.s32 s3, s10  }
0xc: {  	s21 =	sadd.s32 s9, s11;
	s10 =	sadd.s32 s23, s2;
	s3 =	smax.u32 s3, $0x1  }
0xd: {  	s7 =	sadd.s32 s8, s7;
	s24 =	sadd.s32 $0x2800, s10;
	[dreg:$0x5] =	wrdreg s3  }
0xe: {  	s14 =	sadd.s32 s9, s26;
	s25 =	sadd.s32 $0x5000, s10;
	[dreg:$0x6] =	wrdreg s24  }
0xf: {  	s23 =	sadd.s32 s26, s2;
	s12 =	sadd.s32 $0x7800, s10;
	[dreg:$0x7] =	wrdreg s25  }
0x10: {  	s22 =	sshrl.u32 s21, $0x3;
	s13 =	sadd.s32 $0xA000, s10;
	[dreg:$0x8] =	wrdreg s12  }
0x11: {  	s15 =	sadd.s32 $0xC800, s10;
	s16 =	sadd.s32 $0xF000, s10;
	[dreg:$0x9] =	wrdreg s13  }
0x12: {  	s21 =	sadd.s32 $0x11800, s10;
	s8 =	sadd.s32 s0, s22;
	[dreg:$0xa] =	wrdreg s15  }
0x13: {  	[dreg:$0xb] =	wrdreg s16;
	s22 =	sadd.s32 $0xC000, s11;
	s13 =	sadd.s32 s9, s17  }
0x14: {  	s11 =	sadd.s32 $0x10000, s11;
	s24 =	sadd.s32 s17, s2;
	s3 =	simm.s32 $0x6000  }
0x15: {  	s12 =	simm.s32 $0x3480;
	[dreg:$0x4] =	wrdreg s8;
	s8 =	sshrl.u32 s14, $0x3  }
0x16: {  	s14 =	sadd.s32 s9, s22;
	s13 =	sshrl.u32 s13, $0x3;
	s9 =	sadd.s32 s9, s11  }
0x17: {  	s25 =	sadd.s32 s22, s2;
	s26 =	sadd.s32 s11, s2;
	s22 =	sshrl.u32 s23, $0x3  }
0x18: {  	s23 =	sshrl.u32 s24, $0x3;
	s11 =	simm.s32 $0x3400;
	s8 =	sadd.s32 s0, s8  }
0x19: {  	s14 =	sshrl.u32 s14, $0x3;
	s18 =	sadd.s32 s0, s13;
	s9 =	sshrl.u32 s9, $0x3  }
0x1a: {  	s24 =	sshrl.u32 s25, $0x3;
	s25 =	sshrl.u32 s26, $0x3;
	s26 =	simm.s32 $0x3800  }
0x1b: {  	[dreg:$0xc] =	wrdreg s8;
	s19 =	sadd.s32 s0, s14;
	s20 =	sadd.s32 s0, s9  }
0x1c: {  	v0 =	vimm.f32 $0.0e+00;
	s0 =	simm.s32 $0x80;
	s8 =	simm.s32 $0x1;
	s9 =	simm.s32 $0x2  }
.LBB2_1:
0x1d: {  	s13 =	simm.s32 $0x70;
	s14 =	simm.s32 $0x3C0  }
.LBB2_2:
0x1e: {  	p0 =	sne.s32 s14, $0x9FC0;
	[tilespmem:s13+$0x3800] =	vst v0  }
0x1f: {  	[tilespmem:s13+$0x3790] =	vst v0  }
0x20: {  	[tilespmem:s13+$0x37A0] =	vst v0  }
.Ltmp0:
0x21: {  	[tilespmem:s13+$0x37B0] =	vst v0;
	(pc) =	sbr.rel @p0 .LBB2_2-.Ltmp0, $4  }
0x22: {  	[tilespmem:s13+$0x37C0] =	vst v0  }
0x23: {  	[tilespmem:s13+$0x37D0] =	vst v0  }
0x24: {  	[tilespmem:s13+$0x37E0] =	vst v0  }
0x25: {  	[tilespmem:s13+$0x37F0] =	vst v0;
	s13 =	sshra.s32 s14, $0x2;
	s14 =	sadd.s32 $0x200, s14  }
0x26: {  	[tilespmem:s13+$0x3800] =	vst v0  }
0x27: {  	[tilespmem:s13+$0x3790] =	vst v0  }
0x28: {  	[tilespmem:s13+$0x37A0] =	vst v0  }
0x29: {  	[tilespmem:s13+$0x37B0] =	vst v0  }
0x2a: {  	[tilespmem:s13+$0x37C0] =	vst v0  }
0x2b: {  	[tilespmem:s13+$0x37D0] =	vst v0  }
0x2c: {  	[tilespmem:s13+$0x37E0] =	vst v0  }
0x2d: {  	[tilespmem:s13+$0x37F0] =	vst v0  }
0x2e: {  	[spmem:s10] =	stream.linear.scatter [tilespmem:s26], [sflag:$0x4], $0x2800, $0x38;
	[tilespmem:$0x1C800] =	vst v63  }
0x2f: {  	_ =	swait.ge [sflag:s28], $0x2800  }
0x30: {  	[sflag:s28] =	ssyncset.done $0x0  }
0x31: {  	s16 =	rddreg [dreg:$0x6];
	[sflag:s28] =	ssyncadd.s32 $0xFFFFD800  }
0x32: {  	[spmem:s16] =	stream.linear.scatter [tilespmem:s26], [sflag:$0x4], $0x2800, $0x38;
	[tilespmem:$0x1C800] =	vst v63  }
0x33: {  	_ =	swait.ge [sflag:s28], $0x2800  }
0x34: {  	[sflag:s28] =	ssyncset.done $0x0  }
0x35: {  	s17 =	rddreg [dreg:$0x7];
	[sflag:s28] =	ssyncadd.s32 $0xFFFFD800  }
0x36: {  	[spmem:s17] =	stream.linear.scatter [tilespmem:s26], [sflag:$0x4], $0x2800, $0x38;
	[tilespmem:$0x1C800] =	vst v63  }
0x37: {  	_ =	swait.ge [sflag:s28], $0x2800  }
0x38: {  	[sflag:s28] =	ssyncset.done $0x0  }
0x39: {  	s14 =	rddreg [dreg:$0x8];
	[sflag:s28] =	ssyncadd.s32 $0xFFFFD800  }
0x3a: {  	[spmem:s14] =	stream.linear.scatter [tilespmem:s26], [sflag:$0x4], $0x2800, $0x38;
	[tilespmem:$0x1C800] =	vst v63  }
0x3b: {  	_ =	swait.ge [sflag:s28], $0x2800  }
0x3c: {  	[sflag:s28] =	ssyncset.done $0x0  }
0x3d: {  	s15 =	rddreg [dreg:$0x9];
	[sflag:s28] =	ssyncadd.s32 $0xFFFFD800  }
0x3e: {  	[spmem:s15] =	stream.linear.scatter [tilespmem:s26], [sflag:$0x4], $0x2800, $0x38;
	[tilespmem:$0x1C800] =	vst v63  }
0x3f: {  	_ =	swait.ge [sflag:s28], $0x2800  }
0x40: {  	[sflag:s28] =	ssyncset.done $0x0  }
0x41: {  	s16 =	rddreg [dreg:$0xa];
	[sflag:s28] =	ssyncadd.s32 $0xFFFFD800  }
0x42: {  	[spmem:s16] =	stream.linear.scatter [tilespmem:s26], [sflag:$0x4], $0x2800, $0x38;
	[tilespmem:$0x1C800] =	vst v63  }
0x43: {  	_ =	swait.ge [sflag:s28], $0x2800  }
0x44: {  	[sflag:s28] =	ssyncset.done $0x0  }
0x45: {  	s17 =	rddreg [dreg:$0xb];
	[sflag:s28] =	ssyncadd.s32 $0xFFFFD800  }
0x46: {  	[spmem:s17] =	stream.linear.scatter [tilespmem:s26], [sflag:$0x4], $0x2800, $0x38;
	[tilespmem:$0x1C800] =	vst v63  }
0x47: {  	_ =	swait.ge [sflag:s28], $0x2800  }
0x48: {  	[sflag:s28] =	ssyncset.done $0x0  }
0x49: {  	[sflag:s28] =	ssyncadd.s32 $0xFFFFD800  }
0x4a: {  	[spmem:s21] =	stream.linear.scatter [tilespmem:s26], [sflag:$0x4], $0x2800, $0x38;
	[tilespmem:$0x1C800] =	vst v63  }
0x4b: {  	_ =	swait.ge [sflag:s28], $0x2800  }
0x4c: {  	[sflag:s28] =	ssyncset.done $0x0  }
0x4d: {  	[sflag:s28] =	ssyncadd.s32 $0xFFFFD800  }
0x4e: {  	s13 =	simm.s32 $0x0;
	s14 =	simm.s32 $0x0;
	[bflag:$0x0] =	sbarrier.arrive $0xFFFF  }
.LBB2_4:
0x4f: {  	s15 =	smul.u32 $0x1C00, s14;
	_ =	sdelay $0x1  }
0x50: {  	s15 =	sadd.s32 s15, s7  }
0x51: {  	s15 =	sshrl.u32 s15, $0x3  }
0x52: {  	s16 =	sadd.s32 s1, s15  }
0x53: {  	[tilespmem:s13], [sflag:$0x3] =	stream.linear.gather [hbm4b:s16+s13], $0x1900, $0x38;
	[tilespmem:$0x1C800] =	vst v63  }
0x54: {  	_ =	swait.ge [sflag:s29], $0x1900  }
0x55: {  	[sflag:s29] =	ssyncset.done $0x0  }
0x56: {  	s15 =	sadd.s32 s6, s15;
	[sflag:s29] =	ssyncadd.s32 $0xFFFFE700  }
0x57: {  	[tilespmem:s30], [sflag:$0x3] =	stream.linear.gather [hbm4b:s15+s13], $0x1900, $0x38;
	[tilespmem:$0x1C800] =	vst v63  }
0x58: {  	_ =	swait.ge [sflag:s29], $0x1900  }
0x59: {  	[sflag:s29] =	ssyncset.done $0x0  }
0x5a: {  	[sflag:s29] =	ssyncadd.s32 $0xFFFFE700  }
0x5b: {  	[tilespmem:s26], [sflag:$0x1] =	stream.indirect.gather [hbm4b:s5+s31], $0x80, s13, s31, $0xb8;
	[tilespmem:$0x1C800] =	vst v63  }
0x5c: {  	_ = 	snop  }
0x5d: {  	[tilespmem:s3], [sflag:$0x2] =	stream.indirect.gather [hbm4b:s5+s31], $0x80, s0, s31, $0xb8;
	[tilespmem:$0x1C800] =	vst v63  }
0x5e: {  	_ =	swait.ge [sflag:s8], $0x2800  }
0x5f: {  	[sflag:s8] =	ssyncset.done $0x0  }
0x60: {  	s17 =	simm.s32 $0x1C00;
	[sflag:s8] =	ssyncadd.s32 $0xFFFFD800  }
0x61: {  	[spmem:s2] =	stream.indirect.scatter.add.f32 [tilespmem:s26], [sflag:$0x4], $0x80, s17, s31, $0xb8;
	[tilespmem:$0x1C800] =	vst v63  }
0x62: {  	_ =	swait.ge [sflag:s28], $0x2800  }
0x63: {  	[sflag:s28] =	ssyncset.done $0x0  }
0x64: {  	s16 =	simm.s32 $0x100;
	[sflag:s28] =	ssyncadd.s32 $0xFFFFD800  }
0x65: {  	[tilespmem:s26], [sflag:$0x1] =	stream.indirect.gather [hbm4b:s5+s31], $0x80, s16, s31, $0xb8;
	[tilespmem:$0x1C800] =	vst v63  }
0x66: {  	_ =	swait.ge [sflag:s9], $0x2800  }
0x67: {  	[sflag:s9] =	ssyncset.done $0x0  }
0x68: {  	s17 =	simm.s32 $0x1C80;
	[sflag:s9] =	ssyncadd.s32 $0xFFFFD800  }
0x69: {  	[spmem:s2] =	stream.indirect.scatter.add.f32 [tilespmem:s3], [sflag:$0x4], $0x80, s17, s31, $0xb8;
	[tilespmem:$0x1C800] =	vst v63  }
0x6a: {  	_ =	swait.ge [sflag:s28], $0x2800  }
0x6b: {  	[sflag:s28] =	ssyncset.done $0x0  }
0x6c: {  	s15 =	simm.s32 $0x400;
	s16 =	simm.s32 $0x180;
	[sflag:s28] =	ssyncadd.s32 $0xFFFFD800  }
.LBB2_5:
0x6d: {  	[tilespmem:s3], [sflag:$0x2] =	stream.indirect.gather [hbm4b:s5+s31], $0x80, s16, s31, $0xb8;
	[tilespmem:$0x1C800] =	vst v63  }
0x6e: {  	s16 =	smov.u32 s15  }
0x6f: {  	p0 =	sne.s32 s15, $0x5C00;
	s15 =	sadd.s32 $0x400, s15;
	_ =	swait.ge [sflag:s8], $0x2800  }
0x70: {  	s16 =	sshra.s32 s16, $0x2;
	[sflag:s8] =	ssyncset.done $0x0  }
0x71: {  	s17 =	sadd.s32 $0x1C00, s16;
	[sflag:s8] =	ssyncadd.s32 $0xFFFFD800  }
0x72: {  	[spmem:s2] =	stream.indirect.scatter.add.f32 [tilespmem:s26], [sflag:$0x4], $0x80, s17, s31, $0xb8;
	[tilespmem:$0x1C800] =	vst v63  }
0x73: {  	_ =	swait.ge [sflag:s28], $0x2800  }
0x74: {  	[sflag:s28] =	ssyncset.done $0x0  }
0x75: {  	s17 =	sadd.s32 $0x100, s16;
	[sflag:s28] =	ssyncadd.s32 $0xFFFFD800  }
0x76: {  	[tilespmem:s26], [sflag:$0x1] =	stream.indirect.gather [hbm4b:s5+s31], $0x80, s17, s31, $0xb8;
	[tilespmem:$0x1C800] =	vst v63  }
0x77: {  	_ =	swait.ge [sflag:s9], $0x2800  }
0x78: {  	[sflag:s9] =	ssyncset.done $0x0  }
.Ltmp1:
0x79: {  	s17 =	sadd.s32 $0x1C80, s16;
	[sflag:s9] =	ssyncadd.s32 $0xFFFFD800;
	(pc) =	sbr.rel @p0 .LBB2_5-.Ltmp1, $4  }
0x7a: {  	[spmem:s2] =	stream.indirect.scatter.add.f32 [tilespmem:s3], [sflag:$0x4], $0x80, s17, s31, $0xb8;
	[tilespmem:$0x1C800] =	vst v63  }
0x7b: {  	_ =	swait.ge [sflag:s28], $0x2800  }
0x7c: {  	[sflag:s28] =	ssyncset.done $0x0  }
0x7d: {  	s16 =	sadd.s32 $0x180, s16;
	[sflag:s28] =	ssyncadd.s32 $0xFFFFD800  }
0x7e: {  	[tilespmem:s3], [sflag:$0x2] =	stream.indirect.gather [hbm4b:s5+s31], $0x80, s16, s31, $0xb8;
	[tilespmem:$0x1C800] =	vst v63  }
0x7f: {  	_ =	swait.ge [sflag:s8], $0x2800  }
0x80: {  	[sflag:s8] =	ssyncset.done $0x0  }
0x81: {  	[sflag:s8] =	ssyncadd.s32 $0xFFFFD800  }
0x82: {  	[spmem:s2] =	stream.indirect.scatter.add.f32 [tilespmem:s26], [sflag:$0x4], $0x80, s11, s31, $0xb8;
	[tilespmem:$0x1C800] =	vst v63  }
0x83: {  	_ =	swait.ge [sflag:s28], $0x2800  }
0x84: {  	[sflag:s28] =	ssyncset.done $0x0  }
0x85: {  	[sflag:s28] =	ssyncadd.s32 $0xFFFFD800  }
0x86: {  	s14 =	sadd.s32 $0x1, s14;
	_ =	swait.ge [sflag:s9], $0x2800  }
0x87: {  	p0 =	sne.s32 s14, $0x5;
	[sflag:s9] =	ssyncset.done $0x0  }
.Ltmp2:
0x88: {  	[sflag:s9] =	ssyncadd.s32 $0xFFFFD800;
	(pc) =	sbr.rel @p0 .LBB2_4-.Ltmp2, $4  }
0x89: {  	[spmem:s2] =	stream.indirect.scatter.add.f32 [tilespmem:s3], [sflag:$0x4], $0x80, s12, s31, $0xb8;
	[tilespmem:$0x1C800] =	vst v63  }
0x8a: {  	_ =	swait.ge [sflag:s28], $0x2800  }
0x8b: {  	[sflag:s28] =	ssyncset.done $0x0  }
0x8c: {  	[sflag:s28] =	ssyncadd.s32 $0xFFFFD800  }
0x8d: {  	s13 =	stileid.u32  }
0x8e: {  	[bflag:$0x0] =	sbarrier.arrive $0xFFFF;
	s13 =	sshll.u32 s13, $0x6  }
0x8f: {  	s14 =	sshrl.u32 s10, $0x3;
	s15 =	rddreg [dreg:$0x4];
	s13 =	sor.u32 $0x1C04, s13  }
0x90: {  	[hbm:s15], [sflag:s13] =	dma.local [spmem:s14], $0x800  }
0x91: {  	_ =	swait.ge [sflag:s28], $0x800  }
0x92: {  	[sflag:s28] =	ssyncset.done $0x0  }
0x93: {  	s16 =	rddreg [dreg:$0xc];
	[sflag:s28] =	ssyncadd.s32 $0xFFFFF800  }
0x94: {  	[hbm:s16], [sflag:s13] =	dma.local [spmem:s22], $0x800  }
0x95: {  	_ =	swait.ge [sflag:s28], $0x800  }
0x96: {  	[sflag:s28] =	ssyncset.done $0x0  }
0x97: {  	[sflag:s28] =	ssyncadd.s32 $0xFFFFF800  }
0x98: {  	[hbm:s18], [sflag:s13] =	dma.local [spmem:s23], $0x800  }
0x99: {  	_ =	swait.ge [sflag:s28], $0x800  }
0x9a: {  	[sflag:s28] =	ssyncset.done $0x0  }
0x9b: {  	[sflag:s28] =	ssyncadd.s32 $0xFFFFF800  }
0x9c: {  	[hbm:s19], [sflag:s13] =	dma.local [spmem:s24], $0x800  }
0x9d: {  	_ =	swait.ge [sflag:s28], $0x800  }
0x9e: {  	[sflag:s28] =	ssyncset.done $0x0  }
0x9f: {  	[sflag:s28] =	ssyncadd.s32 $0xFFFFF800  }
0xa0: {  	[hbm:s20], [sflag:s13] =	dma.local [spmem:s25], $0x800  }
0xa1: {  	_ =	swait.ge [sflag:s28], $0x800  }
0xa2: {  	s4 =	sadd.s32 $0x1, s4;
	s17 =	rddreg [dreg:$0x5]  }
0xa3: {  	p0 =	sne.s32 s4, s17  }
.Ltmp3:
0xa4: {  	_ = 	snop;
	(pc) =	sbr.rel @p0 .LBB2_1-.Ltmp3, $3  }
0xa5: {  	_ =	sdelay $0x1  }
0xa6: {  	[sflag:s28] =	ssyncset.done $0x0  }
0xa7: {  	[sflag:s28] =	ssyncadd.s32 $0xFFFFF800  }
0xa8: {  	_ =	sfence.sel $0x180000  }
0xa9: {  	[bflag:$0x0] =	sbarrier.arrive $0xFFFF  }
0xaa: {  	_ =	strace $0x9000004A  }
0xab: {  	s0 =	stileid.u32;
	[bflag:$0x2] =	sbarrier.arrive $0xFFFF  }
0xac: {  	p0 =	sne.s32 s0, $0x0;
	s0 =	rddreg [dreg:$0x3]  }
0xad: {  	s0 =	sadd.s32 @!p0 $0x100000, s0  }
0xae: {  	[sflag:s0] =	ssyncadd.tile.s32 @!p0 $0x1;
	_ =	shalt  }
.Lfunc_end2:
_tile_overlayer_lowered:
.L_overlay_start_2:
0xaf: {  	(tag) =	ssettag $0x2  }
0xb0: {  	s0 =	rddreg [dreg:$0x0];
	s2 =	stileid.u32  }
0xb1: {  	s1 =	rddreg [dreg:$0x1];
	p0 =	sne.s32 s2, $0x0  }
0xb2: {  	s3 =	rddreg [dreg:$0x2];
	[bflag:$0x3] =	sbarrier.arrive $0xFFFF;
	s2 =	simm.s32 @!p0 $0x1C04  }
0xb3: {  	[timem:s3], [sflag:s2] =	dma.local @!p0 [hbm:s0], s1  }
0xb4: {  	s0 =	simm.s32 @!p0 $0x4  }
0xb5: {  	_ =	swait.ge @!p0 [sflag:s0], s1  }
0xb6: {  	s1 =	ssub.s32 @!p0 $0x0, s1;
	[sflag:s0] =	ssyncset.done @!p0 $0x0  }
0xb7: {  	[sflag:s0] =	ssyncadd.s32 @!p0 s1  }
0xb8: {  	[bflag:$0x3] =	sbarrier.arrive $0xFFFF  }
0xb9: {  	_ =	shalt  }

// kernel: kernel.17.cloned.1.call-start
scs
__scs_entry_jumppad:
0x0: {  	(pc) =	sbr.rel $0x88, $3  }
0x1: {  	(tag) =	ssettag $0x0;
	lr =	simm.s32 $0x1  }
0x2: {  	[smem:$0x3F99] =	sst lr;
	_ =	strace $0xD0000000  }
0x3: {  	_ = 	snop  }
0x4: {  	_ = 	snop  }
0x5: {  	_ = 	snop  }
0x6: {  	_ = 	snop  }
0x7: {  	_ = 	snop  }
__scs_overlays_trampoline_lowered:
0x8: {  	[smem:$0x3FA8] =	sst s0  }
0x9: {  	[smem:$0x3FA9] =	sst s1  }
0xa: {  	[smem:$0x3FAA] =	sst s2  }
0xb: {  	[smem:$0x3FAB] =	sst s3  }
0xc: {  	[smem:$0x3FAC] =	sst s4  }
0xd: {  	[smem:$0x3FAD] =	sst s5  }
0xe: {  	[smem:$0x3FAE] =	sst s6  }
0xf: {  	[smem:$0x3FAF] =	sst s7  }
0x10: {  	[smem:$0x3FB0] =	sst s8  }
0x11: {  	[smem:$0x3FB1] =	sst s9;
	s0 =	simm.s32 @!p0 $0x0  }
0x12: {  	s1 =	sld [smem:$0x3F97];
	s0 =	simm.s32 @p0 $0x1  }
0x13: {  	[smem:$0x3FB2] =	sst s0;
	s0 =	simm.s32 @!p1 $0x0  }
0x14: {  	s2 =	sld [smem:$0x3F96];
	s0 =	simm.s32 @p1 $0x1  }
0x15: {  	[smem:$0x3FB3] =	sst s0;
	s0 =	simm.s32 @!p2 $0x0  }
0x16: {  	s3 =	sld [smem:$0x3FDB];
	s0 =	simm.s32 @p2 $0x1  }
0x17: {  	s4 =	simm.s32 $0x1BF5;
	[smem:$0x3FB5] =	sst s0  }
0x18: {  	s0 =	sld [smem:$0x3F98];
	_ =	swait.ge [sflag:s4], $0x0  }
0x19: {  	s7 =	sld [smem:$0x3F99]  }
0x1a: {  	s8 =	sadd.s32 $0xFFFFE003, lr  }
0x1b: {  	s9 =	sadd.s32 $0xFFFFFEF7, lr;
	s5 =	simm.s32 $0xFFFFFFFF;
	p2 =	slt.u32 s8, $0xFFFFF086  }
0x1c: {  	p1 =	slt.u32 s9, $0xF7A;
	s5 =	simm.s32 @!p2 $0x0  }
0x1d: {  	s5 =	simm.s32 @p1 $0x1;
	p0 =	seq.s32 s7, s2  }
0x1e: {  	s7 =	smul.u32 @!p0 $0xF7A, s2;
	p2 =	seq.s32 @!p0 s5, $0x0  }
0x1f: {  	s9 =	smul.u32 $0xF7A, s1;
	s8 =	simm.s32 @!p0 $0x1BF5;
	p2 =	por !p2, p0  }
0x20: {  	[sflag:s8] =	ssyncset.s32 @!p0 $0xFFFFF086;
	s6 =	sadd.s32 @!p0 s3, s7;
	s7 =	simm.s32 @!p0 $0x108  }
0x21: {  	s3 =	sadd.s32 s3, s9;
	s6 =	sadd.s32 @!p0 $0x88, s6;
	s7 =	simm.s32 @p2 $0x1082  }
0x22: {  	[simem:s7], [sflag:s8] =	dma.local @!p0 [hbm:s6], $0xF7A  }
0x23: {  	s9 =	sor.u32 $0xD0000000, s2;
	s6 =	simm.s32 $0x108;
	_ =	swait.ge @!p0 [sflag:s8], $0x0  }
0x24: {  	s3 =	sadd.s32 $0x88, s3;
	s6 =	simm.s32 @!p1 $0x1082;
	[sflag:s4] =	ssyncset.s32 $0xFFFFF086  }
0x25: {  	[simem:s6], [sflag:s4] =	dma.local [hbm:s3], $0xF7A  }
0x26: {  	[smem:$0x3F99] =	sst s1;
	(tag) =	ssettag s2;
	_ =	strace s9  }
0x27: {  	s1 =	sld [smem:$0x3FA9]  }
0x28: {  	s2 =	sld [smem:$0x3FAA]  }
0x29: {  	s4 =	sld [smem:$0x3FAC]  }
0x2a: {  	p0 =	seq.s32 s5, $0x0;
	s5 =	sld [smem:$0x3FAD]  }
0x2b: {  	s6 =	sld [smem:$0x3FAE]  }
0x2c: {  	s7 =	sld [smem:$0x3FAF]  }
0x2d: {  	s3 =	simm.s32 $0x108;
	s8 =	sld [smem:$0x3FB0]  }
0x2e: {  	s3 =	simm.s32 @!p0 $0x1082;
	s9 =	sld [smem:$0x3FB1]  }
0x2f: {  	lr =	sadd.s32 s0, s3;
	s0 =	sld [smem:$0x3FA8]  }
0x30: {  	s3 =	sld [smem:$0x3FAB]  }
0x31: {  	[smem:$0x3FB4] =	sst s10  }
0x32: {  	s10 =	sld [smem:$0x3FB2];
	_ =	sdelay $0x3  }
0x33: {  	p0 =	seq.s32 s10, $0x1;
	s10 =	sld [smem:$0x3FB4];
	_ =	sdelay $0x3  }
0x34: {  	[smem:$0x3FB4] =	sst s10  }
0x35: {  	s10 =	sld [smem:$0x3FB3];
	_ =	sdelay $0x3  }
0x36: {  	p1 =	seq.s32 s10, $0x1;
	s10 =	sld [smem:$0x3FB4];
	_ =	sdelay $0x3  }
0x37: {  	[smem:$0x3FB4] =	sst s10  }
0x38: {  	s10 =	sld [smem:$0x3FB5]  }
0x39: {  	_ = 	snop;
	(pc) =	sbr.ind lr, $3  }
0x3a: {  	_ = 	snop  }
0x3b: {  	_ = 	snop  }
0x3c: {  	p2 =	seq.s32 s10, $0x1;
	s10 =	sld [smem:$0x3FB4]  }
0x3d: {  	_ =	shalt  }
0x3e: {  	_ =	shalt  }
0x3f: {  	_ =	shalt  }
0x40: {  	_ =	shalt  }
0x41: {  	_ =	shalt  }
0x42: {  	_ =	shalt  }
0x43: {  	_ =	shalt  }
0x44: {  	_ =	shalt  }
0x45: {  	_ =	shalt  }
0x46: {  	_ =	shalt  }
0x47: {  	_ =	shalt  }
0x48: {  	_ =	shalt  }
0x49: {  	_ =	shalt  }
0x4a: {  	_ =	shalt  }
0x4b: {  	_ =	shalt  }
0x4c: {  	_ =	shalt  }
0x4d: {  	_ =	shalt  }
0x4e: {  	_ =	shalt  }
0x4f: {  	_ =	shalt  }
0x50: {  	_ =	shalt  }
0x51: {  	_ =	shalt  }
0x52: {  	_ =	shalt  }
0x53: {  	_ =	shalt  }
0x54: {  	_ =	shalt  }
0x55: {  	_ =	shalt  }
0x56: {  	_ =	shalt  }
0x57: {  	_ =	shalt  }
0x58: {  	_ =	shalt  }
0x59: {  	_ =	shalt  }
0x5a: {  	_ =	shalt  }
0x5b: {  	_ =	shalt  }
0x5c: {  	_ =	shalt  }
0x5d: {  	_ =	shalt  }
0x5e: {  	_ =	shalt  }
0x5f: {  	_ =	shalt  }
0x60: {  	_ =	shalt  }
0x61: {  	_ =	shalt  }
0x62: {  	_ =	shalt  }
0x63: {  	_ =	shalt  }
0x64: {  	_ =	shalt  }
0x65: {  	_ =	shalt  }
0x66: {  	_ =	shalt  }
0x67: {  	_ =	shalt  }
0x68: {  	_ =	shalt  }
0x69: {  	_ =	shalt  }
0x6a: {  	_ =	shalt  }
0x6b: {  	_ =	shalt  }
0x6c: {  	_ =	shalt  }
0x6d: {  	_ =	shalt  }
0x6e: {  	_ =	shalt  }
0x6f: {  	_ =	shalt  }
0x70: {  	_ =	shalt  }
0x71: {  	_ =	shalt  }
0x72: {  	_ =	shalt  }
0x73: {  	_ =	shalt  }
0x74: {  	_ =	shalt  }
0x75: {  	_ =	shalt  }
0x76: {  	_ =	shalt  }
0x77: {  	_ =	shalt  }
0x78: {  	_ =	shalt  }
0x79: {  	_ =	shalt  }
0x7a: {  	_ =	shalt  }
0x7b: {  	_ =	shalt  }
0x7c: {  	_ =	shalt  }
0x7d: {  	_ =	shalt  }
0x7e: {  	_ =	shalt  }
0x7f: {  	_ =	shalt  }
0x80: {  	_ =	shalt  }
0x81: {  	_ =	shalt  }
0x82: {  	_ =	shalt  }
0x83: {  	_ =	shalt  }
0x84: {  	_ =	shalt  }
0x85: {  	_ =	shalt  }
0x86: {  	_ =	shalt  }
0x87: {  	_ =	shalt  }
.Lfunc_end0:
.L_simem_size_0:
called_computation.2_lowered:
.L_overlay_start_0:
0x88: {  	s2 =	sld [smem:$0x3FD9]  }
0x89: {  	s3 =	sld [smem:$0x3FFE];
	_ =	sdelay $0x1  }
0x8a: {  	s1 =	srdreg.scid  }
0x8b: {  	s0 =	sand.u32 $0x1, s1  }
0x8c: {  	s17 =	sshll.u32 s0, $0xA;
	s2 =	sadd.s32 s3, s2  }
0x8d: {  	s2 =	sadd.s32 s2, s17  }
0x8e: {  	[smem:$0x3FC0] =	sst s2  }
0x8f: {  	_ = 	snop  }
0x90: {  	s2 =	sld [smem:$0x3FD0];
	(tm) =	ssettm $0x1  }
0x91: {  	s18 =	sld [smem:$0x3FFB];
	_ =	sdelay $0x3  }
0x92: {  	_ =	strace s18  }
0x93: {  	s3 =	sld [smem:$0x3FFC];
	_ =	sdelay $0x3  }
0x94: {  	_ =	strace s3  }
0x95: {  	s3 =	sld [smem:$0x3FFD];
	_ =	sdelay $0x3  }
0x96: {  	_ =	strace s3  }
0x97: {  	_ =	strace $0x8FFFFFFF  }
0x98: {  	s19 =	sld [smem:$0x3FDB];
	_ =	sdelay $0x1  }
0x99: {  	s4 =	simm.s32 $_scs_section_size  }
0x9a: {  	s5 =	simm.s32 $_size__tile_overlayer_lowered;
	s6 =	simm.s32 $_tile_overlayer_lowered  }
0x9b: {  	s22 =	simm.s32 $0x1BFF;
	s21 =	sshll.u32 s6, $0x1;
	s3 =	sadd.s32 s4, s19  }
0x9c: {  	s7 =	simm.s32 $0x0;
	s20 =	sshll.u32 s5, $0x1;
	s5 =	sadd.s32 s21, s3  }
0x9d: {  	[timem:s7], [sflag:s22] =	dma.local [hbm:s5], s20  }
0x9e: {  	_ =	swait.ge [sflag:s22], s20  }
0x9f: {  	s4 =	ssub.s32 $0x0, s20;
	[sflag:s22] =	ssyncset.done $0x0  }
0xa0: {  	[sflag:s22] =	ssyncadd.s32 s4;
	_ =	sdelay $0x1  }
0xa1: {  	s23 =	simm.s32 $0x1B8B  }
0xa2: {  	_ =	swait.ge [sflag:s23], $0x1  }
0xa3: {  	[sflag:s23] =	ssyncset.done $0x0  }
0xa4: {  	s25 =	simm.s32 $0x1B8E;
	s24 =	sld [smem:$0x3FFE];
	[sflag:s23] =	ssyncadd.s32 $0xFFFFFFFF  }
0xa5: {  	s26 =	simm.s32 $execute0_lowered;
	[smem:$0x3FD2] =	sst s25  }
0xa6: {  	s5 =	sshll.u32 s26, $0x1;
	_ =	strace $0x8000004C;
	[dreg:$0x1] =	wrdreg $0xFFFFFFFF  }
0xa7: {  	s28 =	simm.s32 $_size_execute0_lowered;
	s3 =	sadd.s32 s3, s5;
	[dreg:$0x0] =	wrdreg $0x0  }
0xa8: {  	s5 =	sshll.u32 s28, $0x1;
	[dreg:$0x2] =	wrdreg s3  }
0xa9: {  	[dreg:$0x3] =	wrdreg s5  }
0xaa: {  	[dreg:$0x4] =	wrdreg $0xC0  }
0xab: {  	_ =	task [dreg:s7], $0x5FFFF  }
0xac: {  	[dreg:$0x1] =	wrdreg $0xFFFFFFFF  }
0xad: {  	[dreg:$0x0] =	wrdreg $0x60  }
0xae: {  	[dreg:$0x2] =	wrdreg s24  }
0xaf: {  	[dreg:$0x3] =	wrdreg s2  }
0xb0: {  	[dreg:$0x4] =	wrdreg $0x88000  }
0xb1: {  	[dreg:$0x5] =	wrdreg $0x9  }
0xb2: {  	_ =	task.clear_ibuf [dreg:s7], $0x6FFFF;
	_ =	strace $0x9000004C  }
0xb3: {  	s29 =	simm.s32 $0x9;
	_ =	strace $0x8000004E  }
0xb4: {  	_ =	swait.ge [sflag:s29], $0x1  }
0xb5: {  	[sflag:s29] =	ssyncadd.s32 $0xFFFFFFFF  }
0xb6: {  	_ =	strace $0x9000004E  }
0xb7: {  	_ =	sfence  }
0xb8: {  	s30 =	sld [smem:$0x0];
	_ =	sdelay $0x2  }
0xb9: {  	s31 =	sshll.u32 s1, $0xD;
	s1 =	sshrl.u32 s1, $0x2  }
0xba: {  	s3 =	sand.u32 $0x4000, s31;
	s1 =	sadd.s32 s1, s30  }
0xbb: {  	s0 =	sor.u32 s3, s0;
	s1 =	sshll.u32 s1, $0x11  }
0xbc: {  	s0 =	sor.u32 s1, s0  }
0xbd: {  	s0 =	sadd.s32 $0x8F2B, s0  }
0xbe: {  	[sflag:s0] =	ssyncadd.remote.s32 $0x1  }
0xbf: {  	_ =	sfence.sel $0xFFFF  }
0xc0: {  	[dreg:$0x0] =	wrdreg $0xFFFFFFFF;
	(pc) =	sbr.abs _section_cstart, $3  }
0xc1: {  	[dreg:$0x1] =	wrdreg $0xFFFFFFFF  }
0xc2: {  	_ =	task.clear_ibuf [dreg:s7], $0x2FFFF;
	_ =	strace $0x9FFFFFFF  }
0xc3: {  	(tm) =	ssettm $0x7FFFFFFF  }
tec
execute0_lowered:
.L_overlay_start_1:
0x0: {  	(tag) =	ssettag $0x1  }
0x1: {  	s0 =	rddreg [dreg:$0x0]  }
0x2: {  	s1 =	rddreg [dreg:$0x1]  }
0x3: {  	s2 =	rddreg [dreg:$0x2]  }
0x4: {  	s3 =	srdreg.scid;
	s4 =	simm.s32 $0x0;
	s12 =	stileid.u32  }
0x5: {  	s28 =	simm.s32 $0x4;
	s29 =	simm.s32 $0x3;
	s8 =	smul.u32 $0x8C00, s12  }
0x6: {  	s30 =	simm.s32 $0x1C00;
	s31 =	simm.s32 $0x50;
	s11 =	smul.u32 $0x14000, s12  }
0x7: {  	s3 =	sand.u32 $0x1, s3;
	[smem:$0x7FF] =	sst s4;
	s12 =	smul.u32 $0x50000, s12  }
0x8: {  	s5 =	sadd.s32 $0x50600, s0;
	s6 =	sadd.s32 $0xB4600, s0;
	s7 =	smul.u32 $0x8C000, s3  }
0x9: {  	s0 =	sadd.s32 $0xD7600, s0;
	s9 =	smul.u32 $0x140000, s3;
	s3 =	ssub.s32 $0x2, s3  }
0xa: {  	_ =	strace $0x8000004D;
	s10 =	sshrl.u32 s3, $0x1;
	s23 =	sshrl.u32 s12, $0x2  }
0xb: {  	s26 =	sadd.s32 $0x4000, s11;
	s17 =	sadd.s32 $0x8000, s11;
	s3 =	ssub.s32 s3, s10  }
0xc: {  	s21 =	sadd.s32 s9, s11;
	s10 =	sadd.s32 s23, s2;
	s3 =	smax.u32 s3, $0x1  }
0xd: {  	s7 =	sadd.s32 s8, s7;
	s24 =	sadd.s32 $0x2800, s10;
	[dreg:$0x5] =	wrdreg s3  }
0xe: {  	s14 =	sadd.s32 s9, s26;
	s25 =	sadd.s32 $0x5000, s10;
	[dreg:$0x6] =	wrdreg s24  }
0xf: {  	s23 =	sadd.s32 s26, s2;
	s12 =	sadd.s32 $0x7800, s10;
	[dreg:$0x7] =	wrdreg s25  }
0x10: {  	s22 =	sshrl.u32 s21, $0x3;
	s13 =	sadd.s32 $0xA000, s10;
	[dreg:$0x8] =	wrdreg s12  }
0x11: {  	s15 =	sadd.s32 $0xC800, s10;
	s16 =	sadd.s32 $0xF000, s10;
	[dreg:$0x9] =	wrdreg s13  }
0x12: {  	s21 =	sadd.s32 $0x11800, s10;
	s8 =	sadd.s32 s0, s22;
	[dreg:$0xa] =	wrdreg s15  }
0x13: {  	[dreg:$0xb] =	wrdreg s16;
	s22 =	sadd.s32 $0xC000, s11;
	s13 =	sadd.s32 s9, s17  }
0x14: {  	s11 =	sadd.s32 $0x10000, s11;
	s24 =	sadd.s32 s17, s2;
	s3 =	simm.s32 $0x6000  }
0x15: {  	s12 =	simm.s32 $0x3480;
	[dreg:$0x4] =	wrdreg s8;
	s8 =	sshrl.u32 s14, $0x3  }
0x16: {  	s14 =	sadd.s32 s9, s22;
	s13 =	sshrl.u32 s13, $0x3;
	s9 =	sadd.s32 s9, s11  }
0x17: {  	s25 =	sadd.s32 s22, s2;
	s26 =	sadd.s32 s11, s2;
	s22 =	sshrl.u32 s23, $0x3  }
0x18: {  	s23 =	sshrl.u32 s24, $0x3;
	s11 =	simm.s32 $0x3400;
	s8 =	sadd.s32 s0, s8  }
0x19: {  	s14 =	sshrl.u32 s14, $0x3;
	s18 =	sadd.s32 s0, s13;
	s9 =	sshrl.u32 s9, $0x3  }
0x1a: {  	s24 =	sshrl.u32 s25, $0x3;
	s25 =	sshrl.u32 s26, $0x3;
	s26 =	simm.s32 $0x3800  }
0x1b: {  	[dreg:$0xc] =	wrdreg s8;
	s19 =	sadd.s32 s0, s14;
	s20 =	sadd.s32 s0, s9  }
0x1c: {  	v0 =	vimm.f32 $0.0e+00;
	s0 =	simm.s32 $0x80;
	s8 =	simm.s32 $0x1;
	s9 =	simm.s32 $0x2  }
.LBB2_1:
0x1d: {  	s13 =	simm.s32 $0x70;
	s14 =	simm.s32 $0x3C0  }
.LBB2_2:
0x1e: {  	p0 =	sne.s32 s14, $0x9FC0;
	[tilespmem:s13+$0x3800] =	vst v0  }
0x1f: {  	[tilespmem:s13+$0x3790] =	vst v0  }
0x20: {  	[tilespmem:s13+$0x37A0] =	vst v0  }
.Ltmp0:
0x21: {  	[tilespmem:s13+$0x37B0] =	vst v0;
	(pc) =	sbr.rel @p0 .LBB2_2-.Ltmp0, $4  }
0x22: {  	[tilespmem:s13+$0x37C0] =	vst v0  }
0x23: {  	[tilespmem:s13+$0x37D0] =	vst v0  }
0x24: {  	[tilespmem:s13+$0x37E0] =	vst v0  }
0x25: {  	[tilespmem:s13+$0x37F0] =	vst v0;
	s13 =	sshra.s32 s14, $0x2;
	s14 =	sadd.s32 $0x200, s14  }
0x26: {  	[tilespmem:s13+$0x3800] =	vst v0  }
0x27: {  	[tilespmem:s13+$0x3790] =	vst v0  }
0x28: {  	[tilespmem:s13+$0x37A0] =	vst v0  }
0x29: {  	[tilespmem:s13+$0x37B0] =	vst v0  }
0x2a: {  	[tilespmem:s13+$0x37C0] =	vst v0  }
0x2b: {  	[tilespmem:s13+$0x37D0] =	vst v0  }
0x2c: {  	[tilespmem:s13+$0x37E0] =	vst v0  }
0x2d: {  	[tilespmem:s13+$0x37F0] =	vst v0  }
0x2e: {  	[spmem:s10] =	stream.linear.scatter [tilespmem:s26], [sflag:$0x4], $0x2800, $0x38;
	[tilespmem:$0x1C800] =	vst v63  }
0x2f: {  	_ =	swait.ge [sflag:s28], $0x2800  }
0x30: {  	[sflag:s28] =	ssyncset.done $0x0  }
0x31: {  	s16 =	rddreg [dreg:$0x6];
	[sflag:s28] =	ssyncadd.s32 $0xFFFFD800  }
0x32: {  	[spmem:s16] =	stream.linear.scatter [tilespmem:s26], [sflag:$0x4], $0x2800, $0x38;
	[tilespmem:$0x1C800] =	vst v63  }
0x33: {  	_ =	swait.ge [sflag:s28], $0x2800  }
0x34: {  	[sflag:s28] =	ssyncset.done $0x0  }
0x35: {  	s17 =	rddreg [dreg:$0x7];
	[sflag:s28] =	ssyncadd.s32 $0xFFFFD800  }
0x36: {  	[spmem:s17] =	stream.linear.scatter [tilespmem:s26], [sflag:$0x4], $0x2800, $0x38;
	[tilespmem:$0x1C800] =	vst v63  }
0x37: {  	_ =	swait.ge [sflag:s28], $0x2800  }
0x38: {  	[sflag:s28] =	ssyncset.done $0x0  }
0x39: {  	s14 =	rddreg [dreg:$0x8];
	[sflag:s28] =	ssyncadd.s32 $0xFFFFD800  }
0x3a: {  	[spmem:s14] =	stream.linear.scatter [tilespmem:s26], [sflag:$0x4], $0x2800, $0x38;
	[tilespmem:$0x1C800] =	vst v63  }
0x3b: {  	_ =	swait.ge [sflag:s28], $0x2800  }
0x3c: {  	[sflag:s28] =	ssyncset.done $0x0  }
0x3d: {  	s15 =	rddreg [dreg:$0x9];
	[sflag:s28] =	ssyncadd.s32 $0xFFFFD800  }
0x3e: {  	[spmem:s15] =	stream.linear.scatter [tilespmem:s26], [sflag:$0x4], $0x2800, $0x38;
	[tilespmem:$0x1C800] =	vst v63  }
0x3f: {  	_ =	swait.ge [sflag:s28], $0x2800  }
0x40: {  	[sflag:s28] =	ssyncset.done $0x0  }
0x41: {  	s16 =	rddreg [dreg:$0xa];
	[sflag:s28] =	ssyncadd.s32 $0xFFFFD800  }
0x42: {  	[spmem:s16] =	stream.linear.scatter [tilespmem:s26], [sflag:$0x4], $0x2800, $0x38;
	[tilespmem:$0x1C800] =	vst v63  }
0x43: {  	_ =	swait.ge [sflag:s28], $0x2800  }
0x44: {  	[sflag:s28] =	ssyncset.done $0x0  }
0x45: {  	s17 =	rddreg [dreg:$0xb];
	[sflag:s28] =	ssyncadd.s32 $0xFFFFD800  }
0x46: {  	[spmem:s17] =	stream.linear.scatter [tilespmem:s26], [sflag:$0x4], $0x2800, $0x38;
	[tilespmem:$0x1C800] =	vst v63  }
0x47: {  	_ =	swait.ge [sflag:s28], $0x2800  }
0x48: {  	[sflag:s28] =	ssyncset.done $0x0  }
0x49: {  	[sflag:s28] =	ssyncadd.s32 $0xFFFFD800  }
0x4a: {  	[spmem:s21] =	stream.linear.scatter [tilespmem:s26], [sflag:$0x4], $0x2800, $0x38;
	[tilespmem:$0x1C800] =	vst v63  }
0x4b: {  	_ =	swait.ge [sflag:s28], $0x2800  }
0x4c: {  	[sflag:s28] =	ssyncset.done $0x0  }
0x4d: {  	[sflag:s28] =	ssyncadd.s32 $0xFFFFD800  }
0x4e: {  	s13 =	simm.s32 $0x0;
	s14 =	simm.s32 $0x0;
	[bflag:$0x0] =	sbarrier.arrive $0xFFFF  }
.LBB2_4:
0x4f: {  	s15 =	smul.u32 $0x1C00, s14;
	_ =	sdelay $0x1  }
0x50: {  	s15 =	sadd.s32 s15, s7  }
0x51: {  	s15 =	sshrl.u32 s15, $0x3  }
0x52: {  	s16 =	sadd.s32 s1, s15  }
0x53: {  	[tilespmem:s13], [sflag:$0x3] =	stream.linear.gather [hbm4b:s16+s13], $0x1900, $0x38;
	[tilespmem:$0x1C800] =	vst v63  }
0x54: {  	_ =	swait.ge [sflag:s29], $0x1900  }
0x55: {  	[sflag:s29] =	ssyncset.done $0x0  }
0x56: {  	s15 =	sadd.s32 s6, s15;
	[sflag:s29] =	ssyncadd.s32 $0xFFFFE700  }
0x57: {  	[tilespmem:s30], [sflag:$0x3] =	stream.linear.gather [hbm4b:s15+s13], $0x1900, $0x38;
	[tilespmem:$0x1C800] =	vst v63  }
0x58: {  	_ =	swait.ge [sflag:s29], $0x1900  }
0x59: {  	[sflag:s29] =	ssyncset.done $0x0  }
0x5a: {  	[sflag:s29] =	ssyncadd.s32 $0xFFFFE700  }
0x5b: {  	[tilespmem:s26], [sflag:$0x1] =	stream.indirect.gather [hbm4b:s5+s31], $0x80, s13, s31, $0xb8;
	[tilespmem:$0x1C800] =	vst v63  }
0x5c: {  	_ = 	snop  }
0x5d: {  	[tilespmem:s3], [sflag:$0x2] =	stream.indirect.gather [hbm4b:s5+s31], $0x80, s0, s31, $0xb8;
	[tilespmem:$0x1C800] =	vst v63  }
0x5e: {  	_ =	swait.ge [sflag:s8], $0x2800  }
0x5f: {  	[sflag:s8] =	ssyncset.done $0x0  }
0x60: {  	s17 =	simm.s32 $0x1C00;
	[sflag:s8] =	ssyncadd.s32 $0xFFFFD800  }
0x61: {  	[spmem:s2] =	stream.indirect.scatter.add.f32 [tilespmem:s26], [sflag:$0x4], $0x80, s17, s31, $0xb8;
	[tilespmem:$0x1C800] =	vst v63  }
0x62: {  	_ =	swait.ge [sflag:s28], $0x2800  }
0x63: {  	[sflag:s28] =	ssyncset.done $0x0  }
0x64: {  	s16 =	simm.s32 $0x100;
	[sflag:s28] =	ssyncadd.s32 $0xFFFFD800  }
0x65: {  	[tilespmem:s26], [sflag:$0x1] =	stream.indirect.gather [hbm4b:s5+s31], $0x80, s16, s31, $0xb8;
	[tilespmem:$0x1C800] =	vst v63  }
0x66: {  	_ =	swait.ge [sflag:s9], $0x2800  }
0x67: {  	[sflag:s9] =	ssyncset.done $0x0  }
0x68: {  	s17 =	simm.s32 $0x1C80;
	[sflag:s9] =	ssyncadd.s32 $0xFFFFD800  }
0x69: {  	[spmem:s2] =	stream.indirect.scatter.add.f32 [tilespmem:s3], [sflag:$0x4], $0x80, s17, s31, $0xb8;
	[tilespmem:$0x1C800] =	vst v63  }
0x6a: {  	_ =	swait.ge [sflag:s28], $0x2800  }
0x6b: {  	[sflag:s28] =	ssyncset.done $0x0  }
0x6c: {  	s15 =	simm.s32 $0x400;
	s16 =	simm.s32 $0x180;
	[sflag:s28] =	ssyncadd.s32 $0xFFFFD800  }
.LBB2_5:
0x6d: {  	[tilespmem:s3], [sflag:$0x2] =	stream.indirect.gather [hbm4b:s5+s31], $0x80, s16, s31, $0xb8;
	[tilespmem:$0x1C800] =	vst v63  }
0x6e: {  	s16 =	smov.u32 s15  }
0x6f: {  	p0 =	sne.s32 s15, $0x5C00;
	s15 =	sadd.s32 $0x400, s15;
	_ =	swait.ge [sflag:s8], $0x2800  }
0x70: {  	s16 =	sshra.s32 s16, $0x2;
	[sflag:s8] =	ssyncset.done $0x0  }
0x71: {  	s17 =	sadd.s32 $0x1C00, s16;
	[sflag:s8] =	ssyncadd.s32 $0xFFFFD800  }
0x72: {  	[spmem:s2] =	stream.indirect.scatter.add.f32 [tilespmem:s26], [sflag:$0x4], $0x80, s17, s31, $0xb8;
	[tilespmem:$0x1C800] =	vst v63  }
0x73: {  	_ =	swait.ge [sflag:s28], $0x2800  }
0x74: {  	[sflag:s28] =	ssyncset.done $0x0  }
0x75: {  	s17 =	sadd.s32 $0x100, s16;
	[sflag:s28] =	ssyncadd.s32 $0xFFFFD800  }
0x76: {  	[tilespmem:s26], [sflag:$0x1] =	stream.indirect.gather [hbm4b:s5+s31], $0x80, s17, s31, $0xb8;
	[tilespmem:$0x1C800] =	vst v63  }
0x77: {  	_ =	swait.ge [sflag:s9], $0x2800  }
0x78: {  	[sflag:s9] =	ssyncset.done $0x0  }
.Ltmp1:
0x79: {  	s17 =	sadd.s32 $0x1C80, s16;
	[sflag:s9] =	ssyncadd.s32 $0xFFFFD800;
	(pc) =	sbr.rel @p0 .LBB2_5-.Ltmp1, $4  }
0x7a: {  	[spmem:s2] =	stream.indirect.scatter.add.f32 [tilespmem:s3], [sflag:$0x4], $0x80, s17, s31, $0xb8;
	[tilespmem:$0x1C800] =	vst v63  }
0x7b: {  	_ =	swait.ge [sflag:s28], $0x2800  }
0x7c: {  	[sflag:s28] =	ssyncset.done $0x0  }
0x7d: {  	s16 =	sadd.s32 $0x180, s16;
	[sflag:s28] =	ssyncadd.s32 $0xFFFFD800  }
0x7e: {  	[tilespmem:s3], [sflag:$0x2] =	stream.indirect.gather [hbm4b:s5+s31], $0x80, s16, s31, $0xb8;
	[tilespmem:$0x1C800] =	vst v63  }
0x7f: {  	_ =	swait.ge [sflag:s8], $0x2800  }
0x80: {  	[sflag:s8] =	ssyncset.done $0x0  }
0x81: {  	[sflag:s8] =	ssyncadd.s32 $0xFFFFD800  }
0x82: {  	[spmem:s2] =	stream.indirect.scatter.add.f32 [tilespmem:s26], [sflag:$0x4], $0x80, s11, s31, $0xb8;
	[tilespmem:$0x1C800] =	vst v63  }
0x83: {  	_ =	swait.ge [sflag:s28], $0x2800  }
0x84: {  	[sflag:s28] =	ssyncset.done $0x0  }
0x85: {  	[sflag:s28] =	ssyncadd.s32 $0xFFFFD800  }
0x86: {  	s14 =	sadd.s32 $0x1, s14;
	_ =	swait.ge [sflag:s9], $0x2800  }
0x87: {  	p0 =	sne.s32 s14, $0x5;
	[sflag:s9] =	ssyncset.done $0x0  }
.Ltmp2:
0x88: {  	[sflag:s9] =	ssyncadd.s32 $0xFFFFD800;
	(pc) =	sbr.rel @p0 .LBB2_4-.Ltmp2, $4  }
0x89: {  	[spmem:s2] =	stream.indirect.scatter.add.f32 [tilespmem:s3], [sflag:$0x4], $0x80, s12, s31, $0xb8;
	[tilespmem:$0x1C800] =	vst v63  }
0x8a: {  	_ =	swait.ge [sflag:s28], $0x2800  }
0x8b: {  	[sflag:s28] =	ssyncset.done $0x0  }
0x8c: {  	[sflag:s28] =	ssyncadd.s32 $0xFFFFD800  }
0x8d: {  	s13 =	stileid.u32  }
0x8e: {  	[bflag:$0x0] =	sbarrier.arrive $0xFFFF;
	s13 =	sshll.u32 s13, $0x6  }
0x8f: {  	s14 =	sshrl.u32 s10, $0x3;
	s15 =	rddreg [dreg:$0x4];
	s13 =	sor.u32 $0x1C04, s13  }
0x90: {  	[hbm:s15], [sflag:s13] =	dma.local [spmem:s14], $0x800  }
0x91: {  	_ =	swait.ge [sflag:s28], $0x800  }
0x92: {  	[sflag:s28] =	ssyncset.done $0x0  }
0x93: {  	s16 =	rddreg [dreg:$0xc];
	[sflag:s28] =	ssyncadd.s32 $0xFFFFF800  }
0x94: {  	[hbm:s16], [sflag:s13] =	dma.local [spmem:s22], $0x800  }
0x95: {  	_ =	swait.ge [sflag:s28], $0x800  }
0x96: {  	[sflag:s28] =	ssyncset.done $0x0  }
0x97: {  	[sflag:s28] =	ssyncadd.s32 $0xFFFFF800  }
0x98: {  	[hbm:s18], [sflag:s13] =	dma.local [spmem:s23], $0x800  }
0x99: {  	_ =	swait.ge [sflag:s28], $0x800  }
0x9a: {  	[sflag:s28] =	ssyncset.done $0x0  }
0x9b: {  	[sflag:s28] =	ssyncadd.s32 $0xFFFFF800  }
0x9c: {  	[hbm:s19], [sflag:s13] =	dma.local [spmem:s24], $0x800  }
0x9d: {  	_ =	swait.ge [sflag:s28], $0x800  }
0x9e: {  	[sflag:s28] =	ssyncset.done $0x0  }
0x9f: {  	[sflag:s28] =	ssyncadd.s32 $0xFFFFF800  }
0xa0: {  	[hbm:s20], [sflag:s13] =	dma.local [spmem:s25], $0x800  }
0xa1: {  	_ =	swait.ge [sflag:s28], $0x800  }
0xa2: {  	s4 =	sadd.s32 $0x1, s4;
	s17 =	rddreg [dreg:$0x5]  }
0xa3: {  	p0 =	sne.s32 s4, s17  }
.Ltmp3:
0xa4: {  	_ = 	snop;
	(pc) =	sbr.rel @p0 .LBB2_1-.Ltmp3, $3  }
0xa5: {  	_ =	sdelay $0x1  }
0xa6: {  	[sflag:s28] =	ssyncset.done $0x0  }
0xa7: {  	[sflag:s28] =	ssyncadd.s32 $0xFFFFF800  }
0xa8: {  	_ =	sfence.sel $0x180000  }
0xa9: {  	[bflag:$0x0] =	sbarrier.arrive $0xFFFF  }
0xaa: {  	_ =	strace $0x9000004D  }
0xab: {  	s0 =	stileid.u32;
	[bflag:$0x2] =	sbarrier.arrive $0xFFFF  }
0xac: {  	p0 =	sne.s32 s0, $0x0;
	s0 =	rddreg [dreg:$0x3]  }
0xad: {  	s0 =	sadd.s32 @!p0 $0x100000, s0  }
0xae: {  	[sflag:s0] =	ssyncadd.tile.s32 @!p0 $0x1;
	_ =	shalt  }
.Lfunc_end2:
_tile_overlayer_lowered:
.L_overlay_start_2:
0xaf: {  	(tag) =	ssettag $0x2  }
0xb0: {  	s0 =	rddreg [dreg:$0x0];
	s2 =	stileid.u32  }
0xb1: {  	s1 =	rddreg [dreg:$0x1];
	p0 =	sne.s32 s2, $0x0  }
0xb2: {  	s3 =	rddreg [dreg:$0x2];
	[bflag:$0x3] =	sbarrier.arrive $0xFFFF;
	s2 =	simm.s32 @!p0 $0x1C04  }
0xb3: {  	[timem:s3], [sflag:s2] =	dma.local @!p0 [hbm:s0], s1  }
0xb4: {  	s0 =	simm.s32 @!p0 $0x4  }
0xb5: {  	_ =	swait.ge @!p0 [sflag:s0], s1  }
0xb6: {  	s1 =	ssub.s32 @!p0 $0x0, s1;
	[sflag:s0] =	ssyncset.done @!p0 $0x0  }
0xb7: {  	[sflag:s0] =	ssyncadd.s32 @!p0 s1  }
0xb8: {  	[bflag:$0x3] =	sbarrier.arrive $0xFFFF  }
0xb9: {  	_ =	shalt  }

// kernel: kernel.20.cloned.1.call-start
scs
__scs_entry_jumppad:
0x0: {  	(pc) =	sbr.rel $0x88, $3  }
0x1: {  	(tag) =	ssettag $0x0;
	lr =	simm.s32 $0x1  }
0x2: {  	[smem:$0x3F99] =	sst lr;
	_ =	strace $0xD0000000  }
0x3: {  	_ = 	snop  }
0x4: {  	_ = 	snop  }
0x5: {  	_ = 	snop  }
0x6: {  	_ = 	snop  }
0x7: {  	_ = 	snop  }
__scs_overlays_trampoline_lowered:
0x8: {  	[smem:$0x3FA8] =	sst s0  }
0x9: {  	[smem:$0x3FA9] =	sst s1  }
0xa: {  	[smem:$0x3FAA] =	sst s2  }
0xb: {  	[smem:$0x3FAB] =	sst s3  }
0xc: {  	[smem:$0x3FAC] =	sst s4  }
0xd: {  	[smem:$0x3FAD] =	sst s5  }
0xe: {  	[smem:$0x3FAE] =	sst s6  }
0xf: {  	[smem:$0x3FAF] =	sst s7  }
0x10: {  	[smem:$0x3FB0] =	sst s8  }
0x11: {  	[smem:$0x3FB1] =	sst s9;
	s0 =	simm.s32 @!p0 $0x0  }
0x12: {  	s1 =	sld [smem:$0x3F97];
	s0 =	simm.s32 @p0 $0x1  }
0x13: {  	[smem:$0x3FB2] =	sst s0;
	s0 =	simm.s32 @!p1 $0x0  }
0x14: {  	s2 =	sld [smem:$0x3F96];
	s0 =	simm.s32 @p1 $0x1  }
0x15: {  	[smem:$0x3FB3] =	sst s0;
	s0 =	simm.s32 @!p2 $0x0  }
0x16: {  	s3 =	sld [smem:$0x3FDB];
	s0 =	simm.s32 @p2 $0x1  }
0x17: {  	s4 =	simm.s32 $0x1BF5;
	[smem:$0x3FB5] =	sst s0  }
0x18: {  	s0 =	sld [smem:$0x3F98];
	_ =	swait.ge [sflag:s4], $0x0  }
0x19: {  	s7 =	sld [smem:$0x3F99]  }
0x1a: {  	s8 =	sadd.s32 $0xFFFFE003, lr  }
0x1b: {  	s9 =	sadd.s32 $0xFFFFFEF7, lr;
	s5 =	simm.s32 $0xFFFFFFFF;
	p2 =	slt.u32 s8, $0xFFFFF086  }
0x1c: {  	p1 =	slt.u32 s9, $0xF7A;
	s5 =	simm.s32 @!p2 $0x0  }
0x1d: {  	s5 =	simm.s32 @p1 $0x1;
	p0 =	seq.s32 s7, s2  }
0x1e: {  	s7 =	smul.u32 @!p0 $0xF7A, s2;
	p2 =	seq.s32 @!p0 s5, $0x0  }
0x1f: {  	s9 =	smul.u32 $0xF7A, s1;
	s8 =	simm.s32 @!p0 $0x1BF5;
	p2 =	por !p2, p0  }
0x20: {  	[sflag:s8] =	ssyncset.s32 @!p0 $0xFFFFF086;
	s6 =	sadd.s32 @!p0 s3, s7;
	s7 =	simm.s32 @!p0 $0x108  }
0x21: {  	s3 =	sadd.s32 s3, s9;
	s6 =	sadd.s32 @!p0 $0x88, s6;
	s7 =	simm.s32 @p2 $0x1082  }
0x22: {  	[simem:s7], [sflag:s8] =	dma.local @!p0 [hbm:s6], $0xF7A  }
0x23: {  	s9 =	sor.u32 $0xD0000000, s2;
	s6 =	simm.s32 $0x108;
	_ =	swait.ge @!p0 [sflag:s8], $0x0  }
0x24: {  	s3 =	sadd.s32 $0x88, s3;
	s6 =	simm.s32 @!p1 $0x1082;
	[sflag:s4] =	ssyncset.s32 $0xFFFFF086  }
0x25: {  	[simem:s6], [sflag:s4] =	dma.local [hbm:s3], $0xF7A  }
0x26: {  	[smem:$0x3F99] =	sst s1;
	(tag) =	ssettag s2;
	_ =	strace s9  }
0x27: {  	s1 =	sld [smem:$0x3FA9]  }
0x28: {  	s2 =	sld [smem:$0x3FAA]  }
0x29: {  	s4 =	sld [smem:$0x3FAC]  }
0x2a: {  	p0 =	seq.s32 s5, $0x0;
	s5 =	sld [smem:$0x3FAD]  }
0x2b: {  	s6 =	sld [smem:$0x3FAE]  }
0x2c: {  	s7 =	sld [smem:$0x3FAF]  }
0x2d: {  	s3 =	simm.s32 $0x108;
	s8 =	sld [smem:$0x3FB0]  }
0x2e: {  	s3 =	simm.s32 @!p0 $0x1082;
	s9 =	sld [smem:$0x3FB1]  }
0x2f: {  	lr =	sadd.s32 s0, s3;
	s0 =	sld [smem:$0x3FA8]  }
0x30: {  	s3 =	sld [smem:$0x3FAB]  }
0x31: {  	[smem:$0x3FB4] =	sst s10  }
0x32: {  	s10 =	sld [smem:$0x3FB2];
	_ =	sdelay $0x3  }
0x33: {  	p0 =	seq.s32 s10, $0x1;
	s10 =	sld [smem:$0x3FB4];
	_ =	sdelay $0x3  }
0x34: {  	[smem:$0x3FB4] =	sst s10  }
0x35: {  	s10 =	sld [smem:$0x3FB3];
	_ =	sdelay $0x3  }
0x36: {  	p1 =	seq.s32 s10, $0x1;
	s10 =	sld [smem:$0x3FB4];
	_ =	sdelay $0x3  }
0x37: {  	[smem:$0x3FB4] =	sst s10  }
0x38: {  	s10 =	sld [smem:$0x3FB5]  }
0x39: {  	_ = 	snop;
	(pc) =	sbr.ind lr, $3  }
0x3a: {  	_ = 	snop  }
0x3b: {  	_ = 	snop  }
0x3c: {  	p2 =	seq.s32 s10, $0x1;
	s10 =	sld [smem:$0x3FB4]  }
0x3d: {  	_ =	shalt  }
0x3e: {  	_ =	shalt  }
0x3f: {  	_ =	shalt  }
0x40: {  	_ =	shalt  }
0x41: {  	_ =	shalt  }
0x42: {  	_ =	shalt  }
0x43: {  	_ =	shalt  }
0x44: {  	_ =	shalt  }
0x45: {  	_ =	shalt  }
0x46: {  	_ =	shalt  }
0x47: {  	_ =	shalt  }
0x48: {  	_ =	shalt  }
0x49: {  	_ =	shalt  }
0x4a: {  	_ =	shalt  }
0x4b: {  	_ =	shalt  }
0x4c: {  	_ =	shalt  }
0x4d: {  	_ =	shalt  }
0x4e: {  	_ =	shalt  }
0x4f: {  	_ =	shalt  }
0x50: {  	_ =	shalt  }
0x51: {  	_ =	shalt  }
0x52: {  	_ =	shalt  }
0x53: {  	_ =	shalt  }
0x54: {  	_ =	shalt  }
0x55: {  	_ =	shalt  }
0x56: {  	_ =	shalt  }
0x57: {  	_ =	shalt  }
0x58: {  	_ =	shalt  }
0x59: {  	_ =	shalt  }
0x5a: {  	_ =	shalt  }
0x5b: {  	_ =	shalt  }
0x5c: {  	_ =	shalt  }
0x5d: {  	_ =	shalt  }
0x5e: {  	_ =	shalt  }
0x5f: {  	_ =	shalt  }
0x60: {  	_ =	shalt  }
0x61: {  	_ =	shalt  }
0x62: {  	_ =	shalt  }
0x63: {  	_ =	shalt  }
0x64: {  	_ =	shalt  }
0x65: {  	_ =	shalt  }
0x66: {  	_ =	shalt  }
0x67: {  	_ =	shalt  }
0x68: {  	_ =	shalt  }
0x69: {  	_ =	shalt  }
0x6a: {  	_ =	shalt  }
0x6b: {  	_ =	shalt  }
0x6c: {  	_ =	shalt  }
0x6d: {  	_ =	shalt  }
0x6e: {  	_ =	shalt  }
0x6f: {  	_ =	shalt  }
0x70: {  	_ =	shalt  }
0x71: {  	_ =	shalt  }
0x72: {  	_ =	shalt  }
0x73: {  	_ =	shalt  }
0x74: {  	_ =	shalt  }
0x75: {  	_ =	shalt  }
0x76: {  	_ =	shalt  }
0x77: {  	_ =	shalt  }
0x78: {  	_ =	shalt  }
0x79: {  	_ =	shalt  }
0x7a: {  	_ =	shalt  }
0x7b: {  	_ =	shalt  }
0x7c: {  	_ =	shalt  }
0x7d: {  	_ =	shalt  }
0x7e: {  	_ =	shalt  }
0x7f: {  	_ =	shalt  }
0x80: {  	_ =	shalt  }
0x81: {  	_ =	shalt  }
0x82: {  	_ =	shalt  }
0x83: {  	_ =	shalt  }
0x84: {  	_ =	shalt  }
0x85: {  	_ =	shalt  }
0x86: {  	_ =	shalt  }
0x87: {  	_ =	shalt  }
.Lfunc_end0:
.L_simem_size_0:
called_computation.3_lowered:
.L_overlay_start_0:
0x88: {  	s2 =	sld [smem:$0x3FD9]  }
0x89: {  	s3 =	sld [smem:$0x3FFE];
	_ =	sdelay $0x1  }
0x8a: {  	s1 =	srdreg.scid  }
0x8b: {  	s0 =	sand.u32 $0x1, s1  }
0x8c: {  	s16 =	sshll.u32 s0, $0xA;
	s2 =	sadd.s32 s3, s2  }
0x8d: {  	s2 =	sadd.s32 s2, s16  }
0x8e: {  	[smem:$0x3FC0] =	sst s2  }
0x8f: {  	_ = 	snop  }
0x90: {  	(tm) =	ssettm $0x1  }
0x91: {  	s17 =	sld [smem:$0x3FFB];
	_ =	sdelay $0x3  }
0x92: {  	_ =	strace s17  }
0x93: {  	s2 =	sld [smem:$0x3FFC];
	_ =	sdelay $0x3  }
0x94: {  	_ =	strace s2  }
0x95: {  	s2 =	sld [smem:$0x3FFD];
	_ =	sdelay $0x3  }
0x96: {  	_ =	strace s2  }
0x97: {  	_ =	strace $0x8FFFFFFF  }
0x98: {  	s18 =	sld [smem:$0x3FDB];
	_ =	sdelay $0x1  }
0x99: {  	s19 =	simm.s32 $_scs_section_size  }
0x9a: {  	s4 =	simm.s32 $_size__tile_overlayer_lowered;
	s5 =	simm.s32 $_tile_overlayer_lowered  }
0x9b: {  	s22 =	simm.s32 $0x1BFF;
	s21 =	sshll.u32 s5, $0x1;
	s2 =	sadd.s32 s19, s18  }
0x9c: {  	s6 =	simm.s32 $0x0;
	s20 =	sshll.u32 s4, $0x1;
	s4 =	sadd.s32 s21, s2  }
0x9d: {  	[timem:s6], [sflag:s22] =	dma.local [hbm:s4], s20  }
0x9e: {  	_ =	swait.ge [sflag:s22], s20  }
0x9f: {  	s3 =	ssub.s32 $0x0, s20;
	[sflag:s22] =	ssyncset.done $0x0  }
0xa0: {  	[sflag:s22] =	ssyncadd.s32 s3;
	_ =	sdelay $0x1  }
0xa1: {  	s23 =	simm.s32 $0x1B8B  }
0xa2: {  	_ =	swait.ge [sflag:s23], $0x1  }
0xa3: {  	[sflag:s23] =	ssyncset.done $0x0  }
0xa4: {  	s25 =	simm.s32 $0x1B8E;
	s24 =	sld [smem:$0x3FFE];
	[sflag:s23] =	ssyncadd.s32 $0xFFFFFFFF  }
0xa5: {  	s26 =	simm.s32 $execute0_lowered;
	[smem:$0x3FD2] =	sst s25  }
0xa6: {  	s4 =	sshll.u32 s26, $0x1;
	_ =	strace $0x8000004F;
	[dreg:$0x1] =	wrdreg $0xFFFFFFFF  }
0xa7: {  	s28 =	simm.s32 $_size_execute0_lowered;
	s2 =	sadd.s32 s2, s4;
	[dreg:$0x0] =	wrdreg $0x0  }
0xa8: {  	s4 =	sshll.u32 s28, $0x1;
	[dreg:$0x2] =	wrdreg s2  }
0xa9: {  	[dreg:$0x3] =	wrdreg s4  }
0xaa: {  	[dreg:$0x4] =	wrdreg $0xC0  }
0xab: {  	_ =	task [dreg:s6], $0x5FFFF  }
0xac: {  	[dreg:$0x1] =	wrdreg $0xFFFFFFFF  }
0xad: {  	[dreg:$0x0] =	wrdreg $0x60  }
0xae: {  	[dreg:$0x2] =	wrdreg s24  }
0xaf: {  	[dreg:$0x3] =	wrdreg $0x88000  }
0xb0: {  	[dreg:$0x4] =	wrdreg $0x9  }
0xb1: {  	_ =	task.clear_ibuf [dreg:s6], $0x5FFFF;
	_ =	strace $0x9000004F  }
0xb2: {  	s29 =	simm.s32 $0x9;
	_ =	strace $0x80000051  }
0xb3: {  	_ =	swait.ge [sflag:s29], $0x1  }
0xb4: {  	[sflag:s29] =	ssyncadd.s32 $0xFFFFFFFF  }
0xb5: {  	_ =	strace $0x90000051  }
0xb6: {  	_ =	sfence  }
0xb7: {  	s30 =	sld [smem:$0x0];
	_ =	sdelay $0x2  }
0xb8: {  	s31 =	sshll.u32 s1, $0xD;
	s1 =	sshrl.u32 s1, $0x2  }
0xb9: {  	s3 =	sand.u32 $0x4000, s31;
	s1 =	sadd.s32 s1, s30  }
0xba: {  	s0 =	sor.u32 s3, s0;
	s1 =	sshll.u32 s1, $0x11  }
0xbb: {  	s0 =	sor.u32 s1, s0  }
0xbc: {  	s0 =	sadd.s32 $0x8F2B, s0  }
0xbd: {  	[sflag:s0] =	ssyncadd.remote.s32 $0x1  }
0xbe: {  	_ =	sfence.sel $0xFFFF  }
0xbf: {  	[dreg:$0x0] =	wrdreg $0xFFFFFFFF;
	(pc) =	sbr.abs _section_cstart, $3  }
0xc0: {  	[dreg:$0x1] =	wrdreg $0xFFFFFFFF  }
0xc1: {  	_ =	task.clear_ibuf [dreg:s6], $0x2FFFF;
	_ =	strace $0x9FFFFFFF  }
0xc2: {  	(tm) =	ssettm $0x7FFFFFFF  }
0xc3: {  	_ =	shalt  }
tec
execute0_lowered:
.L_overlay_start_1:
0x0: {  	(tag) =	ssettag $0x1  }
0x1: {  	s0 =	rddreg [dreg:$0x0]  }
0x2: {  	s1 =	rddreg [dreg:$0x1];
	s2 =	srdreg.scid  }
0x3: {  	s3 =	simm.s32 $0x0;
	s12 =	stileid.u32;
	s28 =	simm.s32 $0x4  }
0x4: {  	s29 =	simm.s32 $0x3;
	s30 =	simm.s32 $0x1C00;
	s8 =	smul.u32 $0x8C00, s12  }
0x5: {  	s31 =	simm.s32 $0x50;
	s2 =	sand.u32 $0x1, s2;
	s11 =	smul.u32 $0x14000, s12  }
0x6: {  	[smem:$0x7FF] =	sst s3;
	s5 =	sadd.s32 $0x14A600, s0;
	s12 =	smul.u32 $0x50000, s12  }
0x7: {  	s4 =	sadd.s32 $0x2400, s0;
	s6 =	sadd.s32 $0x127600, s0;
	s7 =	smul.u32 $0x8C000, s2  }
0x8: {  	s0 =	sadd.s32 $0x50600, s0;
	s9 =	smul.u32 $0x140000, s2;
	s2 =	ssub.s32 $0x2, s2  }
0x9: {  	_ =	strace $0x80000050;
	s10 =	sshrl.u32 s2, $0x1;
	s23 =	sshrl.u32 s12, $0x2  }
0xa: {  	s26 =	sadd.s32 $0x4000, s11;
	s17 =	sadd.s32 $0x8000, s11;
	s2 =	ssub.s32 s2, s10  }
0xb: {  	s21 =	sadd.s32 s9, s11;
	s10 =	sadd.s32 s23, s1;
	s2 =	smax.u32 s2, $0x1  }
0xc: {  	s7 =	sadd.s32 s8, s7;
	s24 =	sadd.s32 $0x2800, s10;
	[dreg:$0x4] =	wrdreg s2  }
0xd: {  	s14 =	sadd.s32 s9, s26;
	s25 =	sadd.s32 $0x5000, s10;
	[dreg:$0x5] =	wrdreg s24  }
0xe: {  	s23 =	sadd.s32 s26, s1;
	s12 =	sadd.s32 $0x7800, s10;
	[dreg:$0x6] =	wrdreg s25  }
0xf: {  	s22 =	sshrl.u32 s21, $0x3;
	s13 =	sadd.s32 $0xA000, s10;
	[dreg:$0x7] =	wrdreg s12  }
0x10: {  	s15 =	sadd.s32 $0xC800, s10;
	s16 =	sadd.s32 $0xF000, s10;
	[dreg:$0x8] =	wrdreg s13  }
0x11: {  	s21 =	sadd.s32 $0x11800, s10;
	s8 =	sadd.s32 s0, s22;
	[dreg:$0x9] =	wrdreg s15  }
0x12: {  	[dreg:$0xa] =	wrdreg s16;
	s22 =	sadd.s32 $0xC000, s11;
	s13 =	sadd.s32 s9, s17  }
0x13: {  	s11 =	sadd.s32 $0x10000, s11;
	s24 =	sadd.s32 s17, s1;
	s2 =	simm.s32 $0x6000  }
0x14: {  	s12 =	simm.s32 $0x3480;
	[dreg:$0x3] =	wrdreg s8;
	s8 =	sshrl.u32 s14, $0x3  }
0x15: {  	s14 =	sadd.s32 s9, s22;
	s13 =	sshrl.u32 s13, $0x3;
	s9 =	sadd.s32 s9, s11  }
0x16: {  	s25 =	sadd.s32 s22, s1;
	s26 =	sadd.s32 s11, s1;
	s22 =	sshrl.u32 s23, $0x3  }
0x17: {  	s23 =	sshrl.u32 s24, $0x3;
	s11 =	simm.s32 $0x3400;
	s8 =	sadd.s32 s0, s8  }
0x18: {  	s14 =	sshrl.u32 s14, $0x3;
	s18 =	sadd.s32 s0, s13;
	s9 =	sshrl.u32 s9, $0x3  }
0x19: {  	s24 =	sshrl.u32 s25, $0x3;
	s25 =	sshrl.u32 s26, $0x3;
	s26 =	simm.s32 $0x3800  }
0x1a: {  	[dreg:$0xb] =	wrdreg s8;
	s19 =	sadd.s32 s0, s14;
	s20 =	sadd.s32 s0, s9  }
0x1b: {  	v0 =	vimm.f32 $0.0e+00;
	s0 =	simm.s32 $0x80;
	s8 =	simm.s32 $0x1;
	s9 =	simm.s32 $0x2  }
.LBB2_1:
0x1c: {  	s13 =	simm.s32 $0x70;
	s14 =	simm.s32 $0x3C0  }
.LBB2_2:
0x1d: {  	p0 =	sne.s32 s14, $0x9FC0;
	[tilespmem:s13+$0x3800] =	vst v0  }
0x1e: {  	[tilespmem:s13+$0x3790] =	vst v0  }
0x1f: {  	[tilespmem:s13+$0x37A0] =	vst v0  }
.Ltmp0:
0x20: {  	[tilespmem:s13+$0x37B0] =	vst v0;
	(pc) =	sbr.rel @p0 .LBB2_2-.Ltmp0, $4  }
0x21: {  	[tilespmem:s13+$0x37C0] =	vst v0  }
0x22: {  	[tilespmem:s13+$0x37D0] =	vst v0  }
0x23: {  	[tilespmem:s13+$0x37E0] =	vst v0  }
0x24: {  	[tilespmem:s13+$0x37F0] =	vst v0;
	s13 =	sshra.s32 s14, $0x2;
	s14 =	sadd.s32 $0x200, s14  }
0x25: {  	[tilespmem:s13+$0x3800] =	vst v0  }
0x26: {  	[tilespmem:s13+$0x3790] =	vst v0  }
0x27: {  	[tilespmem:s13+$0x37A0] =	vst v0  }
0x28: {  	[tilespmem:s13+$0x37B0] =	vst v0  }
0x29: {  	[tilespmem:s13+$0x37C0] =	vst v0  }
0x2a: {  	[tilespmem:s13+$0x37D0] =	vst v0  }
0x2b: {  	[tilespmem:s13+$0x37E0] =	vst v0  }
0x2c: {  	[tilespmem:s13+$0x37F0] =	vst v0  }
0x2d: {  	[spmem:s10] =	stream.linear.scatter [tilespmem:s26], [sflag:$0x4], $0x2800, $0x38;
	[tilespmem:$0x1C800] =	vst v63  }
0x2e: {  	_ =	swait.ge [sflag:s28], $0x2800  }
0x2f: {  	[sflag:s28] =	ssyncset.done $0x0  }
0x30: {  	s16 =	rddreg [dreg:$0x5];
	[sflag:s28] =	ssyncadd.s32 $0xFFFFD800  }
0x31: {  	[spmem:s16] =	stream.linear.scatter [tilespmem:s26], [sflag:$0x4], $0x2800, $0x38;
	[tilespmem:$0x1C800] =	vst v63  }
0x32: {  	_ =	swait.ge [sflag:s28], $0x2800  }
0x33: {  	[sflag:s28] =	ssyncset.done $0x0  }
0x34: {  	s17 =	rddreg [dreg:$0x6];
	[sflag:s28] =	ssyncadd.s32 $0xFFFFD800  }
0x35: {  	[spmem:s17] =	stream.linear.scatter [tilespmem:s26], [sflag:$0x4], $0x2800, $0x38;
	[tilespmem:$0x1C800] =	vst v63  }
0x36: {  	_ =	swait.ge [sflag:s28], $0x2800  }
0x37: {  	[sflag:s28] =	ssyncset.done $0x0  }
0x38: {  	s14 =	rddreg [dreg:$0x7];
	[sflag:s28] =	ssyncadd.s32 $0xFFFFD800  }
0x39: {  	[spmem:s14] =	stream.linear.scatter [tilespmem:s26], [sflag:$0x4], $0x2800, $0x38;
	[tilespmem:$0x1C800] =	vst v63  }
0x3a: {  	_ =	swait.ge [sflag:s28], $0x2800  }
0x3b: {  	[sflag:s28] =	ssyncset.done $0x0  }
0x3c: {  	s15 =	rddreg [dreg:$0x8];
	[sflag:s28] =	ssyncadd.s32 $0xFFFFD800  }
0x3d: {  	[spmem:s15] =	stream.linear.scatter [tilespmem:s26], [sflag:$0x4], $0x2800, $0x38;
	[tilespmem:$0x1C800] =	vst v63  }
0x3e: {  	_ =	swait.ge [sflag:s28], $0x2800  }
0x3f: {  	[sflag:s28] =	ssyncset.done $0x0  }
0x40: {  	s16 =	rddreg [dreg:$0x9];
	[sflag:s28] =	ssyncadd.s32 $0xFFFFD800  }
0x41: {  	[spmem:s16] =	stream.linear.scatter [tilespmem:s26], [sflag:$0x4], $0x2800, $0x38;
	[tilespmem:$0x1C800] =	vst v63  }
0x42: {  	_ =	swait.ge [sflag:s28], $0x2800  }
0x43: {  	[sflag:s28] =	ssyncset.done $0x0  }
0x44: {  	s17 =	rddreg [dreg:$0xa];
	[sflag:s28] =	ssyncadd.s32 $0xFFFFD800  }
0x45: {  	[spmem:s17] =	stream.linear.scatter [tilespmem:s26], [sflag:$0x4], $0x2800, $0x38;
	[tilespmem:$0x1C800] =	vst v63  }
0x46: {  	_ =	swait.ge [sflag:s28], $0x2800  }
0x47: {  	[sflag:s28] =	ssyncset.done $0x0  }
0x48: {  	[sflag:s28] =	ssyncadd.s32 $0xFFFFD800  }
0x49: {  	[spmem:s21] =	stream.linear.scatter [tilespmem:s26], [sflag:$0x4], $0x2800, $0x38;
	[tilespmem:$0x1C800] =	vst v63  }
0x4a: {  	_ =	swait.ge [sflag:s28], $0x2800  }
0x4b: {  	[sflag:s28] =	ssyncset.done $0x0  }
0x4c: {  	[sflag:s28] =	ssyncadd.s32 $0xFFFFD800  }
0x4d: {  	s13 =	simm.s32 $0x0;
	s14 =	simm.s32 $0x0;
	[bflag:$0x0] =	sbarrier.arrive $0xFFFF  }
.LBB2_4:
0x4e: {  	s15 =	smul.u32 $0x1C00, s14;
	_ =	sdelay $0x1  }
0x4f: {  	s15 =	sadd.s32 s15, s7  }
0x50: {  	s15 =	sshrl.u32 s15, $0x3  }
0x51: {  	s16 =	sadd.s32 s5, s15  }
0x52: {  	[tilespmem:s13], [sflag:$0x3] =	stream.linear.gather [hbm4b:s16+s13], $0x1900, $0x38;
	[tilespmem:$0x1C800] =	vst v63  }
0x53: {  	_ =	swait.ge [sflag:s29], $0x1900  }
0x54: {  	[sflag:s29] =	ssyncset.done $0x0  }
0x55: {  	s15 =	sadd.s32 s6, s15;
	[sflag:s29] =	ssyncadd.s32 $0xFFFFE700  }
0x56: {  	[tilespmem:s30], [sflag:$0x3] =	stream.linear.gather [hbm4b:s15+s13], $0x1900, $0x38;
	[tilespmem:$0x1C800] =	vst v63  }
0x57: {  	_ =	swait.ge [sflag:s29], $0x1900  }
0x58: {  	[sflag:s29] =	ssyncset.done $0x0  }
0x59: {  	[sflag:s29] =	ssyncadd.s32 $0xFFFFE700  }
0x5a: {  	[tilespmem:s26], [sflag:$0x1] =	stream.indirect.gather [hbm4b:s4+s31], $0x80, s13, s31, $0xb8;
	[tilespmem:$0x1C800] =	vst v63  }
0x5b: {  	_ = 	snop  }
0x5c: {  	[tilespmem:s2], [sflag:$0x2] =	stream.indirect.gather [hbm4b:s4+s31], $0x80, s0, s31, $0xb8;
	[tilespmem:$0x1C800] =	vst v63  }
0x5d: {  	_ =	swait.ge [sflag:s8], $0x2800  }
0x5e: {  	[sflag:s8] =	ssyncset.done $0x0  }
0x5f: {  	s17 =	simm.s32 $0x1C00;
	[sflag:s8] =	ssyncadd.s32 $0xFFFFD800  }
0x60: {  	[spmem:s1] =	stream.indirect.scatter.add.f32 [tilespmem:s26], [sflag:$0x4], $0x80, s17, s31, $0xb8;
	[tilespmem:$0x1C800] =	vst v63  }
0x61: {  	_ =	swait.ge [sflag:s28], $0x2800  }
0x62: {  	[sflag:s28] =	ssyncset.done $0x0  }
0x63: {  	s16 =	simm.s32 $0x100;
	[sflag:s28] =	ssyncadd.s32 $0xFFFFD800  }
0x64: {  	[tilespmem:s26], [sflag:$0x1] =	stream.indirect.gather [hbm4b:s4+s31], $0x80, s16, s31, $0xb8;
	[tilespmem:$0x1C800] =	vst v63  }
0x65: {  	_ =	swait.ge [sflag:s9], $0x2800  }
0x66: {  	[sflag:s9] =	ssyncset.done $0x0  }
0x67: {  	s17 =	simm.s32 $0x1C80;
	[sflag:s9] =	ssyncadd.s32 $0xFFFFD800  }
0x68: {  	[spmem:s1] =	stream.indirect.scatter.add.f32 [tilespmem:s2], [sflag:$0x4], $0x80, s17, s31, $0xb8;
	[tilespmem:$0x1C800] =	vst v63  }
0x69: {  	_ =	swait.ge [sflag:s28], $0x2800  }
0x6a: {  	[sflag:s28] =	ssyncset.done $0x0  }
0x6b: {  	s15 =	simm.s32 $0x400;
	s16 =	simm.s32 $0x180;
	[sflag:s28] =	ssyncadd.s32 $0xFFFFD800  }
.LBB2_5:
0x6c: {  	[tilespmem:s2], [sflag:$0x2] =	stream.indirect.gather [hbm4b:s4+s31], $0x80, s16, s31, $0xb8;
	[tilespmem:$0x1C800] =	vst v63  }
0x6d: {  	s16 =	smov.u32 s15  }
0x6e: {  	p0 =	sne.s32 s15, $0x5C00;
	s15 =	sadd.s32 $0x400, s15;
	_ =	swait.ge [sflag:s8], $0x2800  }
0x6f: {  	s16 =	sshra.s32 s16, $0x2;
	[sflag:s8] =	ssyncset.done $0x0  }
0x70: {  	s17 =	sadd.s32 $0x1C00, s16;
	[sflag:s8] =	ssyncadd.s32 $0xFFFFD800  }
0x71: {  	[spmem:s1] =	stream.indirect.scatter.add.f32 [tilespmem:s26], [sflag:$0x4], $0x80, s17, s31, $0xb8;
	[tilespmem:$0x1C800] =	vst v63  }
0x72: {  	_ =	swait.ge [sflag:s28], $0x2800  }
0x73: {  	[sflag:s28] =	ssyncset.done $0x0  }
0x74: {  	s17 =	sadd.s32 $0x100, s16;
	[sflag:s28] =	ssyncadd.s32 $0xFFFFD800  }
0x75: {  	[tilespmem:s26], [sflag:$0x1] =	stream.indirect.gather [hbm4b:s4+s31], $0x80, s17, s31, $0xb8;
	[tilespmem:$0x1C800] =	vst v63  }
0x76: {  	_ =	swait.ge [sflag:s9], $0x2800  }
0x77: {  	[sflag:s9] =	ssyncset.done $0x0  }
.Ltmp1:
0x78: {  	s17 =	sadd.s32 $0x1C80, s16;
	[sflag:s9] =	ssyncadd.s32 $0xFFFFD800;
	(pc) =	sbr.rel @p0 .LBB2_5-.Ltmp1, $4  }
0x79: {  	[spmem:s1] =	stream.indirect.scatter.add.f32 [tilespmem:s2], [sflag:$0x4], $0x80, s17, s31, $0xb8;
	[tilespmem:$0x1C800] =	vst v63  }
0x7a: {  	_ =	swait.ge [sflag:s28], $0x2800  }
0x7b: {  	[sflag:s28] =	ssyncset.done $0x0  }
0x7c: {  	s16 =	sadd.s32 $0x180, s16;
	[sflag:s28] =	ssyncadd.s32 $0xFFFFD800  }
0x7d: {  	[tilespmem:s2], [sflag:$0x2] =	stream.indirect.gather [hbm4b:s4+s31], $0x80, s16, s31, $0xb8;
	[tilespmem:$0x1C800] =	vst v63  }
0x7e: {  	_ =	swait.ge [sflag:s8], $0x2800  }
0x7f: {  	[sflag:s8] =	ssyncset.done $0x0  }
0x80: {  	[sflag:s8] =	ssyncadd.s32 $0xFFFFD800  }
0x81: {  	[spmem:s1] =	stream.indirect.scatter.add.f32 [tilespmem:s26], [sflag:$0x4], $0x80, s11, s31, $0xb8;
	[tilespmem:$0x1C800] =	vst v63  }
0x82: {  	_ =	swait.ge [sflag:s28], $0x2800  }
0x83: {  	[sflag:s28] =	ssyncset.done $0x0  }
0x84: {  	[sflag:s28] =	ssyncadd.s32 $0xFFFFD800  }
0x85: {  	s14 =	sadd.s32 $0x1, s14;
	_ =	swait.ge [sflag:s9], $0x2800  }
0x86: {  	p0 =	sne.s32 s14, $0x5;
	[sflag:s9] =	ssyncset.done $0x0  }
.Ltmp2:
0x87: {  	[sflag:s9] =	ssyncadd.s32 $0xFFFFD800;
	(pc) =	sbr.rel @p0 .LBB2_4-.Ltmp2, $4  }
0x88: {  	[spmem:s1] =	stream.indirect.scatter.add.f32 [tilespmem:s2], [sflag:$0x4], $0x80, s12, s31, $0xb8;
	[tilespmem:$0x1C800] =	vst v63  }
0x89: {  	_ =	swait.ge [sflag:s28], $0x2800  }
0x8a: {  	[sflag:s28] =	ssyncset.done $0x0  }
0x8b: {  	[sflag:s28] =	ssyncadd.s32 $0xFFFFD800  }
0x8c: {  	s13 =	stileid.u32  }
0x8d: {  	[bflag:$0x0] =	sbarrier.arrive $0xFFFF;
	s13 =	sshll.u32 s13, $0x6  }
0x8e: {  	s14 =	sshrl.u32 s10, $0x3;
	s15 =	rddreg [dreg:$0x3];
	s13 =	sor.u32 $0x1C04, s13  }
0x8f: {  	[hbm:s15], [sflag:s13] =	dma.local [spmem:s14], $0x800  }
0x90: {  	_ =	swait.ge [sflag:s28], $0x800  }
0x91: {  	[sflag:s28] =	ssyncset.done $0x0  }
0x92: {  	s16 =	rddreg [dreg:$0xb];
	[sflag:s28] =	ssyncadd.s32 $0xFFFFF800  }
0x93: {  	[hbm:s16], [sflag:s13] =	dma.local [spmem:s22], $0x800  }
0x94: {  	_ =	swait.ge [sflag:s28], $0x800  }
0x95: {  	[sflag:s28] =	ssyncset.done $0x0  }
0x96: {  	[sflag:s28] =	ssyncadd.s32 $0xFFFFF800  }
0x97: {  	[hbm:s18], [sflag:s13] =	dma.local [spmem:s23], $0x800  }
0x98: {  	_ =	swait.ge [sflag:s28], $0x800  }
0x99: {  	[sflag:s28] =	ssyncset.done $0x0  }
0x9a: {  	[sflag:s28] =	ssyncadd.s32 $0xFFFFF800  }
0x9b: {  	[hbm:s19], [sflag:s13] =	dma.local [spmem:s24], $0x800  }
0x9c: {  	_ =	swait.ge [sflag:s28], $0x800  }
0x9d: {  	[sflag:s28] =	ssyncset.done $0x0  }
0x9e: {  	[sflag:s28] =	ssyncadd.s32 $0xFFFFF800  }
0x9f: {  	[hbm:s20], [sflag:s13] =	dma.local [spmem:s25], $0x800  }
0xa0: {  	_ =	swait.ge [sflag:s28], $0x800  }
0xa1: {  	s3 =	sadd.s32 $0x1, s3;
	s17 =	rddreg [dreg:$0x4]  }
0xa2: {  	p0 =	sne.s32 s3, s17  }
.Ltmp3:
0xa3: {  	_ = 	snop;
	(pc) =	sbr.rel @p0 .LBB2_1-.Ltmp3, $3  }
0xa4: {  	_ =	sdelay $0x1  }
0xa5: {  	[sflag:s28] =	ssyncset.done $0x0  }
0xa6: {  	[sflag:s28] =	ssyncadd.s32 $0xFFFFF800  }
0xa7: {  	_ =	sfence.sel $0x180000  }
0xa8: {  	[bflag:$0x0] =	sbarrier.arrive $0xFFFF  }
0xa9: {  	_ =	strace $0x90000050  }
0xaa: {  	s0 =	stileid.u32;
	[bflag:$0x2] =	sbarrier.arrive $0xFFFF  }
0xab: {  	p0 =	sne.s32 s0, $0x0;
	s0 =	rddreg [dreg:$0x2]  }
0xac: {  	s0 =	sadd.s32 @!p0 $0x100000, s0  }
0xad: {  	[sflag:s0] =	ssyncadd.tile.s32 @!p0 $0x1;
	_ =	shalt  }
.Lfunc_end2:
_tile_overlayer_lowered:
.L_overlay_start_2:
0xae: {  	(tag) =	ssettag $0x2  }
0xaf: {  	s0 =	rddreg [dreg:$0x0];
	s2 =	stileid.u32  }
0xb0: {  	s1 =	rddreg [dreg:$0x1];
	p0 =	sne.s32 s2, $0x0  }
0xb1: {  	s3 =	rddreg [dreg:$0x2];
	[bflag:$0x3] =	sbarrier.arrive $0xFFFF;
	s2 =	simm.s32 @!p0 $0x1C04  }
0xb2: {  	[timem:s3], [sflag:s2] =	dma.local @!p0 [hbm:s0], s1  }
0xb3: {  	s0 =	simm.s32 @!p0 $0x4  }
0xb4: {  	_ =	swait.ge @!p0 [sflag:s0], s1  }
0xb5: {  	s1 =	ssub.s32 @!p0 $0x0, s1;
	[sflag:s0] =	ssyncset.done @!p0 $0x0  }
0xb6: {  	[sflag:s0] =	ssyncadd.s32 @!p0 s1  }
0xb7: {  	[bflag:$0x3] =	sbarrier.arrive $0xFFFF  }
0xb8: {  	_ =	shalt  }

</sc_bundles>
